<compile_context>
chip_gen: v7x
topology: tpu7x:2x2x1
jax: 0.10.2.dev20260603
libtpu: 0.0.44.dev20260713+nightly
codegen_flags: <defaults>
</compile_context>

<pallas_src>
import jax
import jax.numpy as jnp
from jax import lax
from jax.experimental import pallas as pl
from jax.experimental.pallas import tpu as pltpu
from jax.experimental.pallas import tpu_sc as plsc

H = 384
W = 384
N = H * W
NUM_KPT = 100
R = 3
NEG = float("-inf")
NT = 16


def _mp7(x):
    colpad = jnp.full((H, R), NEG, dtype=x.dtype)
    xp = jnp.concatenate([colpad, x, colpad], axis=1)
    h = xp[:, 0:W]
    for i in range(1, 2 * R + 1):
        h = jnp.maximum(h, xp[:, i:i + W])
    rowpad = jnp.full((R, W), NEG, dtype=x.dtype)
    yp = jnp.concatenate([rowpad, h, rowpad], axis=0)
    v = yp[0:H, :]
    for i in range(1, 2 * R + 1):
        v = jnp.maximum(v, yp[i:i + H, :])
    return v


def _tc_body(score_ref, idx_ref, pix_ref, m_ref, rmax_ref):
    x = score_ref[0, 0]

    mask = x == _mp7(x)
    for _ in range(2):
        suppf = _mp7(mask.astype(jnp.float32))
        supp = suppf > 0
        ss = jnp.where(supp, 0.0, x)
        nm = ss == _mp7(ss)
        mask = mask | (nm & (~supp))

    m = jnp.where(mask & (x > 0), x, NEG)
    m_ref[...] = m
    rmax_ref[...] = jnp.max(m, axis=1, keepdims=True)

    row_iota = lax.broadcasted_iota(jnp.int32, (H, 1), 0)
    col_iota = lax.broadcasted_iota(jnp.int32, (1, W), 1)
    k_iota = lax.broadcasted_iota(jnp.int32, (1, 128), 1)
    BIG = jnp.int32(1 << 30)

    def step(k, idxvec):
        rmax = rmax_ref[...]
        v = jnp.max(rmax)
        r = jnp.min(jnp.where(rmax == v, row_iota, BIG))
        row = m_ref[pl.ds(r, 1), :]
        c = jnp.min(jnp.where(row == v, col_iota, BIG))

        new_row = jnp.where(col_iota == c, NEG, row)
        m_ref[pl.ds(r, 1), :] = new_row
        rmax_ref[pl.ds(r, 1), :] = jnp.max(new_row, axis=1, keepdims=True)

        pix_ref[0, k, 0] = r
        pix_ref[0, k, 1] = c
        return jnp.where(k_iota == k, r * W + c, idxvec)

    idxvec = lax.fori_loop(0, NUM_KPT, step,
                           jnp.zeros((1, 128), jnp.int32))
    idx_ref[0] = idxvec


def _sc_body(idx_hbm, feat_hbm, pts_hbm,
             feas_hbm, pcols_hbm,
             bvec_ref, gidx_ref, grow_ref, pidx_ref, prow_ref, sem):
    wid = lax.axis_index("s")
    for b in range(2):
        pltpu.sync_copy(idx_hbm.at[b], bvec_ref)
        obv = tuple(bvec_ref[pl.ds(16 * v, 16)] for v in range(8))
        for j in range(8):
            cbase = (b * 128 + wid * 8 + j) * N
            for v in range(8):
                gidx_ref[j, pl.ds(16 * v, 16)] = obv[v] + cbase
        handles = []
        for j in range(8):
            hj = pltpu.make_async_copy(
                feat_hbm.at[gidx_ref.at[j]], grow_ref.at[j], sem)
            hj.start()
            handles.append(hj)
        for hj in handles:
            hj.wait()
        for j in range(8):
            pltpu.sync_copy(grow_ref.at[j], feas_hbm.at[b, wid * 8 + j])

        @pl.when(wid == 0)
        def _():
            for ch in range(2):
                pbase = (b * 4 + ch) * N
                for v in range(8):
                    pidx_ref[ch, pl.ds(16 * v, 16)] = obv[v] + pbase
            h0 = pltpu.make_async_copy(
                pts_hbm.at[pidx_ref.at[0]], prow_ref.at[0], sem)
            h0.start()
            h1 = pltpu.make_async_copy(
                pts_hbm.at[pidx_ref.at[1]], prow_ref.at[1], sem)
            h1.start()
            h0.wait()
            h1.wait()
            pltpu.sync_copy(prow_ref, pcols_hbm.at[b])


def _make_sc_kernel():
    mesh = plsc.VectorSubcoreMesh(core_axis_name="c", subcore_axis_name="s",
                                  num_cores=1, num_subcores=NT)
    return pl.kernel(
        _sc_body,
        out_type=[
            jax.ShapeDtypeStruct((2, 128, 128), jnp.float32),
            jax.ShapeDtypeStruct((2, 2, 128), jnp.float32),
        ],
        mesh=mesh,
        scratch_types=[
            pltpu.VMEM((128,), jnp.int32),
            pltpu.VMEM((8, 128), jnp.int32),
            pltpu.VMEM((8, 128), jnp.float32),
            pltpu.VMEM((2, 128), jnp.int32),
            pltpu.VMEM((2, 128), jnp.float32),
            pltpu.SemaphoreType.DMA,
        ],
    )


@jax.jit
def kernel(score_bev, points, feature_bev):
    bsz = score_bev.shape[0]
    idx_pad = jnp.broadcast_to(
        jnp.arange(128, dtype=jnp.int32)[None, None, :], (bsz, 1, 128))
    pix = jnp.zeros((bsz, NUM_KPT, 2), jnp.int32)

    feas_pad, pcols = _make_sc_kernel()(
        idx_pad.reshape(bsz, 128), feature_bev.reshape(-1),
        points.reshape(-1))

    feas = feas_pad[:, :, :NUM_KPT]
    p01 = pcols[:, :, :NUM_KPT]
    kpts = jnp.stack(
        [p01[:, 0], p01[:, 1],
         jnp.zeros((bsz, NUM_KPT), jnp.float32),
         jnp.ones((bsz, NUM_KPT), jnp.float32)], axis=-1)
    scores = score_bev.reshape(bsz, H, W)
    return kpts, feas, pix, scores

# --- scband reference (transcript-rebuilt; emitter-appended) ---
"""Pipeline reference for scband-bevhead-46557445489045 (READ-ONLY COPY).

The authoritative reference and input builder live on the scoring server;
editing this copy changes nothing except your own understanding.
"""

import jax, jax.numpy as jnp
import numpy as np

NUM_KPT = 100
NMS_RADIUS = 3
ITER = 2


def _max_pool(x, r):
    k = 2 * r + 1
    return jax.lax.reduce_window(x, -jnp.inf, jax.lax.max,
                                 (1, 1, k, k), (1, 1, 1, 1),
                                 [(0, 0), (0, 0), (r, r), (r, r)])


def simple_nms(scores, nms_radius=3, iteration=2):
    zeros = jnp.zeros_like(scores)
    max_mask = scores == _max_pool(scores, nms_radius)
    for _ in range(iteration):
        supp_mask = _max_pool(max_mask.astype(scores.dtype), nms_radius) > 0
        supp_scores = jnp.where(supp_mask, zeros, scores)
        new_max_mask = supp_scores == _max_pool(supp_scores, nms_radius)
        max_mask = max_mask | (new_max_mask & (~supp_mask))
    return jnp.where(max_mask, scores, zeros)


def setup_inputs(seed: int = 0):
    key = jax.random.key(seed)
    k1, k2, k3 = jax.random.split(key, 3)
    score_bev = jax.random.uniform(k1, (2, 1, 384, 384), dtype=jnp.float32)
    points = jax.random.uniform(k2, (2, 4, 384, 384), dtype=jnp.float32)
    feature_bev = jax.random.normal(k3, (2, 128, 384, 384), dtype=jnp.float32)
    return {"score_bev": score_bev, "points": points, "feature_bev": feature_bev}


def reference(score_bev, points, feature_bev):
    b, _, h, w = score_bev.shape
    # points[:, 2] = 0 ; points[:, 3] = 1 (as in torch forward)
    points = points.at[:, 2].set(0.0).at[:, 3].set(1.0)
    score_bev_max = simple_nms(score_bev, NMS_RADIUS, ITER)
    scores = score_bev.reshape(b, h, w)
    smax = score_bev_max.reshape(b, h, w)
    kpts = []
    feas_kpt = []
    pixels_kpt = []
    for i in range(b):
        cond = (scores[i] == smax[i]) & (scores[i] > 0)
        masked = jnp.where(cond, scores[i], -jnp.inf).reshape(h * w)
        _, flat_idx = jax.lax.top_k(masked, NUM_KPT)
        sel0 = flat_idx // w
        sel1 = flat_idx % w
        kpt = points[i][:, sel0, sel1].T      # [num_kpt, 4]
        fea = feature_bev[i][:, sel0, sel1]   # [C, num_kpt]
        pixel = jnp.stack([sel0, sel1], axis=1)  # [num_kpt, 2]
        kpts.append(kpt[None])
        feas_kpt.append(fea[None])
        pixels_kpt.append(pixel[None])
    kpts = jnp.concatenate(kpts, axis=0)           # [b, num_kpt, 4]
    feas_kpt = jnp.concatenate(feas_kpt, axis=0)   # [b, C, num_kpt]
    pixels_kpt = jnp.concatenate(pixels_kpt, axis=0)  # [b, num_kpt, 2]
    return kpts, feas_kpt, pixels_kpt, scores

if __name__ == "__main__":
    import jax
    _d = setup_inputs()
    print(jax.jit(kernel)(*tuple(_d.values())))

</pallas_src>

<mosaic_0001>
#map = affine_map<(d0, d1) -> (0, 0)>
#map1 = affine_map<(d0, d1) -> (0)>
#map2 = affine_map<(d0, d1) -> (0, 0, 0)>
module attributes {stable_mosaic.version = 14 : i64} {
  func.func @_sc_body(%arg0: i32, %arg1: i32, %arg2: memref<2x128xi32, #tpu.memory_space<hbm>>, %arg3: memref<37748736xf32, #tpu.memory_space<hbm>>, %arg4: memref<1179648xf32, #tpu.memory_space<hbm>>, %arg5: memref<2x128x128xf32, #tpu.memory_space<hbm>>, %arg6: memref<2x2x128xf32, #tpu.memory_space<hbm>>, %arg7: memref<128xi32, #tpu.memory_space<vmem>>, %arg8: memref<8x128xi32, #tpu.memory_space<vmem>>, %arg9: memref<8x128xf32, #tpu.memory_space<vmem>>, %arg10: memref<2x128xi32, #tpu.memory_space<vmem>>, %arg11: memref<2x128xf32, #tpu.memory_space<vmem>>, %arg12: memref<!tpu.dma_semaphore, #tpu.memory_space<semaphore_mem>>) attributes {dimension_semantics = [#tpu.dimension_semantics<core_parallel>, #tpu.dimension_semantics<subcore_parallel>], iteration_bounds = array<i64: 1, 16>, scalar_prefetch = 0 : i64, scratch_operands = 6 : i64, tpu.core_type = #tpu.core_type<sc_vector_subcore>, window_params = [{transform_indices = #map}, {transform_indices = #map1}, {transform_indices = #map1}, {transform_indices = #map2}, {transform_indices = #map2}]} {
    %run_scoped3A = arith.constant 0 : i32
    "tpu.region"() ({
      %run_scoped3A_1618 = tpu.sem_alloc : memref<!tpu.dma_semaphore, #tpu.memory_space<semaphore_mem>>
      %dma_start3A_1619 = arith.constant 0 : i32
      %dma_start3A_1620 = tpu.memref_slice %arg2[%run_scoped3A, %dma_start3A_1619] : memref<2x128xi32, #tpu.memory_space<hbm>> -> memref<1x128xi32, #tpu.memory_space<hbm>>
      %dma_start3A_1621 = tpu.memref_squeeze %dma_start3A_1620 : memref<1x128xi32, #tpu.memory_space<hbm>> -> memref<128xi32, #tpu.memory_space<hbm>>
      %dma_start3A_1622 = arith.constant 0 : i32
      %dma_start3A_1623 = tpu.memref_slice %arg2[%run_scoped3A, %dma_start3A_1622] : memref<2x128xi32, #tpu.memory_space<hbm>> -> memref<1x128xi32, #tpu.memory_space<hbm>>
      %dma_start3A_1624 = tpu.memref_squeeze %dma_start3A_1623 : memref<1x128xi32, #tpu.memory_space<hbm>> -> memref<128xi32, #tpu.memory_space<hbm>>
      tpu.enqueue_dma source(%dma_start3A_1624 : memref<128xi32, #tpu.memory_space<hbm>>) target(%arg7 : memref<128xi32, #tpu.memory_space<vmem>>) target_semaphore(%run_scoped3A_1618 : memref<!tpu.dma_semaphore, #tpu.memory_space<semaphore_mem>>)
      %dma_wait3A_1625 = arith.constant 0 : i32
      %dma_wait3A_1626 = tpu.memref_slice %arg2[%run_scoped3A, %dma_wait3A_1625] : memref<2x128xi32, #tpu.memory_space<hbm>> -> memref<1x128xi32, #tpu.memory_space<hbm>>
      %dma_wait3A_1627 = tpu.memref_squeeze %dma_wait3A_1626 : memref<1x128xi32, #tpu.memory_space<hbm>> -> memref<128xi32, #tpu.memory_space<hbm>>
      %dma_wait3A_1628 = arith.constant 0 : i32
      %dma_wait3A_1629 = tpu.memref_slice %arg2[%run_scoped3A, %dma_wait3A_1628] : memref<2x128xi32, #tpu.memory_space<hbm>> -> memref<1x128xi32, #tpu.memory_space<hbm>>
      %dma_wait3A_1630 = tpu.memref_squeeze %dma_wait3A_1629 : memref<1x128xi32, #tpu.memory_space<hbm>> -> memref<128xi32, #tpu.memory_space<hbm>>
      tpu.wait_dma2 semaphore(%run_scoped3A_1618 : memref<!tpu.dma_semaphore, #tpu.memory_space<semaphore_mem>>) src(%dma_wait3A_1630 : memref<128xi32, #tpu.memory_space<hbm>>) dst(%arg7 : memref<128xi32, #tpu.memory_space<vmem>>)
      tpu.yield
    }) : () -> ()
    %get3A = arith.constant 0 : index
    %get3A_0 = tpu.vector_load %arg7[%get3A] {strides = array<i32>} : memref<128xi32, #tpu.memory_space<vmem>>, vector<16xi32>,
    %get3A_1 = vector.shape_cast %get3A_0 : vector<16xi32> to vector<16xi32>
    %get3A_2 = arith.constant 16 : index
    %get3A_3 = tpu.vector_load %arg7[%get3A_2] {strides = array<i32>} : memref<128xi32, #tpu.memory_space<vmem>>, vector<16xi32>,
    %get3A_4 = vector.shape_cast %get3A_3 : vector<16xi32> to vector<16xi32>
    %get3A_5 = arith.constant 32 : index
    %get3A_6 = tpu.vector_load %arg7[%get3A_5] {strides = array<i32>} : memref<128xi32, #tpu.memory_space<vmem>>, vector<16xi32>,
    %get3A_7 = vector.shape_cast %get3A_6 : vector<16xi32> to vector<16xi32>
    %get3A_8 = arith.constant 48 : index
    %get3A_9 = tpu.vector_load %arg7[%get3A_8] {strides = array<i32>} : memref<128xi32, #tpu.memory_space<vmem>>, vector<16xi32>,
    %get3A_10 = vector.shape_cast %get3A_9 : vector<16xi32> to vector<16xi32>
    %get3A_11 = arith.constant 64 : index
    %get3A_12 = tpu.vector_load %arg7[%get3A_11] {strides = array<i32>} : memref<128xi32, #tpu.memory_space<vmem>>, vector<16xi32>,
    %get3A_13 = vector.shape_cast %get3A_12 : vector<16xi32> to vector<16xi32>
    %get3A_14 = arith.constant 80 : index
    %get3A_15 = tpu.vector_load %arg7[%get3A_14] {strides = array<i32>} : memref<128xi32, #tpu.memory_space<vmem>>, vector<16xi32>,
    %get3A_16 = vector.shape_cast %get3A_15 : vector<16xi32> to vector<16xi32>
    %get3A_17 = arith.constant 96 : index
    %get3A_18 = tpu.vector_load %arg7[%get3A_17] {strides = array<i32>} : memref<128xi32, #tpu.memory_space<vmem>>, vector<16xi32>,
    %get3A_19 = vector.shape_cast %get3A_18 : vector<16xi32> to vector<16xi32>
    %get3A_20 = arith.constant 112 : index
    %get3A_21 = tpu.vector_load %arg7[%get3A_20] {strides = array<i32>} : memref<128xi32, #tpu.memory_space<vmem>>, vector<16xi32>,
    %get3A_22 = vector.shape_cast %get3A_21 : vector<16xi32> to vector<16xi32>
    %mul3A = arith.constant 8 : i32
    %mul3A_23 = arith.muli %arg1, %mul3A : i32
    %add3A = arith.constant 0 : i32
    %add3A_24 = arith.addi %add3A, %mul3A_23 : i32
    %add3A_25 = arith.constant 0 : i32
    %add3A_26 = arith.addi %add3A_24, %add3A_25 : i32
    %mul3A_27 = arith.constant 147456 : i32
    %mul3A_28 = arith.muli %add3A_26, %mul3A_27 : i32
    %add3A_29 = vector.broadcast %mul3A_28 : i32 to vector<16xi32>
    %add3A_30 = arith.addi %get3A_1, %add3A_29 : vector<16xi32>
    %swap3A = arith.constant 0 : i32
    %swap3A_31 = arith.index_cast %swap3A : i32 to index
    %swap3A_32 = arith.constant 0 : index
    %swap3A_33 = tpu.vector_load %arg8[%swap3A_31, %swap3A_32] {strides = array<i32>} : memref<8x128xi32, #tpu.memory_space<vmem>>, vector<1x16xi32>,
    %swap3A_34 = vector.shape_cast %swap3A_33 : vector<1x16xi32> to vector<16xi32>
    %swap3A_35 = vector.shape_cast %add3A_30 : vector<16xi32> to vector<1x16xi32>
    tpu.vector_store %arg8[%swap3A_31, %swap3A_32], %swap3A_35 {strides = array<i32>} : memref<8x128xi32, #tpu.memory_space<vmem>>, vector<1x16xi32>,
    %add3A_36 = vector.broadcast %mul3A_28 : i32 to vector<16xi32>
    %add3A_37 = arith.addi %get3A_4, %add3A_36 : vector<16xi32>
    %swap3A_38 = arith.constant 0 : i32
    %swap3A_39 = arith.index_cast %swap3A_38 : i32 to index
    %swap3A_40 = arith.constant 16 : index
    %swap3A_41 = tpu.vector_load %arg8[%swap3A_39, %swap3A_40] {strides = array<i32>} : memref<8x128xi32, #tpu.memory_space<vmem>>, vector<1x16xi32>,
    %swap3A_42 = vector.shape_cast %swap3A_41 : vector<1x16xi32> to vector<16xi32>
    %swap3A_43 = vector.shape_cast %add3A_37 : vector<16xi32> to vector<1x16xi32>
    tpu.vector_store %arg8[%swap3A_39, %swap3A_40], %swap3A_43 {strides = array<i32>} : memref<8x128xi32, #tpu.memory_space<vmem>>, vector<1x16xi32>,
    %add3A_44 = vector.broadcast %mul3A_28 : i32 to vector<16xi32>
    %add3A_45 = arith.addi %get3A_7, %add3A_44 : vector<16xi32>
    %swap3A_46 = arith.constant 0 : i32
    %swap3A_47 = arith.index_cast %swap3A_46 : i32 to index
    %swap3A_48 = arith.constant 32 : index
    %swap3A_49 = tpu.vector_load %arg8[%swap3A_47, %swap3A_48] {strides = array<i32>} : memref<8x128xi32, #tpu.memory_space<vmem>>, vector<1x16xi32>,
    %swap3A_50 = vector.shape_cast %swap3A_49 : vector<1x16xi32> to vector<16xi32>
    %swap3A_51 = vector.shape_cast %add3A_45 : vector<16xi32> to vector<1x16xi32>
    tpu.vector_store %arg8[%swap3A_47, %swap3A_48], %swap3A_51 {strides = array<i32>} : memref<8x128xi32, #tpu.memory_space<vmem>>, vector<1x16xi32>,
    %add3A_52 = vector.broadcast %mul3A_28 : i32 to vector<16xi32>
    %add3A_53 = arith.addi %get3A_10, %add3A_52 : vector<16xi32>
    %swap3A_54 = arith.constant 0 : i32
    %swap3A_55 = arith.index_cast %swap3A_54 : i32 to index
    %swap3A_56 = arith.constant 48 : index
    %swap3A_57 = tpu.vector_load %arg8[%swap3A_55, %swap3A_56] {strides = array<i32>} : memref<8x128xi32, #tpu.memory_space<vmem>>, vector<1x16xi32>,
    %swap3A_58 = vector.shape_cast %swap3A_57 : vector<1x16xi32> to vector<16xi32>
    %swap3A_59 = vector.shape_cast %add3A_53 : vector<16xi32> to vector<1x16xi32>
    tpu.vector_store %arg8[%swap3A_55, %swap3A_56], %swap3A_59 {strides = array<i32>} : memref<8x128xi32, #tpu.memory_space<vmem>>, vector<1x16xi32>,
    %add3A_60 = vector.broadcast %mul3A_28 : i32 to vector<16xi32>
    %add3A_61 = arith.addi %get3A_13, %add3A_60 : vector<16xi32>
    %swap3A_62 = arith.constant 0 : i32
    %swap3A_63 = arith.index_cast %swap3A_62 : i32 to index
    %swap3A_64 = arith.constant 64 : index
    %swap3A_65 = tpu.vector_load %arg8[%swap3A_63, %swap3A_64] {strides = array<i32>} : memref<8x128xi32, #tpu.memory_space<vmem>>, vector<1x16xi32>,
    %swap3A_66 = vector.shape_cast %swap3A_65 : vector<1x16xi32> to vector<16xi32>
    %swap3A_67 = vector.shape_cast %add3A_61 : vector<16xi32> to vector<1x16xi32>
    tpu.vector_store %arg8[%swap3A_63, %swap3A_64], %swap3A_67 {strides = array<i32>} : memref<8x128xi32, #tpu.memory_space<vmem>>, vector<1x16xi32>,
    %add3A_68 = vector.broadcast %mul3A_28 : i32 to vector<16xi32>
    %add3A_69 = arith.addi %get3A_16, %add3A_68 : vector<16xi32>
    %swap3A_70 = arith.constant 0 : i32
    %swap3A_71 = arith.index_cast %swap3A_70 : i32 to index
    %swap3A_72 = arith.constant 80 : index
    %swap3A_73 = tpu.vector_load %arg8[%swap3A_71, %swap3A_72] {strides = array<i32>} : memref<8x128xi32, #tpu.memory_space<vmem>>, vector<1x16xi32>,
    %swap3A_74 = vector.shape_cast %swap3A_73 : vector<1x16xi32> to vector<16xi32>
    %swap3A_75 = vector.shape_cast %add3A_69 : vector<16xi32> to vector<1x16xi32>
    tpu.vector_store %arg8[%swap3A_71, %swap3A_72], %swap3A_75 {strides = array<i32>} : memref<8x128xi32, #tpu.memory_space<vmem>>, vector<1x16xi32>,
    %add3A_76 = vector.broadcast %mul3A_28 : i32 to vector<16xi32>
    %add3A_77 = arith.addi %get3A_19, %add3A_76 : vector<16xi32>
    %swap3A_78 = arith.constant 0 : i32
    %swap3A_79 = arith.index_cast %swap3A_78 : i32 to index
    %swap3A_80 = arith.constant 96 : index
    %swap3A_81 = tpu.vector_load %arg8[%swap3A_79, %swap3A_80] {strides = array<i32>} : memref<8x128xi32, #tpu.memory_space<vmem>>, vector<1x16xi32>,
    %swap3A_82 = vector.shape_cast %swap3A_81 : vector<1x16xi32> to vector<16xi32>
    %swap3A_83 = vector.shape_cast %add3A_77 : vector<16xi32> to vector<1x16xi32>
    tpu.vector_store %arg8[%swap3A_79, %swap3A_80], %swap3A_83 {strides = array<i32>} : memref<8x128xi32, #tpu.memory_space<vmem>>, vector<1x16xi32>,
    %add3A_84 = vector.broadcast %mul3A_28 : i32 to vector<16xi32>
    %add3A_85 = arith.addi %get3A_22, %add3A_84 : vector<16xi32>
    %swap3A_86 = arith.constant 0 : i32
    %swap3A_87 = arith.index_cast %swap3A_86 : i32 to index
    %swap3A_88 = arith.constant 112 : index
    %swap3A_89 = tpu.vector_load %arg8[%swap3A_87, %swap3A_88] {strides = array<i32>} : memref<8x128xi32, #tpu.memory_space<vmem>>, vector<1x16xi32>,
    %swap3A_90 = vector.shape_cast %swap3A_89 : vector<1x16xi32> to vector<16xi32>
    %swap3A_91 = vector.shape_cast %add3A_85 : vector<16xi32> to vector<1x16xi32>
    tpu.vector_store %arg8[%swap3A_87, %swap3A_88], %swap3A_91 {strides = array<i32>} : memref<8x128xi32, #tpu.memory_space<vmem>>, vector<1x16xi32>,
    %mul3A_92 = arith.constant 8 : i32
    %mul3A_93 = arith.muli %arg1, %mul3A_92 : i32
    %add3A_94 = arith.constant 0 : i32
    %add3A_95 = arith.addi %add3A_94, %mul3A_93 : i32
    %add3A_96 = arith.constant 1 : i32
    %add3A_97 = arith.addi %add3A_95, %add3A_96 : i32
    %mul3A_98 = arith.constant 147456 : i32
    %mul3A_99 = arith.muli %add3A_97, %mul3A_98 : i32
    %add3A_100 = vector.broadcast %mul3A_99 : i32 to vector<16xi32>
    %add3A_101 = arith.addi %get3A_1, %add3A_100 : vector<16xi32>
    %swap3A_102 = arith.constant 1 : i32
    %swap3A_103 = arith.index_cast %swap3A_102 : i32 to index
    %swap3A_104 = arith.constant 0 : index
    %swap3A_105 = tpu.vector_load %arg8[%swap3A_103, %swap3A_104] {strides = array<i32>} : memref<8x128xi32, #tpu.memory_space<vmem>>, vector<1x16xi32>,
    %swap3A_106 = vector.shape_cast %swap3A_105 : vector<1x16xi32> to vector<16xi32>
    %swap3A_107 = vector.shape_cast %add3A_101 : vector<16xi32> to vector<1x16xi32>
    tpu.vector_store %arg8[%swap3A_103, %swap3A_104], %swap3A_107 {strides = array<i32>} : memref<8x128xi32, #tpu.memory_space<vmem>>, vector<1x16xi32>,
    %add3A_108 = vector.broadcast %mul3A_99 : i32 to vector<16xi32>
    %add3A_109 = arith.addi %get3A_4, %add3A_108 : vector<16xi32>
    %swap3A_110 = arith.constant 1 : i32
    %swap3A_111 = arith.index_cast %swap3A_110 : i32 to index
    %swap3A_112 = arith.constant 16 : index
    %swap3A_113 = tpu.vector_load %arg8[%swap3A_111, %swap3A_112] {strides = array<i32>} : memref<8x128xi32, #tpu.memory_space<vmem>>, vector<1x16xi32>,
    %swap3A_114 = vector.shape_cast %swap3A_113 : vector<1x16xi32> to vector<16xi32>
    %swap3A_115 = vector.shape_cast %add3A_109 : vector<16xi32> to vector<1x16xi32>
    tpu.vector_store %arg8[%swap3A_111, %swap3A_112], %swap3A_115 {strides = array<i32>} : memref<8x128xi32, #tpu.memory_space<vmem>>, vector<1x16xi32>,
    %add3A_116 = vector.broadcast %mul3A_99 : i32 to vector<16xi32>
    %add3A_117 = arith.addi %get3A_7, %add3A_116 : vector<16xi32>
    %swap3A_118 = arith.constant 1 : i32
    %swap3A_119 = arith.index_cast %swap3A_118 : i32 to index
    %swap3A_120 = arith.constant 32 : index
    %swap3A_121 = tpu.vector_load %arg8[%swap3A_119, %swap3A_120] {strides = array<i32>} : memref<8x128xi32, #tpu.memory_space<vmem>>, vector<1x16xi32>,
    %swap3A_122 = vector.shape_cast %swap3A_121 : vector<1x16xi32> to vector<16xi32>
    %swap3A_123 = vector.shape_cast %add3A_117 : vector<16xi32> to vector<1x16xi32>
    tpu.vector_store %arg8[%swap3A_119, %swap3A_120], %swap3A_123 {strides = array<i32>} : memref<8x128xi32, #tpu.memory_space<vmem>>, vector<1x16xi32>,
    %add3A_124 = vector.broadcast %mul3A_99 : i32 to vector<16xi32>
    %add3A_125 = arith.addi %get3A_10, %add3A_124 : vector<16xi32>
    %swap3A_126 = arith.constant 1 : i32
    %swap3A_127 = arith.index_cast %swap3A_126 : i32 to index
    %swap3A_128 = arith.constant 48 : index
    %swap3A_129 = tpu.vector_load %arg8[%swap3A_127, %swap3A_128] {strides = array<i32>} : memref<8x128xi32, #tpu.memory_space<vmem>>, vector<1x16xi32>,
    %swap3A_130 = vector.shape_cast %swap3A_129 : vector<1x16xi32> to vector<16xi32>
    %swap3A_131 = vector.shape_cast %add3A_125 : vector<16xi32> to vector<1x16xi32>
    tpu.vector_store %arg8[%swap3A_127, %swap3A_128], %swap3A_131 {strides = array<i32>} : memref<8x128xi32, #tpu.memory_space<vmem>>, vector<1x16xi32>,
    %add3A_132 = vector.broadcast %mul3A_99 : i32 to vector<16xi32>
    %add3A_133 = arith.addi %get3A_13, %add3A_132 : vector<16xi32>
    %swap3A_134 = arith.constant 1 : i32
    %swap3A_135 = arith.index_cast %swap3A_134 : i32 to index
    %swap3A_136 = arith.constant 64 : index
    %swap3A_137 = tpu.vector_load %arg8[%swap3A_135, %swap3A_136] {strides = array<i32>} : memref<8x128xi32, #tpu.memory_space<vmem>>, vector<1x16xi32>,
    %swap3A_138 = vector.shape_cast %swap3A_137 : vector<1x16xi32> to vector<16xi32>
    %swap3A_139 = vector.shape_cast %add3A_133 : vector<16xi32> to vector<1x16xi32>
    tpu.vector_store %arg8[%swap3A_135, %swap3A_136], %swap3A_139 {strides = array<i32>} : memref<8x128xi32, #tpu.memory_space<vmem>>, vector<1x16xi32>,
    %add3A_140 = vector.broadcast %mul3A_99 : i32 to vector<16xi32>
    %add3A_141 = arith.addi %get3A_16, %add3A_140 : vector<16xi32>
    %swap3A_142 = arith.constant 1 : i32
    %swap3A_143 = arith.index_cast %swap3A_142 : i32 to index
    %swap3A_144 = arith.constant 80 : index
    %swap3A_145 = tpu.vector_load %arg8[%swap3A_143, %swap3A_144] {strides = array<i32>} : memref<8x128xi32, #tpu.memory_space<vmem>>, vector<1x16xi32>,
    %swap3A_146 = vector.shape_cast %swap3A_145 : vector<1x16xi32> to vector<16xi32>
    %swap3A_147 = vector.shape_cast %add3A_141 : vector<16xi32> to vector<1x16xi32>
    tpu.vector_store %arg8[%swap3A_143, %swap3A_144], %swap3A_147 {strides = array<i32>} : memref<8x128xi32, #tpu.memory_space<vmem>>, vector<1x16xi32>,
    %add3A_148 = vector.broadcast %mul3A_99 : i32 to vector<16xi32>
    %add3A_149 = arith.addi %get3A_19, %add3A_148 : vector<16xi32>
    %swap3A_150 = arith.constant 1 : i32
    %swap3A_151 = arith.index_cast %swap3A_150 : i32 to index
    %swap3A_152 = arith.constant 96 : index
    %swap3A_153 = tpu.vector_load %arg8[%swap3A_151, %swap3A_152] {strides = array<i32>} : memref<8x128xi32, #tpu.memory_space<vmem>>, vector<1x16xi32>,
    %swap3A_154 = vector.shape_cast %swap3A_153 : vector<1x16xi32> to vector<16xi32>
    %swap3A_155 = vector.shape_cast %add3A_149 : vector<16xi32> to vector<1x16xi32>
    tpu.vector_store %arg8[%swap3A_151, %swap3A_152], %swap3A_155 {strides = array<i32>} : memref<8x128xi32, #tpu.memory_space<vmem>>, vector<1x16xi32>,
    %add3A_156 = vector.broadcast %mul3A_99 : i32 to vector<16xi32>
    %add3A_157 = arith.addi %get3A_22, %add3A_156 : vector<16xi32>
    %swap3A_158 = arith.constant 1 : i32
    %swap3A_159 = arith.index_cast %swap3A_158 : i32 to index
    %swap3A_160 = arith.constant 112 : index
    %swap3A_161 = tpu.vector_load %arg8[%swap3A_159, %swap3A_160] {strides = array<i32>} : memref<8x128xi32, #tpu.memory_space<vmem>>, vector<1x16xi32>,
    %swap3A_162 = vector.shape_cast %swap3A_161 : vector<1x16xi32> to vector<16xi32>
    %swap3A_163 = vector.shape_cast %add3A_157 : vector<16xi32> to vector<1x16xi32>
    tpu.vector_store %arg8[%swap3A_159, %swap3A_160], %swap3A_163 {strides = array<i32>} : memref<8x128xi32, #tpu.memory_space<vmem>>, vector<1x16xi32>,
    %mul3A_164 = arith.constant 8 : i32
    %mul3A_165 = arith.muli %arg1, %mul3A_164 : i32
    %add3A_166 = arith.constant 0 : i32
    %add3A_167 = arith.addi %add3A_166, %mul3A_165 : i32
    %add3A_168 = arith.constant 2 : i32
    %add3A_169 = arith.addi %add3A_167, %add3A_168 : i32
    %mul3A_170 = arith.constant 147456 : i32
    %mul3A_171 = arith.muli %add3A_169, %mul3A_170 : i32
    %add3A_172 = vector.broadcast %mul3A_171 : i32 to vector<16xi32>
    %add3A_173 = arith.addi %get3A_1, %add3A_172 : vector<16xi32>
    %swap3A_174 = arith.constant 2 : i32
    %swap3A_175 = arith.index_cast %swap3A_174 : i32 to index
    %swap3A_176 = arith.constant 0 : index
    %swap3A_177 = tpu.vector_load %arg8[%swap3A_175, %swap3A_176] {strides = array<i32>} : memref<8x128xi32, #tpu.memory_space<vmem>>, vector<1x16xi32>,
    %swap3A_178 = vector.shape_cast %swap3A_177 : vector<1x16xi32> to vector<16xi32>
    %swap3A_179 = vector.shape_cast %add3A_173 : vector<16xi32> to vector<1x16xi32>
    tpu.vector_store %arg8[%swap3A_175, %swap3A_176], %swap3A_179 {strides = array<i32>} : memref<8x128xi32, #tpu.memory_space<vmem>>, vector<1x16xi32>,
    %add3A_180 = vector.broadcast %mul3A_171 : i32 to vector<16xi32>
    %add3A_181 = arith.addi %get3A_4, %add3A_180 : vector<16xi32>
    %swap3A_182 = arith.constant 2 : i32
    %swap3A_183 = arith.index_cast %swap3A_182 : i32 to index
    %swap3A_184 = arith.constant 16 : index
    %swap3A_185 = tpu.vector_load %arg8[%swap3A_183, %swap3A_184] {strides = array<i32>} : memref<8x128xi32, #tpu.memory_space<vmem>>, vector<1x16xi32>,
    %swap3A_186 = vector.shape_cast %swap3A_185 : vector<1x16xi32> to vector<16xi32>
    %swap3A_187 = vector.shape_cast %add3A_181 : vector<16xi32> to vector<1x16xi32>
    tpu.vector_store %arg8[%swap3A_183, %swap3A_184], %swap3A_187 {strides = array<i32>} : memref<8x128xi32, #tpu.memory_space<vmem>>, vector<1x16xi32>,
    %add3A_188 = vector.broadcast %mul3A_171 : i32 to vector<16xi32>
    %add3A_189 = arith.addi %get3A_7, %add3A_188 : vector<16xi32>
    %swap3A_190 = arith.constant 2 : i32
    %swap3A_191 = arith.index_cast %swap3A_190 : i32 to index
    %swap3A_192 = arith.constant 32 : index
    %swap3A_193 = tpu.vector_load %arg8[%swap3A_191, %swap3A_192] {strides = array<i32>} : memref<8x128xi32, #tpu.memory_space<vmem>>, vector<1x16xi32>,
    %swap3A_194 = vector.shape_cast %swap3A_193 : vector<1x16xi32> to vector<16xi32>
    %swap3A_195 = vector.shape_cast %add3A_189 : vector<16xi32> to vector<1x16xi32>
    tpu.vector_store %arg8[%swap3A_191, %swap3A_192], %swap3A_195 {strides = array<i32>} : memref<8x128xi32, #tpu.memory_space<vmem>>, vector<1x16xi32>,
    %add3A_196 = vector.broadcast %mul3A_171 : i32 to vector<16xi32>
    %add3A_197 = arith.addi %get3A_10, %add3A_196 : vector<16xi32>
    %swap3A_198 = arith.constant 2 : i32
    %swap3A_199 = arith.index_cast %swap3A_198 : i32 to index
    %swap3A_200 = arith.constant 48 : index
    %swap3A_201 = tpu.vector_load %arg8[%swap3A_199, %swap3A_200] {strides = array<i32>} : memref<8x128xi32, #tpu.memory_space<vmem>>, vector<1x16xi32>,
    %swap3A_202 = vector.shape_cast %swap3A_201 : vector<1x16xi32> to vector<16xi32>
    %swap3A_203 = vector.shape_cast %add3A_197 : vector<16xi32> to vector<1x16xi32>
    tpu.vector_store %arg8[%swap3A_199, %swap3A_200], %swap3A_203 {strides = array<i32>} : memref<8x128xi32, #tpu.memory_space<vmem>>, vector<1x16xi32>,
    %add3A_204 = vector.broadcast %mul3A_171 : i32 to vector<16xi32>
    %add3A_205 = arith.addi %get3A_13, %add3A_204 : vector<16xi32>
    %swap3A_206 = arith.constant 2 : i32
    %swap3A_207 = arith.index_cast %swap3A_206 : i32 to index
    %swap3A_208 = arith.constant 64 : index
    %swap3A_209 = tpu.vector_load %arg8[%swap3A_207, %swap3A_208] {strides = array<i32>} : memref<8x128xi32, #tpu.memory_space<vmem>>, vector<1x16xi32>,
    %swap3A_210 = vector.shape_cast %swap3A_209 : vector<1x16xi32> to vector<16xi32>
    %swap3A_211 = vector.shape_cast %add3A_205 : vector<16xi32> to vector<1x16xi32>
    tpu.vector_store %arg8[%swap3A_207, %swap3A_208], %swap3A_211 {strides = array<i32>} : memref<8x128xi32, #tpu.memory_space<vmem>>, vector<1x16xi32>,
    %add3A_212 = vector.broadcast %mul3A_171 : i32 to vector<16xi32>
    %add3A_213 = arith.addi %get3A_16, %add3A_212 : vector<16xi32>
    %swap3A_214 = arith.constant 2 : i32
    %swap3A_215 = arith.index_cast %swap3A_214 : i32 to index
    %swap3A_216 = arith.constant 80 : index
    %swap3A_217 = tpu.vector_load %arg8[%swap3A_215, %swap3A_216] {strides = array<i32>} : memref<8x128xi32, #tpu.memory_space<vmem>>, vector<1x16xi32>,
    %swap3A_218 = vector.shape_cast %swap3A_217 : vector<1x16xi32> to vector<16xi32>
    %swap3A_219 = vector.shape_cast %add3A_213 : vector<16xi32> to vector<1x16xi32>
    tpu.vector_store %arg8[%swap3A_215, %swap3A_216], %swap3A_219 {strides = array<i32>} : memref<8x128xi32, #tpu.memory_space<vmem>>, vector<1x16xi32>,
    %add3A_220 = vector.broadcast %mul3A_171 : i32 to vector<16xi32>
    %add3A_221 = arith.addi %get3A_19, %add3A_220 : vector<16xi32>
    %swap3A_222 = arith.constant 2 : i32
    %swap3A_223 = arith.index_cast %swap3A_222 : i32 to index
    %swap3A_224 = arith.constant 96 : index
    %swap3A_225 = tpu.vector_load %arg8[%swap3A_223, %swap3A_224] {strides = array<i32>} : memref<8x128xi32, #tpu.memory_space<vmem>>, vector<1x16xi32>,
    %swap3A_226 = vector.shape_cast %swap3A_225 : vector<1x16xi32> to vector<16xi32>
    %swap3A_227 = vector.shape_cast %add3A_221 : vector<16xi32> to vector<1x16xi32>
    tpu.vector_store %arg8[%swap3A_223, %swap3A_224], %swap3A_227 {strides = array<i32>} : memref<8x128xi32, #tpu.memory_space<vmem>>, vector<1x16xi32>,
    %add3A_228 = vector.broadcast %mul3A_171 : i32 to vector<16xi32>
    %add3A_229 = arith.addi %get3A_22, %add3A_228 : vector<16xi32>
    %swap3A_230 = arith.constant 2 : i32
    %swap3A_231 = arith.index_cast %swap3A_230 : i32 to index
    %swap3A_232 = arith.constant 112 : index
    %swap3A_233 = tpu.vector_load %arg8[%swap3A_231, %swap3A_232] {strides = array<i32>} : memref<8x128xi32, #tpu.memory_space<vmem>>, vector<1x16xi32>,
    %swap3A_234 = vector.shape_cast %swap3A_233 : vector<1x16xi32> to vector<16xi32>
    %swap3A_235 = vector.shape_cast %add3A_229 : vector<16xi32> to vector<1x16xi32>
    tpu.vector_store %arg8[%swap3A_231, %swap3A_232], %swap3A_235 {strides = array<i32>} : memref<8x128xi32, #tpu.memory_space<vmem>>, vector<1x16xi32>,
    %mul3A_236 = arith.constant 8 : i32
    %mul3A_237 = arith.muli %arg1, %mul3A_236 : i32
    %add3A_238 = arith.constant 0 : i32
    %add3A_239 = arith.addi %add3A_238, %mul3A_237 : i32
    %add3A_240 = arith.constant 3 : i32
    %add3A_241 = arith.addi %add3A_239, %add3A_240 : i32
    %mul3A_242 = arith.constant 147456 : i32
    %mul3A_243 = arith.muli %add3A_241, %mul3A_242 : i32
    %add3A_244 = vector.broadcast %mul3A_243 : i32 to vector<16xi32>
    %add3A_245 = arith.addi %get3A_1, %add3A_244 : vector<16xi32>
    %swap3A_246 = arith.constant 3 : i32
    %swap3A_247 = arith.index_cast %swap3A_246 : i32 to index
    %swap3A_248 = arith.constant 0 : index
    %swap3A_249 = tpu.vector_load %arg8[%swap3A_247, %swap3A_248] {strides = array<i32>} : memref<8x128xi32, #tpu.memory_space<vmem>>, vector<1x16xi32>,
    %swap3A_250 = vector.shape_cast %swap3A_249 : vector<1x16xi32> to vector<16xi32>
    %swap3A_251 = vector.shape_cast %add3A_245 : vector<16xi32> to vector<1x16xi32>
    tpu.vector_store %arg8[%swap3A_247, %swap3A_248], %swap3A_251 {strides = array<i32>} : memref<8x128xi32, #tpu.memory_space<vmem>>, vector<1x16xi32>,
    %add3A_252 = vector.broadcast %mul3A_243 : i32 to vector<16xi32>
    %add3A_253 = arith.addi %get3A_4, %add3A_252 : vector<16xi32>
    %swap3A_254 = arith.constant 3 : i32
    %swap3A_255 = arith.index_cast %swap3A_254 : i32 to index
    %swap3A_256 = arith.constant 16 : index
    %swap3A_257 = tpu.vector_load %arg8[%swap3A_255, %swap3A_256] {strides = array<i32>} : memref<8x128xi32, #tpu.memory_space<vmem>>, vector<1x16xi32>,
    %swap3A_258 = vector.shape_cast %swap3A_257 : vector<1x16xi32> to vector<16xi32>
    %swap3A_259 = vector.shape_cast %add3A_253 : vector<16xi32> to vector<1x16xi32>
    tpu.vector_store %arg8[%swap3A_255, %swap3A_256], %swap3A_259 {strides = array<i32>} : memref<8x128xi32, #tpu.memory_space<vmem>>, vector<1x16xi32>,
    %add3A_260 = vector.broadcast %mul3A_243 : i32 to vector<16xi32>
    %add3A_261 = arith.addi %get3A_7, %add3A_260 : vector<16xi32>
    %swap3A_262 = arith.constant 3 : i32
    %swap3A_263 = arith.index_cast %swap3A_262 : i32 to index
    %swap3A_264 = arith.constant 32 : index
    %swap3A_265 = tpu.vector_load %arg8[%swap3A_263, %swap3A_264] {strides = array<i32>} : memref<8x128xi32, #tpu.memory_space<vmem>>, vector<1x16xi32>,
    %swap3A_266 = vector.shape_cast %swap3A_265 : vector<1x16xi32> to vector<16xi32>
    %swap3A_267 = vector.shape_cast %add3A_261 : vector<16xi32> to vector<1x16xi32>
    tpu.vector_store %arg8[%swap3A_263, %swap3A_264], %swap3A_267 {strides = array<i32>} : memref<8x128xi32, #tpu.memory_space<vmem>>, vector<1x16xi32>,
    %add3A_268 = vector.broadcast %mul3A_243 : i32 to vector<16xi32>
    %add3A_269 = arith.addi %get3A_10, %add3A_268 : vector<16xi32>
    %swap3A_270 = arith.constant 3 : i32
    %swap3A_271 = arith.index_cast %swap3A_270 : i32 to index
    %swap3A_272 = arith.constant 48 : index
    %swap3A_273 = tpu.vector_load %arg8[%swap3A_271, %swap3A_272] {strides = array<i32>} : memref<8x128xi32, #tpu.memory_space<vmem>>, vector<1x16xi32>,
    %swap3A_274 = vector.shape_cast %swap3A_273 : vector<1x16xi32> to vector<16xi32>
    %swap3A_275 = vector.shape_cast %add3A_269 : vector<16xi32> to vector<1x16xi32>
    tpu.vector_store %arg8[%swap3A_271, %swap3A_272], %swap3A_275 {strides = array<i32>} : memref<8x128xi32, #tpu.memory_space<vmem>>, vector<1x16xi32>,
    %add3A_276 = vector.broadcast %mul3A_243 : i32 to vector<16xi32>
    %add3A_277 = arith.addi %get3A_13, %add3A_276 : vector<16xi32>
    %swap3A_278 = arith.constant 3 : i32
    %swap3A_279 = arith.index_cast %swap3A_278 : i32 to index
    %swap3A_280 = arith.constant 64 : index
    %swap3A_281 = tpu.vector_load %arg8[%swap3A_279, %swap3A_280] {strides = array<i32>} : memref<8x128xi32, #tpu.memory_space<vmem>>, vector<1x16xi32>,
    %swap3A_282 = vector.shape_cast %swap3A_281 : vector<1x16xi32> to vector<16xi32>
    %swap3A_283 = vector.shape_cast %add3A_277 : vector<16xi32> to vector<1x16xi32>
    tpu.vector_store %arg8[%swap3A_279, %swap3A_280], %swap3A_283 {strides = array<i32>} : memref<8x128xi32, #tpu.memory_space<vmem>>, vector<1x16xi32>,
    %add3A_284 = vector.broadcast %mul3A_243 : i32 to vector<16xi32>
    %add3A_285 = arith.addi %get3A_16, %add3A_284 : vector<16xi32>
    %swap3A_286 = arith.constant 3 : i32
    %swap3A_287 = arith.index_cast %swap3A_286 : i32 to index
    %swap3A_288 = arith.constant 80 : index
    %swap3A_289 = tpu.vector_load %arg8[%swap3A_287, %swap3A_288] {strides = array<i32>} : memref<8x128xi32, #tpu.memory_space<vmem>>, vector<1x16xi32>,
    %swap3A_290 = vector.shape_cast %swap3A_289 : vector<1x16xi32> to vector<16xi32>
    %swap3A_291 = vector.shape_cast %add3A_285 : vector<16xi32> to vector<1x16xi32>
    tpu.vector_store %arg8[%swap3A_287, %swap3A_288], %swap3A_291 {strides = array<i32>} : memref<8x128xi32, #tpu.memory_space<vmem>>, vector<1x16xi32>,
    %add3A_292 = vector.broadcast %mul3A_243 : i32 to vector<16xi32>
    %add3A_293 = arith.addi %get3A_19, %add3A_292 : vector<16xi32>
    %swap3A_294 = arith.constant 3 : i32
    %swap3A_295 = arith.index_cast %swap3A_294 : i32 to index
    %swap3A_296 = arith.constant 96 : index
    %swap3A_297 = tpu.vector_load %arg8[%swap3A_295, %swap3A_296] {strides = array<i32>} : memref<8x128xi32, #tpu.memory_space<vmem>>, vector<1x16xi32>,
    %swap3A_298 = vector.shape_cast %swap3A_297 : vector<1x16xi32> to vector<16xi32>
    %swap3A_299 = vector.shape_cast %add3A_293 : vector<16xi32> to vector<1x16xi32>
    tpu.vector_store %arg8[%swap3A_295, %swap3A_296], %swap3A_299 {strides = array<i32>} : memref<8x128xi32, #tpu.memory_space<vmem>>, vector<1x16xi32>,
    %add3A_300 = vector.broadcast %mul3A_243 : i32 to vector<16xi32>
    %add3A_301 = arith.addi %get3A_22, %add3A_300 : vector<16xi32>
    %swap3A_302 = arith.constant 3 : i32
    %swap3A_303 = arith.index_cast %swap3A_302 : i32 to index
    %swap3A_304 = arith.constant 112 : index
    %swap3A_305 = tpu.vector_load %arg8[%swap3A_303, %swap3A_304] {strides = array<i32>} : memref<8x128xi32, #tpu.memory_space<vmem>>, vector<1x16xi32>,
    %swap3A_306 = vector.shape_cast %swap3A_305 : vector<1x16xi32> to vector<16xi32>
    %swap3A_307 = vector.shape_cast %add3A_301 : vector<16xi32> to vector<1x16xi32>
    tpu.vector_store %arg8[%swap3A_303, %swap3A_304], %swap3A_307 {strides = array<i32>} : memref<8x128xi32, #tpu.memory_space<vmem>>, vector<1x16xi32>,
    %mul3A_308 = arith.constant 8 : i32
    %mul3A_309 = arith.muli %arg1, %mul3A_308 : i32
    %add3A_310 = arith.constant 0 : i32
    %add3A_311 = arith.addi %add3A_310, %mul3A_309 : i32
    %add3A_312 = arith.constant 4 : i32
    %add3A_313 = arith.addi %add3A_311, %add3A_312 : i32
    %mul3A_314 = arith.constant 147456 : i32
    %mul3A_315 = arith.muli %add3A_313, %mul3A_314 : i32
    %add3A_316 = vector.broadcast %mul3A_315 : i32 to vector<16xi32>
    %add3A_317 = arith.addi %get3A_1, %add3A_316 : vector<16xi32>
    %swap3A_318 = arith.constant 4 : i32
    %swap3A_319 = arith.index_cast %swap3A_318 : i32 to index
    %swap3A_320 = arith.constant 0 : index
    %swap3A_321 = tpu.vector_load %arg8[%swap3A_319, %swap3A_320] {strides = array<i32>} : memref<8x128xi32, #tpu.memory_space<vmem>>, vector<1x16xi32>,
    %swap3A_322 = vector.shape_cast %swap3A_321 : vector<1x16xi32> to vector<16xi32>
    %swap3A_323 = vector.shape_cast %add3A_317 : vector<16xi32> to vector<1x16xi32>
    tpu.vector_store %arg8[%swap3A_319, %swap3A_320], %swap3A_323 {strides = array<i32>} : memref<8x128xi32, #tpu.memory_space<vmem>>, vector<1x16xi32>,
    %add3A_324 = vector.broadcast %mul3A_315 : i32 to vector<16xi32>
    %add3A_325 = arith.addi %get3A_4, %add3A_324 : vector<16xi32>
    %swap3A_326 = arith.constant 4 : i32
    %swap3A_327 = arith.index_cast %swap3A_326 : i32 to index
    %swap3A_328 = arith.constant 16 : index
    %swap3A_329 = tpu.vector_load %arg8[%swap3A_327, %swap3A_328] {strides = array<i32>} : memref<8x128xi32, #tpu.memory_space<vmem>>, vector<1x16xi32>,
    %swap3A_330 = vector.shape_cast %swap3A_329 : vector<1x16xi32> to vector<16xi32>
    %swap3A_331 = vector.shape_cast %add3A_325 : vector<16xi32> to vector<1x16xi32>
    tpu.vector_store %arg8[%swap3A_327, %swap3A_328], %swap3A_331 {strides = array<i32>} : memref<8x128xi32, #tpu.memory_space<vmem>>, vector<1x16xi32>,
    %add3A_332 = vector.broadcast %mul3A_315 : i32 to vector<16xi32>
    %add3A_333 = arith.addi %get3A_7, %add3A_332 : vector<16xi32>
    %swap3A_334 = arith.constant 4 : i32
    %swap3A_335 = arith.index_cast %swap3A_334 : i32 to index
    %swap3A_336 = arith.constant 32 : index
    %swap3A_337 = tpu.vector_load %arg8[%swap3A_335, %swap3A_336] {strides = array<i32>} : memref<8x128xi32, #tpu.memory_space<vmem>>, vector<1x16xi32>,
    %swap3A_338 = vector.shape_cast %swap3A_337 : vector<1x16xi32> to vector<16xi32>
    %swap3A_339 = vector.shape_cast %add3A_333 : vector<16xi32> to vector<1x16xi32>
    tpu.vector_store %arg8[%swap3A_335, %swap3A_336], %swap3A_339 {strides = array<i32>} : memref<8x128xi32, #tpu.memory_space<vmem>>, vector<1x16xi32>,
    %add3A_340 = vector.broadcast %mul3A_315 : i32 to vector<16xi32>
    %add3A_341 = arith.addi %get3A_10, %add3A_340 : vector<16xi32>
    %swap3A_342 = arith.constant 4 : i32
    %swap3A_343 = arith.index_cast %swap3A_342 : i32 to index
    %swap3A_344 = arith.constant 48 : index
    %swap3A_345 = tpu.vector_load %arg8[%swap3A_343, %swap3A_344] {strides = array<i32>} : memref<8x128xi32, #tpu.memory_space<vmem>>, vector<1x16xi32>,
    %swap3A_346 = vector.shape_cast %swap3A_345 : vector<1x16xi32> to vector<16xi32>
    %swap3A_347 = vector.shape_cast %add3A_341 : vector<16xi32> to vector<1x16xi32>
    tpu.vector_store %arg8[%swap3A_343, %swap3A_344], %swap3A_347 {strides = array<i32>} : memref<8x128xi32, #tpu.memory_space<vmem>>, vector<1x16xi32>,
    %add3A_348 = vector.broadcast %mul3A_315 : i32 to vector<16xi32>
    %add3A_349 = arith.addi %get3A_13, %add3A_348 : vector<16xi32>
    %swap3A_350 = arith.constant 4 : i32
    %swap3A_351 = arith.index_cast %swap3A_350 : i32 to index
    %swap3A_352 = arith.constant 64 : index
    %swap3A_353 = tpu.vector_load %arg8[%swap3A_351, %swap3A_352] {strides = array<i32>} : memref<8x128xi32, #tpu.memory_space<vmem>>, vector<1x16xi32>,
    %swap3A_354 = vector.shape_cast %swap3A_353 : vector<1x16xi32> to vector<16xi32>
    %swap3A_355 = vector.shape_cast %add3A_349 : vector<16xi32> to vector<1x16xi32>
    tpu.vector_store %arg8[%swap3A_351, %swap3A_352], %swap3A_355 {strides = array<i32>} : memref<8x128xi32, #tpu.memory_space<vmem>>, vector<1x16xi32>,
    %add3A_356 = vector.broadcast %mul3A_315 : i32 to vector<16xi32>
    %add3A_357 = arith.addi %get3A_16, %add3A_356 : vector<16xi32>
    %swap3A_358 = arith.constant 4 : i32
    %swap3A_359 = arith.index_cast %swap3A_358 : i32 to index
    %swap3A_360 = arith.constant 80 : index
    %swap3A_361 = tpu.vector_load %arg8[%swap3A_359, %swap3A_360] {strides = array<i32>} : memref<8x128xi32, #tpu.memory_space<vmem>>, vector<1x16xi32>,
    %swap3A_362 = vector.shape_cast %swap3A_361 : vector<1x16xi32> to vector<16xi32>
    %swap3A_363 = vector.shape_cast %add3A_357 : vector<16xi32> to vector<1x16xi32>
    tpu.vector_store %arg8[%swap3A_359, %swap3A_360], %swap3A_363 {strides = array<i32>} : memref<8x128xi32, #tpu.memory_space<vmem>>, vector<1x16xi32>,
    %add3A_364 = vector.broadcast %mul3A_315 : i32 to vector<16xi32>
    %add3A_365 = arith.addi %get3A_19, %add3A_364 : vector<16xi32>
    %swap3A_366 = arith.constant 4 : i32
    %swap3A_367 = arith.index_cast %swap3A_366 : i32 to index
    %swap3A_368 = arith.constant 96 : index
    %swap3A_369 = tpu.vector_load %arg8[%swap3A_367, %swap3A_368] {strides = array<i32>} : memref<8x128xi32, #tpu.memory_space<vmem>>, vector<1x16xi32>,
    %swap3A_370 = vector.shape_cast %swap3A_369 : vector<1x16xi32> to vector<16xi32>
    %swap3A_371 = vector.shape_cast %add3A_365 : vector<16xi32> to vector<1x16xi32>
    tpu.vector_store %arg8[%swap3A_367, %swap3A_368], %swap3A_371 {strides = array<i32>} : memref<8x128xi32, #tpu.memory_space<vmem>>, vector<1x16xi32>,
    %add3A_372 = vector.broadcast %mul3A_315 : i32 to vector<16xi32>
    %add3A_373 = arith.addi %get3A_22, %add3A_372 : vector<16xi32>
    %swap3A_374 = arith.constant 4 : i32
    %swap3A_375 = arith.index_cast %swap3A_374 : i32 to index
    %swap3A_376 = arith.constant 112 : index
    %swap3A_377 = tpu.vector_load %arg8[%swap3A_375, %swap3A_376] {strides = array<i32>} : memref<8x128xi32, #tpu.memory_space<vmem>>, vector<1x16xi32>,
    %swap3A_378 = vector.shape_cast %swap3A_377 : vector<1x16xi32> to vector<16xi32>
    %swap3A_379 = vector.shape_cast %add3A_373 : vector<16xi32> to vector<1x16xi32>
    tpu.vector_store %arg8[%swap3A_375, %swap3A_376], %swap3A_379 {strides = array<i32>} : memref<8x128xi32, #tpu.memory_space<vmem>>, vector<1x16xi32>,
    %mul3A_380 = arith.constant 8 : i32
    %mul3A_381 = arith.muli %arg1, %mul3A_380 : i32
    %add3A_382 = arith.constant 0 : i32
    %add3A_383 = arith.addi %add3A_382, %mul3A_381 : i32
    %add3A_384 = arith.constant 5 : i32
    %add3A_385 = arith.addi %add3A_383, %add3A_384 : i32
    %mul3A_386 = arith.constant 147456 : i32
    %mul3A_387 = arith.muli %add3A_385, %mul3A_386 : i32
    %add3A_388 = vector.broadcast %mul3A_387 : i32 to vector<16xi32>
    %add3A_389 = arith.addi %get3A_1, %add3A_388 : vector<16xi32>
    %swap3A_390 = arith.constant 5 : i32
    %swap3A_391 = arith.index_cast %swap3A_390 : i32 to index
    %swap3A_392 = arith.constant 0 : index
    %swap3A_393 = tpu.vector_load %arg8[%swap3A_391, %swap3A_392] {strides = array<i32>} : memref<8x128xi32, #tpu.memory_space<vmem>>, vector<1x16xi32>,
    %swap3A_394 = vector.shape_cast %swap3A_393 : vector<1x16xi32> to vector<16xi32>
    %swap3A_395 = vector.shape_cast %add3A_389 : vector<16xi32> to vector<1x16xi32>
    tpu.vector_store %arg8[%swap3A_391, %swap3A_392], %swap3A_395 {strides = array<i32>} : memref<8x128xi32, #tpu.memory_space<vmem>>, vector<1x16xi32>,
    %add3A_396 = vector.broadcast %mul3A_387 : i32 to vector<16xi32>
    %add3A_397 = arith.addi %get3A_4, %add3A_396 : vector<16xi32>
    %swap3A_398 = arith.constant 5 : i32
    %swap3A_399 = arith.index_cast %swap3A_398 : i32 to index
    %swap3A_400 = arith.constant 16 : index
    %swap3A_401 = tpu.vector_load %arg8[%swap3A_399, %swap3A_400] {strides = array<i32>} : memref<8x128xi32, #tpu.memory_space<vmem>>, vector<1x16xi32>,
    %swap3A_402 = vector.shape_cast %swap3A_401 : vector<1x16xi32> to vector<16xi32>
    %swap3A_403 = vector.shape_cast %add3A_397 : vector<16xi32> to vector<1x16xi32>
    tpu.vector_store %arg8[%swap3A_399, %swap3A_400], %swap3A_403 {strides = array<i32>} : memref<8x128xi32, #tpu.memory_space<vmem>>, vector<1x16xi32>,
    %add3A_404 = vector.broadcast %mul3A_387 : i32 to vector<16xi32>
    %add3A_405 = arith.addi %get3A_7, %add3A_404 : vector<16xi32>
    %swap3A_406 = arith.constant 5 : i32
    %swap3A_407 = arith.index_cast %swap3A_406 : i32 to index
    %swap3A_408 = arith.constant 32 : index
    %swap3A_409 = tpu.vector_load %arg8[%swap3A_407, %swap3A_408] {strides = array<i32>} : memref<8x128xi32, #tpu.memory_space<vmem>>, vector<1x16xi32>,
    %swap3A_410 = vector.shape_cast %swap3A_409 : vector<1x16xi32> to vector<16xi32>
    %swap3A_411 = vector.shape_cast %add3A_405 : vector<16xi32> to vector<1x16xi32>
    tpu.vector_store %arg8[%swap3A_407, %swap3A_408], %swap3A_411 {strides = array<i32>} : memref<8x128xi32, #tpu.memory_space<vmem>>, vector<1x16xi32>,
    %add3A_412 = vector.broadcast %mul3A_387 : i32 to vector<16xi32>
    %add3A_413 = arith.addi %get3A_10, %add3A_412 : vector<16xi32>
    %swap3A_414 = arith.constant 5 : i32
    %swap3A_415 = arith.index_cast %swap3A_414 : i32 to index
    %swap3A_416 = arith.constant 48 : index
    %swap3A_417 = tpu.vector_load %arg8[%swap3A_415, %swap3A_416] {strides = array<i32>} : memref<8x128xi32, #tpu.memory_space<vmem>>, vector<1x16xi32>,
    %swap3A_418 = vector.shape_cast %swap3A_417 : vector<1x16xi32> to vector<16xi32>
    %swap3A_419 = vector.shape_cast %add3A_413 : vector<16xi32> to vector<1x16xi32>
    tpu.vector_store %arg8[%swap3A_415, %swap3A_416], %swap3A_419 {strides = array<i32>} : memref<8x128xi32, #tpu.memory_space<vmem>>, vector<1x16xi32>,
    %add3A_420 = vector.broadcast %mul3A_387 : i32 to vector<16xi32>
    %add3A_421 = arith.addi %get3A_13, %add3A_420 : vector<16xi32>
    %swap3A_422 = arith.constant 5 : i32
    %swap3A_423 = arith.index_cast %swap3A_422 : i32 to index
    %swap3A_424 = arith.constant 64 : index
    %swap3A_425 = tpu.vector_load %arg8[%swap3A_423, %swap3A_424] {strides = array<i32>} : memref<8x128xi32, #tpu.memory_space<vmem>>, vector<1x16xi32>,
    %swap3A_426 = vector.shape_cast %swap3A_425 : vector<1x16xi32> to vector<16xi32>
    %swap3A_427 = vector.shape_cast %add3A_421 : vector<16xi32> to vector<1x16xi32>
    tpu.vector_store %arg8[%swap3A_423, %swap3A_424], %swap3A_427 {strides = array<i32>} : memref<8x128xi32, #tpu.memory_space<vmem>>, vector<1x16xi32>,
    %add3A_428 = vector.broadcast %mul3A_387 : i32 to vector<16xi32>
    %add3A_429 = arith.addi %get3A_16, %add3A_428 : vector<16xi32>
    %swap3A_430 = arith.constant 5 : i32
    %swap3A_431 = arith.index_cast %swap3A_430 : i32 to index
    %swap3A_432 = arith.constant 80 : index
    %swap3A_433 = tpu.vector_load %arg8[%swap3A_431, %swap3A_432] {strides = array<i32>} : memref<8x128xi32, #tpu.memory_space<vmem>>, vector<1x16xi32>,
    %swap3A_434 = vector.shape_cast %swap3A_433 : vector<1x16xi32> to vector<16xi32>
    %swap3A_435 = vector.shape_cast %add3A_429 : vector<16xi32> to vector<1x16xi32>
    tpu.vector_store %arg8[%swap3A_431, %swap3A_432], %swap3A_435 {strides = array<i32>} : memref<8x128xi32, #tpu.memory_space<vmem>>, vector<1x16xi32>,
    %add3A_436 = vector.broadcast %mul3A_387 : i32 to vector<16xi32>
    %add3A_437 = arith.addi %get3A_19, %add3A_436 : vector<16xi32>
    %swap3A_438 = arith.constant 5 : i32
    %swap3A_439 = arith.index_cast %swap3A_438 : i32 to index
    %swap3A_440 = arith.constant 96 : index
    %swap3A_441 = tpu.vector_load %arg8[%swap3A_439, %swap3A_440] {strides = array<i32>} : memref<8x128xi32, #tpu.memory_space<vmem>>, vector<1x16xi32>,
    %swap3A_442 = vector.shape_cast %swap3A_441 : vector<1x16xi32> to vector<16xi32>
    %swap3A_443 = vector.shape_cast %add3A_437 : vector<16xi32> to vector<1x16xi32>
    tpu.vector_store %arg8[%swap3A_439, %swap3A_440], %swap3A_443 {strides = array<i32>} : memref<8x128xi32, #tpu.memory_space<vmem>>, vector<1x16xi32>,
    %add3A_444 = vector.broadcast %mul3A_387 : i32 to vector<16xi32>
    %add3A_445 = arith.addi %get3A_22, %add3A_444 : vector<16xi32>
    %swap3A_446 = arith.constant 5 : i32
    %swap3A_447 = arith.index_cast %swap3A_446 : i32 to index
    %swap3A_448 = arith.constant 112 : index
    %swap3A_449 = tpu.vector_load %arg8[%swap3A_447, %swap3A_448] {strides = array<i32>} : memref<8x128xi32, #tpu.memory_space<vmem>>, vector<1x16xi32>,
    %swap3A_450 = vector.shape_cast %swap3A_449 : vector<1x16xi32> to vector<16xi32>
    %swap3A_451 = vector.shape_cast %add3A_445 : vector<16xi32> to vector<1x16xi32>
    tpu.vector_store %arg8[%swap3A_447, %swap3A_448], %swap3A_451 {strides = array<i32>} : memref<8x128xi32, #tpu.memory_space<vmem>>, vector<1x16xi32>,
    %mul3A_452 = arith.constant 8 : i32
    %mul3A_453 = arith.muli %arg1, %mul3A_452 : i32
    %add3A_454 = arith.constant 0 : i32
    %add3A_455 = arith.addi %add3A_454, %mul3A_453 : i32
    %add3A_456 = arith.constant 6 : i32
    %add3A_457 = arith.addi %add3A_455, %add3A_456 : i32
    %mul3A_458 = arith.constant 147456 : i32
    %mul3A_459 = arith.muli %add3A_457, %mul3A_458 : i32
    %add3A_460 = vector.broadcast %mul3A_459 : i32 to vector<16xi32>
    %add3A_461 = arith.addi %get3A_1, %add3A_460 : vector<16xi32>
    %swap3A_462 = arith.constant 6 : i32
    %swap3A_463 = arith.index_cast %swap3A_462 : i32 to index
    %swap3A_464 = arith.constant 0 : index
    %swap3A_465 = tpu.vector_load %arg8[%swap3A_463, %swap3A_464] {strides = array<i32>} : memref<8x128xi32, #tpu.memory_space<vmem>>, vector<1x16xi32>,
    %swap3A_466 = vector.shape_cast %swap3A_465 : vector<1x16xi32> to vector<16xi32>
    %swap3A_467 = vector.shape_cast %add3A_461 : vector<16xi32> to vector<1x16xi32>
    tpu.vector_store %arg8[%swap3A_463, %swap3A_464], %swap3A_467 {strides = array<i32>} : memref<8x128xi32, #tpu.memory_space<vmem>>, vector<1x16xi32>,
    %add3A_468 = vector.broadcast %mul3A_459 : i32 to vector<16xi32>
    %add3A_469 = arith.addi %get3A_4, %add3A_468 : vector<16xi32>
    %swap3A_470 = arith.constant 6 : i32
    %swap3A_471 = arith.index_cast %swap3A_470 : i32 to index
    %swap3A_472 = arith.constant 16 : index
    %swap3A_473 = tpu.vector_load %arg8[%swap3A_471, %swap3A_472] {strides = array<i32>} : memref<8x128xi32, #tpu.memory_space<vmem>>, vector<1x16xi32>,
    %swap3A_474 = vector.shape_cast %swap3A_473 : vector<1x16xi32> to vector<16xi32>
    %swap3A_475 = vector.shape_cast %add3A_469 : vector<16xi32> to vector<1x16xi32>
    tpu.vector_store %arg8[%swap3A_471, %swap3A_472], %swap3A_475 {strides = array<i32>} : memref<8x128xi32, #tpu.memory_space<vmem>>, vector<1x16xi32>,
    %add3A_476 = vector.broadcast %mul3A_459 : i32 to vector<16xi32>
    %add3A_477 = arith.addi %get3A_7, %add3A_476 : vector<16xi32>
    %swap3A_478 = arith.constant 6 : i32
    %swap3A_479 = arith.index_cast %swap3A_478 : i32 to index
    %swap3A_480 = arith.constant 32 : index
    %swap3A_481 = tpu.vector_load %arg8[%swap3A_479, %swap3A_480] {strides = array<i32>} : memref<8x128xi32, #tpu.memory_space<vmem>>, vector<1x16xi32>,
    %swap3A_482 = vector.shape_cast %swap3A_481 : vector<1x16xi32> to vector<16xi32>
    %swap3A_483 = vector.shape_cast %add3A_477 : vector<16xi32> to vector<1x16xi32>
    tpu.vector_store %arg8[%swap3A_479, %swap3A_480], %swap3A_483 {strides = array<i32>} : memref<8x128xi32, #tpu.memory_space<vmem>>, vector<1x16xi32>,
    %add3A_484 = vector.broadcast %mul3A_459 : i32 to vector<16xi32>
    %add3A_485 = arith.addi %get3A_10, %add3A_484 : vector<16xi32>
    %swap3A_486 = arith.constant 6 : i32
    %swap3A_487 = arith.index_cast %swap3A_486 : i32 to index
    %swap3A_488 = arith.constant 48 : index
    %swap3A_489 = tpu.vector_load %arg8[%swap3A_487, %swap3A_488] {strides = array<i32>} : memref<8x128xi32, #tpu.memory_space<vmem>>, vector<1x16xi32>,
    %swap3A_490 = vector.shape_cast %swap3A_489 : vector<1x16xi32> to vector<16xi32>
    %swap3A_491 = vector.shape_cast %add3A_485 : vector<16xi32> to vector<1x16xi32>
    tpu.vector_store %arg8[%swap3A_487, %swap3A_488], %swap3A_491 {strides = array<i32>} : memref<8x128xi32, #tpu.memory_space<vmem>>, vector<1x16xi32>,
    %add3A_492 = vector.broadcast %mul3A_459 : i32 to vector<16xi32>
    %add3A_493 = arith.addi %get3A_13, %add3A_492 : vector<16xi32>
    %swap3A_494 = arith.constant 6 : i32
    %swap3A_495 = arith.index_cast %swap3A_494 : i32 to index
    %swap3A_496 = arith.constant 64 : index
    %swap3A_497 = tpu.vector_load %arg8[%swap3A_495, %swap3A_496] {strides = array<i32>} : memref<8x128xi32, #tpu.memory_space<vmem>>, vector<1x16xi32>,
    %swap3A_498 = vector.shape_cast %swap3A_497 : vector<1x16xi32> to vector<16xi32>
    %swap3A_499 = vector.shape_cast %add3A_493 : vector<16xi32> to vector<1x16xi32>
    tpu.vector_store %arg8[%swap3A_495, %swap3A_496], %swap3A_499 {strides = array<i32>} : memref<8x128xi32, #tpu.memory_space<vmem>>, vector<1x16xi32>,
    %add3A_500 = vector.broadcast %mul3A_459 : i32 to vector<16xi32>
    %add3A_501 = arith.addi %get3A_16, %add3A_500 : vector<16xi32>
    %swap3A_502 = arith.constant 6 : i32
    %swap3A_503 = arith.index_cast %swap3A_502 : i32 to index
    %swap3A_504 = arith.constant 80 : index
    %swap3A_505 = tpu.vector_load %arg8[%swap3A_503, %swap3A_504] {strides = array<i32>} : memref<8x128xi32, #tpu.memory_space<vmem>>, vector<1x16xi32>,
    %swap3A_506 = vector.shape_cast %swap3A_505 : vector<1x16xi32> to vector<16xi32>
    %swap3A_507 = vector.shape_cast %add3A_501 : vector<16xi32> to vector<1x16xi32>
    tpu.vector_store %arg8[%swap3A_503, %swap3A_504], %swap3A_507 {strides = array<i32>} : memref<8x128xi32, #tpu.memory_space<vmem>>, vector<1x16xi32>,
    %add3A_508 = vector.broadcast %mul3A_459 : i32 to vector<16xi32>
    %add3A_509 = arith.addi %get3A_19, %add3A_508 : vector<16xi32>
    %swap3A_510 = arith.constant 6 : i32
    %swap3A_511 = arith.index_cast %swap3A_510 : i32 to index
    %swap3A_512 = arith.constant 96 : index
    %swap3A_513 = tpu.vector_load %arg8[%swap3A_511, %swap3A_512] {strides = array<i32>} : memref<8x128xi32, #tpu.memory_space<vmem>>, vector<1x16xi32>,
    %swap3A_514 = vector.shape_cast %swap3A_513 : vector<1x16xi32> to vector<16xi32>
    %swap3A_515 = vector.shape_cast %add3A_509 : vector<16xi32> to vector<1x16xi32>
    tpu.vector_store %arg8[%swap3A_511, %swap3A_512], %swap3A_515 {strides = array<i32>} : memref<8x128xi32, #tpu.memory_space<vmem>>, vector<1x16xi32>,
    %add3A_516 = vector.broadcast %mul3A_459 : i32 to vector<16xi32>
    %add3A_517 = arith.addi %get3A_22, %add3A_516 : vector<16xi32>
    %swap3A_518 = arith.constant 6 : i32
    %swap3A_519 = arith.index_cast %swap3A_518 : i32 to index
    %swap3A_520 = arith.constant 112 : index
    %swap3A_521 = tpu.vector_load %arg8[%swap3A_519, %swap3A_520] {strides = array<i32>} : memref<8x128xi32, #tpu.memory_space<vmem>>, vector<1x16xi32>,
    %swap3A_522 = vector.shape_cast %swap3A_521 : vector<1x16xi32> to vector<16xi32>
    %swap3A_523 = vector.shape_cast %add3A_517 : vector<16xi32> to vector<1x16xi32>
    tpu.vector_store %arg8[%swap3A_519, %swap3A_520], %swap3A_523 {strides = array<i32>} : memref<8x128xi32, #tpu.memory_space<vmem>>, vector<1x16xi32>,
    %mul3A_524 = arith.constant 8 : i32
    %mul3A_525 = arith.muli %arg1, %mul3A_524 : i32
    %add3A_526 = arith.constant 0 : i32
    %add3A_527 = arith.addi %add3A_526, %mul3A_525 : i32
    %add3A_528 = arith.constant 7 : i32
    %add3A_529 = arith.addi %add3A_527, %add3A_528 : i32
    %mul3A_530 = arith.constant 147456 : i32
    %mul3A_531 = arith.muli %add3A_529, %mul3A_530 : i32
    %add3A_532 = vector.broadcast %mul3A_531 : i32 to vector<16xi32>
    %add3A_533 = arith.addi %get3A_1, %add3A_532 : vector<16xi32>
    %swap3A_534 = arith.constant 7 : i32
    %swap3A_535 = arith.index_cast %swap3A_534 : i32 to index
    %swap3A_536 = arith.constant 0 : index
    %swap3A_537 = tpu.vector_load %arg8[%swap3A_535, %swap3A_536] {strides = array<i32>} : memref<8x128xi32, #tpu.memory_space<vmem>>, vector<1x16xi32>,
    %swap3A_538 = vector.shape_cast %swap3A_537 : vector<1x16xi32> to vector<16xi32>
    %swap3A_539 = vector.shape_cast %add3A_533 : vector<16xi32> to vector<1x16xi32>
    tpu.vector_store %arg8[%swap3A_535, %swap3A_536], %swap3A_539 {strides = array<i32>} : memref<8x128xi32, #tpu.memory_space<vmem>>, vector<1x16xi32>,
    %add3A_540 = vector.broadcast %mul3A_531 : i32 to vector<16xi32>
    %add3A_541 = arith.addi %get3A_4, %add3A_540 : vector<16xi32>
    %swap3A_542 = arith.constant 7 : i32
    %swap3A_543 = arith.index_cast %swap3A_542 : i32 to index
    %swap3A_544 = arith.constant 16 : index
    %swap3A_545 = tpu.vector_load %arg8[%swap3A_543, %swap3A_544] {strides = array<i32>} : memref<8x128xi32, #tpu.memory_space<vmem>>, vector<1x16xi32>,
    %swap3A_546 = vector.shape_cast %swap3A_545 : vector<1x16xi32> to vector<16xi32>
    %swap3A_547 = vector.shape_cast %add3A_541 : vector<16xi32> to vector<1x16xi32>
    tpu.vector_store %arg8[%swap3A_543, %swap3A_544], %swap3A_547 {strides = array<i32>} : memref<8x128xi32, #tpu.memory_space<vmem>>, vector<1x16xi32>,
    %add3A_548 = vector.broadcast %mul3A_531 : i32 to vector<16xi32>
    %add3A_549 = arith.addi %get3A_7, %add3A_548 : vector<16xi32>
    %swap3A_550 = arith.constant 7 : i32
    %swap3A_551 = arith.index_cast %swap3A_550 : i32 to index
    %swap3A_552 = arith.constant 32 : index
    %swap3A_553 = tpu.vector_load %arg8[%swap3A_551, %swap3A_552] {strides = array<i32>} : memref<8x128xi32, #tpu.memory_space<vmem>>, vector<1x16xi32>,
    %swap3A_554 = vector.shape_cast %swap3A_553 : vector<1x16xi32> to vector<16xi32>
    %swap3A_555 = vector.shape_cast %add3A_549 : vector<16xi32> to vector<1x16xi32>
    tpu.vector_store %arg8[%swap3A_551, %swap3A_552], %swap3A_555 {strides = array<i32>} : memref<8x128xi32, #tpu.memory_space<vmem>>, vector<1x16xi32>,
    %add3A_556 = vector.broadcast %mul3A_531 : i32 to vector<16xi32>
    %add3A_557 = arith.addi %get3A_10, %add3A_556 : vector<16xi32>
    %swap3A_558 = arith.constant 7 : i32
    %swap3A_559 = arith.index_cast %swap3A_558 : i32 to index
    %swap3A_560 = arith.constant 48 : index
    %swap3A_561 = tpu.vector_load %arg8[%swap3A_559, %swap3A_560] {strides = array<i32>} : memref<8x128xi32, #tpu.memory_space<vmem>>, vector<1x16xi32>,
    %swap3A_562 = vector.shape_cast %swap3A_561 : vector<1x16xi32> to vector<16xi32>
    %swap3A_563 = vector.shape_cast %add3A_557 : vector<16xi32> to vector<1x16xi32>
    tpu.vector_store %arg8[%swap3A_559, %swap3A_560], %swap3A_563 {strides = array<i32>} : memref<8x128xi32, #tpu.memory_space<vmem>>, vector<1x16xi32>,
    %add3A_564 = vector.broadcast %mul3A_531 : i32 to vector<16xi32>
    %add3A_565 = arith.addi %get3A_13, %add3A_564 : vector<16xi32>
    %swap3A_566 = arith.constant 7 : i32
    %swap3A_567 = arith.index_cast %swap3A_566 : i32 to index
    %swap3A_568 = arith.constant 64 : index
    %swap3A_569 = tpu.vector_load %arg8[%swap3A_567, %swap3A_568] {strides = array<i32>} : memref<8x128xi32, #tpu.memory_space<vmem>>, vector<1x16xi32>,
    %swap3A_570 = vector.shape_cast %swap3A_569 : vector<1x16xi32> to vector<16xi32>
    %swap3A_571 = vector.shape_cast %add3A_565 : vector<16xi32> to vector<1x16xi32>
    tpu.vector_store %arg8[%swap3A_567, %swap3A_568], %swap3A_571 {strides = array<i32>} : memref<8x128xi32, #tpu.memory_space<vmem>>, vector<1x16xi32>,
    %add3A_572 = vector.broadcast %mul3A_531 : i32 to vector<16xi32>
    %add3A_573 = arith.addi %get3A_16, %add3A_572 : vector<16xi32>
    %swap3A_574 = arith.constant 7 : i32
    %swap3A_575 = arith.index_cast %swap3A_574 : i32 to index
    %swap3A_576 = arith.constant 80 : index
    %swap3A_577 = tpu.vector_load %arg8[%swap3A_575, %swap3A_576] {strides = array<i32>} : memref<8x128xi32, #tpu.memory_space<vmem>>, vector<1x16xi32>,
    %swap3A_578 = vector.shape_cast %swap3A_577 : vector<1x16xi32> to vector<16xi32>
    %swap3A_579 = vector.shape_cast %add3A_573 : vector<16xi32> to vector<1x16xi32>
    tpu.vector_store %arg8[%swap3A_575, %swap3A_576], %swap3A_579 {strides = array<i32>} : memref<8x128xi32, #tpu.memory_space<vmem>>, vector<1x16xi32>,
    %add3A_580 = vector.broadcast %mul3A_531 : i32 to vector<16xi32>
    %add3A_581 = arith.addi %get3A_19, %add3A_580 : vector<16xi32>
    %swap3A_582 = arith.constant 7 : i32
    %swap3A_583 = arith.index_cast %swap3A_582 : i32 to index
    %swap3A_584 = arith.constant 96 : index
    %swap3A_585 = tpu.vector_load %arg8[%swap3A_583, %swap3A_584] {strides = array<i32>} : memref<8x128xi32, #tpu.memory_space<vmem>>, vector<1x16xi32>,
    %swap3A_586 = vector.shape_cast %swap3A_585 : vector<1x16xi32> to vector<16xi32>
    %swap3A_587 = vector.shape_cast %add3A_581 : vector<16xi32> to vector<1x16xi32>
    tpu.vector_store %arg8[%swap3A_583, %swap3A_584], %swap3A_587 {strides = array<i32>} : memref<8x128xi32, #tpu.memory_space<vmem>>, vector<1x16xi32>,
    %add3A_588 = vector.broadcast %mul3A_531 : i32 to vector<16xi32>
    %add3A_589 = arith.addi %get3A_22, %add3A_588 : vector<16xi32>
    %swap3A_590 = arith.constant 7 : i32
    %swap3A_591 = arith.index_cast %swap3A_590 : i32 to index
    %swap3A_592 = arith.constant 112 : index
    %swap3A_593 = tpu.vector_load %arg8[%swap3A_591, %swap3A_592] {strides = array<i32>} : memref<8x128xi32, #tpu.memory_space<vmem>>, vector<1x16xi32>,
    %swap3A_594 = vector.shape_cast %swap3A_593 : vector<1x16xi32> to vector<16xi32>
    %swap3A_595 = vector.shape_cast %add3A_589 : vector<16xi32> to vector<1x16xi32>
    tpu.vector_store %arg8[%swap3A_591, %swap3A_592], %swap3A_595 {strides = array<i32>} : memref<8x128xi32, #tpu.memory_space<vmem>>, vector<1x16xi32>,
    %dma_start3A = arith.constant 0 : i32
    %dma_start3A_596 = arith.constant 0 : i32
    %dma_start3A_597 = arith.constant 0 : i32
    %dma_start3A_598 = tpu.memref_slice %arg9[%dma_start3A_596, %dma_start3A_597] : memref<8x128xf32, #tpu.memory_space<vmem>> -> memref<1x128xf32, #tpu.memory_space<vmem>>
    %dma_start3A_599 = tpu.memref_squeeze %dma_start3A_598 : memref<1x128xf32, #tpu.memory_space<vmem>> -> memref<128xf32, #tpu.memory_space<vmem>>
    %dma_start3A_600 = arith.constant 0 : i32
    %dma_start3A_601 = tpu.memref_slice %arg8[%dma_start3A, %dma_start3A_600] : memref<8x128xi32, #tpu.memory_space<vmem>> -> memref<1x128xi32, #tpu.memory_space<vmem>>
    %dma_start3A_602 = tpu.memref_squeeze %dma_start3A_601 : memref<1x128xi32, #tpu.memory_space<vmem>> -> memref<128xi32, #tpu.memory_space<vmem>>
    %dma_start3A_603 = arith.constant 0 : i32
    %dma_start3A_604 = tpu.memref_slice %arg3[%dma_start3A_603] : memref<37748736xf32, #tpu.memory_space<hbm>> -> memref<37748736xf32, #tpu.memory_space<hbm>>
    tpu.enqueue_indirect_dma source(%dma_start3A_604 : memref<37748736xf32, #tpu.memory_space<hbm>>) target(%dma_start3A_599 : memref<128xf32, #tpu.memory_space<vmem>>) offsets(%dma_start3A_602 : memref<128xi32, #tpu.memory_space<vmem>>) semaphore(%arg12 : memref<!tpu.dma_semaphore, #tpu.memory_space<semaphore_mem>>)
    %dma_start3A_605 = arith.constant 1 : i32
    %dma_start3A_606 = arith.constant 1 : i32
    %dma_start3A_607 = arith.constant 0 : i32
    %dma_start3A_608 = tpu.memref_slice %arg9[%dma_start3A_606, %dma_start3A_607] : memref<8x128xf32, #tpu.memory_space<vmem>> -> memref<1x128xf32, #tpu.memory_space<vmem>>
    %dma_start3A_609 = tpu.memref_squeeze %dma_start3A_608 : memref<1x128xf32, #tpu.memory_space<vmem>> -> memref<128xf32, #tpu.memory_space<vmem>>
    %dma_start3A_610 = arith.constant 0 : i32
    %dma_start3A_611 = tpu.memref_slice %arg8[%dma_start3A_605, %dma_start3A_610] : memref<8x128xi32, #tpu.memory_space<vmem>> -> memref<1x128xi32, #tpu.memory_space<vmem>>
    %dma_start3A_612 = tpu.memref_squeeze %dma_start3A_611 : memref<1x128xi32, #tpu.memory_space<vmem>> -> memref<128xi32, #tpu.memory_space<vmem>>
    %dma_start3A_613 = arith.constant 0 : i32
    %dma_start3A_614 = tpu.memref_slice %arg3[%dma_start3A_613] : memref<37748736xf32, #tpu.memory_space<hbm>> -> memref<37748736xf32, #tpu.memory_space<hbm>>
    tpu.enqueue_indirect_dma source(%dma_start3A_614 : memref<37748736xf32, #tpu.memory_space<hbm>>) target(%dma_start3A_609 : memref<128xf32, #tpu.memory_space<vmem>>) offsets(%dma_start3A_612 : memref<128xi32, #tpu.memory_space<vmem>>) semaphore(%arg12 : memref<!tpu.dma_semaphore, #tpu.memory_space<semaphore_mem>>)
    %dma_start3A_615 = arith.constant 2 : i32
    %dma_start3A_616 = arith.constant 2 : i32
    %dma_start3A_617 = arith.constant 0 : i32
    %dma_start3A_618 = tpu.memref_slice %arg9[%dma_start3A_616, %dma_start3A_617] : memref<8x128xf32, #tpu.memory_space<vmem>> -> memref<1x128xf32, #tpu.memory_space<vmem>>
    %dma_start3A_619 = tpu.memref_squeeze %dma_start3A_618 : memref<1x128xf32, #tpu.memory_space<vmem>> -> memref<128xf32, #tpu.memory_space<vmem>>
    %dma_start3A_620 = arith.constant 0 : i32
    %dma_start3A_621 = tpu.memref_slice %arg8[%dma_start3A_615, %dma_start3A_620] : memref<8x128xi32, #tpu.memory_space<vmem>> -> memref<1x128xi32, #tpu.memory_space<vmem>>
    %dma_start3A_622 = tpu.memref_squeeze %dma_start3A_621 : memref<1x128xi32, #tpu.memory_space<vmem>> -> memref<128xi32, #tpu.memory_space<vmem>>
    %dma_start3A_623 = arith.constant 0 : i32
    %dma_start3A_624 = tpu.memref_slice %arg3[%dma_start3A_623] : memref<37748736xf32, #tpu.memory_space<hbm>> -> memref<37748736xf32, #tpu.memory_space<hbm>>
    tpu.enqueue_indirect_dma source(%dma_start3A_624 : memref<37748736xf32, #tpu.memory_space<hbm>>) target(%dma_start3A_619 : memref<128xf32, #tpu.memory_space<vmem>>) offsets(%dma_start3A_622 : memref<128xi32, #tpu.memory_space<vmem>>) semaphore(%arg12 : memref<!tpu.dma_semaphore, #tpu.memory_space<semaphore_mem>>)
    %dma_start3A_625 = arith.constant 3 : i32
    %dma_start3A_626 = arith.constant 3 : i32
    %dma_start3A_627 = arith.constant 0 : i32
    %dma_start3A_628 = tpu.memref_slice %arg9[%dma_start3A_626, %dma_start3A_627] : memref<8x128xf32, #tpu.memory_space<vmem>> -> memref<1x128xf32, #tpu.memory_space<vmem>>
    %dma_start3A_629 = tpu.memref_squeeze %dma_start3A_628 : memref<1x128xf32, #tpu.memory_space<vmem>> -> memref<128xf32, #tpu.memory_space<vmem>>
    %dma_start3A_630 = arith.constant 0 : i32
    %dma_start3A_631 = tpu.memref_slice %arg8[%dma_start3A_625, %dma_start3A_630] : memref<8x128xi32, #tpu.memory_space<vmem>> -> memref<1x128xi32, #tpu.memory_space<vmem>>
    %dma_start3A_632 = tpu.memref_squeeze %dma_start3A_631 : memref<1x128xi32, #tpu.memory_space<vmem>> -> memref<128xi32, #tpu.memory_space<vmem>>
    %dma_start3A_633 = arith.constant 0 : i32
    %dma_start3A_634 = tpu.memref_slice %arg3[%dma_start3A_633] : memref<37748736xf32, #tpu.memory_space<hbm>> -> memref<37748736xf32, #tpu.memory_space<hbm>>
    tpu.enqueue_indirect_dma source(%dma_start3A_634 : memref<37748736xf32, #tpu.memory_space<hbm>>) target(%dma_start3A_629 : memref<128xf32, #tpu.memory_space<vmem>>) offsets(%dma_start3A_632 : memref<128xi32, #tpu.memory_space<vmem>>) semaphore(%arg12 : memref<!tpu.dma_semaphore, #tpu.memory_space<semaphore_mem>>)
    %dma_start3A_635 = arith.constant 4 : i32
    %dma_start3A_636 = arith.constant 4 : i32
    %dma_start3A_637 = arith.constant 0 : i32
    %dma_start3A_638 = tpu.memref_slice %arg9[%dma_start3A_636, %dma_start3A_637] : memref<8x128xf32, #tpu.memory_space<vmem>> -> memref<1x128xf32, #tpu.memory_space<vmem>>
    %dma_start3A_639 = tpu.memref_squeeze %dma_start3A_638 : memref<1x128xf32, #tpu.memory_space<vmem>> -> memref<128xf32, #tpu.memory_space<vmem>>
    %dma_start3A_640 = arith.constant 0 : i32
    %dma_start3A_641 = tpu.memref_slice %arg8[%dma_start3A_635, %dma_start3A_640] : memref<8x128xi32, #tpu.memory_space<vmem>> -> memref<1x128xi32, #tpu.memory_space<vmem>>
    %dma_start3A_642 = tpu.memref_squeeze %dma_start3A_641 : memref<1x128xi32, #tpu.memory_space<vmem>> -> memref<128xi32, #tpu.memory_space<vmem>>
    %dma_start3A_643 = arith.constant 0 : i32
    %dma_start3A_644 = tpu.memref_slice %arg3[%dma_start3A_643] : memref<37748736xf32, #tpu.memory_space<hbm>> -> memref<37748736xf32, #tpu.memory_space<hbm>>
    tpu.enqueue_indirect_dma source(%dma_start3A_644 : memref<37748736xf32, #tpu.memory_space<hbm>>) target(%dma_start3A_639 : memref<128xf32, #tpu.memory_space<vmem>>) offsets(%dma_start3A_642 : memref<128xi32, #tpu.memory_space<vmem>>) semaphore(%arg12 : memref<!tpu.dma_semaphore, #tpu.memory_space<semaphore_mem>>)
    %dma_start3A_645 = arith.constant 5 : i32
    %dma_start3A_646 = arith.constant 5 : i32
    %dma_start3A_647 = arith.constant 0 : i32
    %dma_start3A_648 = tpu.memref_slice %arg9[%dma_start3A_646, %dma_start3A_647] : memref<8x128xf32, #tpu.memory_space<vmem>> -> memref<1x128xf32, #tpu.memory_space<vmem>>
    %dma_start3A_649 = tpu.memref_squeeze %dma_start3A_648 : memref<1x128xf32, #tpu.memory_space<vmem>> -> memref<128xf32, #tpu.memory_space<vmem>>
    %dma_start3A_650 = arith.constant 0 : i32
    %dma_start3A_651 = tpu.memref_slice %arg8[%dma_start3A_645, %dma_start3A_650] : memref<8x128xi32, #tpu.memory_space<vmem>> -> memref<1x128xi32, #tpu.memory_space<vmem>>
    %dma_start3A_652 = tpu.memref_squeeze %dma_start3A_651 : memref<1x128xi32, #tpu.memory_space<vmem>> -> memref<128xi32, #tpu.memory_space<vmem>>
    %dma_start3A_653 = arith.constant 0 : i32
    %dma_start3A_654 = tpu.memref_slice %arg3[%dma_start3A_653] : memref<37748736xf32, #tpu.memory_space<hbm>> -> memref<37748736xf32, #tpu.memory_space<hbm>>
    tpu.enqueue_indirect_dma source(%dma_start3A_654 : memref<37748736xf32, #tpu.memory_space<hbm>>) target(%dma_start3A_649 : memref<128xf32, #tpu.memory_space<vmem>>) offsets(%dma_start3A_652 : memref<128xi32, #tpu.memory_space<vmem>>) semaphore(%arg12 : memref<!tpu.dma_semaphore, #tpu.memory_space<semaphore_mem>>)
    %dma_start3A_655 = arith.constant 6 : i32
    %dma_start3A_656 = arith.constant 6 : i32
    %dma_start3A_657 = arith.constant 0 : i32
    %dma_start3A_658 = tpu.memref_slice %arg9[%dma_start3A_656, %dma_start3A_657] : memref<8x128xf32, #tpu.memory_space<vmem>> -> memref<1x128xf32, #tpu.memory_space<vmem>>
    %dma_start3A_659 = tpu.memref_squeeze %dma_start3A_658 : memref<1x128xf32, #tpu.memory_space<vmem>> -> memref<128xf32, #tpu.memory_space<vmem>>
    %dma_start3A_660 = arith.constant 0 : i32
    %dma_start3A_661 = tpu.memref_slice %arg8[%dma_start3A_655, %dma_start3A_660] : memref<8x128xi32, #tpu.memory_space<vmem>> -> memref<1x128xi32, #tpu.memory_space<vmem>>
    %dma_start3A_662 = tpu.memref_squeeze %dma_start3A_661 : memref<1x128xi32, #tpu.memory_space<vmem>> -> memref<128xi32, #tpu.memory_space<vmem>>
    %dma_start3A_663 = arith.constant 0 : i32
    %dma_start3A_664 = tpu.memref_slice %arg3[%dma_start3A_663] : memref<37748736xf32, #tpu.memory_space<hbm>> -> memref<37748736xf32, #tpu.memory_space<hbm>>
    tpu.enqueue_indirect_dma source(%dma_start3A_664 : memref<37748736xf32, #tpu.memory_space<hbm>>) target(%dma_start3A_659 : memref<128xf32, #tpu.memory_space<vmem>>) offsets(%dma_start3A_662 : memref<128xi32, #tpu.memory_space<vmem>>) semaphore(%arg12 : memref<!tpu.dma_semaphore, #tpu.memory_space<semaphore_mem>>)
    %dma_start3A_665 = arith.constant 7 : i32
    %dma_start3A_666 = arith.constant 7 : i32
    %dma_start3A_667 = arith.constant 0 : i32
    %dma_start3A_668 = tpu.memref_slice %arg9[%dma_start3A_666, %dma_start3A_667] : memref<8x128xf32, #tpu.memory_space<vmem>> -> memref<1x128xf32, #tpu.memory_space<vmem>>
    %dma_start3A_669 = tpu.memref_squeeze %dma_start3A_668 : memref<1x128xf32, #tpu.memory_space<vmem>> -> memref<128xf32, #tpu.memory_space<vmem>>
    %dma_start3A_670 = arith.constant 0 : i32
    %dma_start3A_671 = tpu.memref_slice %arg8[%dma_start3A_665, %dma_start3A_670] : memref<8x128xi32, #tpu.memory_space<vmem>> -> memref<1x128xi32, #tpu.memory_space<vmem>>
    %dma_start3A_672 = tpu.memref_squeeze %dma_start3A_671 : memref<1x128xi32, #tpu.memory_space<vmem>> -> memref<128xi32, #tpu.memory_space<vmem>>
    %dma_start3A_673 = arith.constant 0 : i32
    %dma_start3A_674 = tpu.memref_slice %arg3[%dma_start3A_673] : memref<37748736xf32, #tpu.memory_space<hbm>> -> memref<37748736xf32, #tpu.memory_space<hbm>>
    tpu.enqueue_indirect_dma source(%dma_start3A_674 : memref<37748736xf32, #tpu.memory_space<hbm>>) target(%dma_start3A_669 : memref<128xf32, #tpu.memory_space<vmem>>) offsets(%dma_start3A_672 : memref<128xi32, #tpu.memory_space<vmem>>) semaphore(%arg12 : memref<!tpu.dma_semaphore, #tpu.memory_space<semaphore_mem>>)
    %dma_wait3A = arith.constant 0 : i32
    %dma_wait3A_675 = arith.constant 0 : i32
    %dma_wait3A_676 = arith.constant 0 : i32
    %dma_wait3A_677 = tpu.memref_slice %arg9[%dma_wait3A_675, %dma_wait3A_676] : memref<8x128xf32, #tpu.memory_space<vmem>> -> memref<1x128xf32, #tpu.memory_space<vmem>>
    %dma_wait3A_678 = tpu.memref_squeeze %dma_wait3A_677 : memref<1x128xf32, #tpu.memory_space<vmem>> -> memref<128xf32, #tpu.memory_space<vmem>>
    %dma_wait3A_679 = arith.constant 0 : i32
    %dma_wait3A_680 = tpu.memref_slice %arg8[%dma_wait3A, %dma_wait3A_679] : memref<8x128xi32, #tpu.memory_space<vmem>> -> memref<1x128xi32, #tpu.memory_space<vmem>>
    %dma_wait3A_681 = tpu.memref_squeeze %dma_wait3A_680 : memref<1x128xi32, #tpu.memory_space<vmem>> -> memref<128xi32, #tpu.memory_space<vmem>>
    %dma_wait3A_682 = arith.constant 0 : i32
    %dma_wait3A_683 = tpu.memref_slice %arg3[%dma_wait3A_682] : memref<37748736xf32, #tpu.memory_space<hbm>> -> memref<37748736xf32, #tpu.memory_space<hbm>>
    tpu.wait_indirect_dma semaphore(%arg12 : memref<!tpu.dma_semaphore, #tpu.memory_space<semaphore_mem>>) src(%dma_wait3A_683 : memref<37748736xf32, #tpu.memory_space<hbm>>) dst(%dma_wait3A_678 : memref<128xf32, #tpu.memory_space<vmem>>)
    %dma_wait3A_684 = arith.constant 1 : i32
    %dma_wait3A_685 = arith.constant 1 : i32
    %dma_wait3A_686 = arith.constant 0 : i32
    %dma_wait3A_687 = tpu.memref_slice %arg9[%dma_wait3A_685, %dma_wait3A_686] : memref<8x128xf32, #tpu.memory_space<vmem>> -> memref<1x128xf32, #tpu.memory_space<vmem>>
    %dma_wait3A_688 = tpu.memref_squeeze %dma_wait3A_687 : memref<1x128xf32, #tpu.memory_space<vmem>> -> memref<128xf32, #tpu.memory_space<vmem>>
    %dma_wait3A_689 = arith.constant 0 : i32
    %dma_wait3A_690 = tpu.memref_slice %arg8[%dma_wait3A_684, %dma_wait3A_689] : memref<8x128xi32, #tpu.memory_space<vmem>> -> memref<1x128xi32, #tpu.memory_space<vmem>>
    %dma_wait3A_691 = tpu.memref_squeeze %dma_wait3A_690 : memref<1x128xi32, #tpu.memory_space<vmem>> -> memref<128xi32, #tpu.memory_space<vmem>>
    %dma_wait3A_692 = arith.constant 0 : i32
    %dma_wait3A_693 = tpu.memref_slice %arg3[%dma_wait3A_692] : memref<37748736xf32, #tpu.memory_space<hbm>> -> memref<37748736xf32, #tpu.memory_space<hbm>>
    tpu.wait_indirect_dma semaphore(%arg12 : memref<!tpu.dma_semaphore, #tpu.memory_space<semaphore_mem>>) src(%dma_wait3A_693 : memref<37748736xf32, #tpu.memory_space<hbm>>) dst(%dma_wait3A_688 : memref<128xf32, #tpu.memory_space<vmem>>)
    %dma_wait3A_694 = arith.constant 2 : i32
    %dma_wait3A_695 = arith.constant 2 : i32
    %dma_wait3A_696 = arith.constant 0 : i32
    %dma_wait3A_697 = tpu.memref_slice %arg9[%dma_wait3A_695, %dma_wait3A_696] : memref<8x128xf32, #tpu.memory_space<vmem>> -> memref<1x128xf32, #tpu.memory_space<vmem>>
    %dma_wait3A_698 = tpu.memref_squeeze %dma_wait3A_697 : memref<1x128xf32, #tpu.memory_space<vmem>> -> memref<128xf32, #tpu.memory_space<vmem>>
    %dma_wait3A_699 = arith.constant 0 : i32
    %dma_wait3A_700 = tpu.memref_slice %arg8[%dma_wait3A_694, %dma_wait3A_699] : memref<8x128xi32, #tpu.memory_space<vmem>> -> memref<1x128xi32, #tpu.memory_space<vmem>>
    %dma_wait3A_701 = tpu.memref_squeeze %dma_wait3A_700 : memref<1x128xi32, #tpu.memory_space<vmem>> -> memref<128xi32, #tpu.memory_space<vmem>>
    %dma_wait3A_702 = arith.constant 0 : i32
    %dma_wait3A_703 = tpu.memref_slice %arg3[%dma_wait3A_702] : memref<37748736xf32, #tpu.memory_space<hbm>> -> memref<37748736xf32, #tpu.memory_space<hbm>>
    tpu.wait_indirect_dma semaphore(%arg12 : memref<!tpu.dma_semaphore, #tpu.memory_space<semaphore_mem>>) src(%dma_wait3A_703 : memref<37748736xf32, #tpu.memory_space<hbm>>) dst(%dma_wait3A_698 : memref<128xf32, #tpu.memory_space<vmem>>)
    %dma_wait3A_704 = arith.constant 3 : i32
    %dma_wait3A_705 = arith.constant 3 : i32
    %dma_wait3A_706 = arith.constant 0 : i32
    %dma_wait3A_707 = tpu.memref_slice %arg9[%dma_wait3A_705, %dma_wait3A_706] : memref<8x128xf32, #tpu.memory_space<vmem>> -> memref<1x128xf32, #tpu.memory_space<vmem>>
    %dma_wait3A_708 = tpu.memref_squeeze %dma_wait3A_707 : memref<1x128xf32, #tpu.memory_space<vmem>> -> memref<128xf32, #tpu.memory_space<vmem>>
    %dma_wait3A_709 = arith.constant 0 : i32
    %dma_wait3A_710 = tpu.memref_slice %arg8[%dma_wait3A_704, %dma_wait3A_709] : memref<8x128xi32, #tpu.memory_space<vmem>> -> memref<1x128xi32, #tpu.memory_space<vmem>>
    %dma_wait3A_711 = tpu.memref_squeeze %dma_wait3A_710 : memref<1x128xi32, #tpu.memory_space<vmem>> -> memref<128xi32, #tpu.memory_space<vmem>>
    %dma_wait3A_712 = arith.constant 0 : i32
    %dma_wait3A_713 = tpu.memref_slice %arg3[%dma_wait3A_712] : memref<37748736xf32, #tpu.memory_space<hbm>> -> memref<37748736xf32, #tpu.memory_space<hbm>>
    tpu.wait_indirect_dma semaphore(%arg12 : memref<!tpu.dma_semaphore, #tpu.memory_space<semaphore_mem>>) src(%dma_wait3A_713 : memref<37748736xf32, #tpu.memory_space<hbm>>) dst(%dma_wait3A_708 : memref<128xf32, #tpu.memory_space<vmem>>)
    %dma_wait3A_714 = arith.constant 4 : i32
    %dma_wait3A_715 = arith.constant 4 : i32
    %dma_wait3A_716 = arith.constant 0 : i32
    %dma_wait3A_717 = tpu.memref_slice %arg9[%dma_wait3A_715, %dma_wait3A_716] : memref<8x128xf32, #tpu.memory_space<vmem>> -> memref<1x128xf32, #tpu.memory_space<vmem>>
    %dma_wait3A_718 = tpu.memref_squeeze %dma_wait3A_717 : memref<1x128xf32, #tpu.memory_space<vmem>> -> memref<128xf32, #tpu.memory_space<vmem>>
    %dma_wait3A_719 = arith.constant 0 : i32
    %dma_wait3A_720 = tpu.memref_slice %arg8[%dma_wait3A_714, %dma_wait3A_719] : memref<8x128xi32, #tpu.memory_space<vmem>> -> memref<1x128xi32, #tpu.memory_space<vmem>>
    %dma_wait3A_721 = tpu.memref_squeeze %dma_wait3A_720 : memref<1x128xi32, #tpu.memory_space<vmem>> -> memref<128xi32, #tpu.memory_space<vmem>>
    %dma_wait3A_722 = arith.constant 0 : i32
    %dma_wait3A_723 = tpu.memref_slice %arg3[%dma_wait3A_722] : memref<37748736xf32, #tpu.memory_space<hbm>> -> memref<37748736xf32, #tpu.memory_space<hbm>>
    tpu.wait_indirect_dma semaphore(%arg12 : memref<!tpu.dma_semaphore, #tpu.memory_space<semaphore_mem>>) src(%dma_wait3A_723 : memref<37748736xf32, #tpu.memory_space<hbm>>) dst(%dma_wait3A_718 : memref<128xf32, #tpu.memory_space<vmem>>)
    %dma_wait3A_724 = arith.constant 5 : i32
    %dma_wait3A_725 = arith.constant 5 : i32
    %dma_wait3A_726 = arith.constant 0 : i32
    %dma_wait3A_727 = tpu.memref_slice %arg9[%dma_wait3A_725, %dma_wait3A_726] : memref<8x128xf32, #tpu.memory_space<vmem>> -> memref<1x128xf32, #tpu.memory_space<vmem>>
    %dma_wait3A_728 = tpu.memref_squeeze %dma_wait3A_727 : memref<1x128xf32, #tpu.memory_space<vmem>> -> memref<128xf32, #tpu.memory_space<vmem>>
    %dma_wait3A_729 = arith.constant 0 : i32
    %dma_wait3A_730 = tpu.memref_slice %arg8[%dma_wait3A_724, %dma_wait3A_729] : memref<8x128xi32, #tpu.memory_space<vmem>> -> memref<1x128xi32, #tpu.memory_space<vmem>>
    %dma_wait3A_731 = tpu.memref_squeeze %dma_wait3A_730 : memref<1x128xi32, #tpu.memory_space<vmem>> -> memref<128xi32, #tpu.memory_space<vmem>>
    %dma_wait3A_732 = arith.constant 0 : i32
    %dma_wait3A_733 = tpu.memref_slice %arg3[%dma_wait3A_732] : memref<37748736xf32, #tpu.memory_space<hbm>> -> memref<37748736xf32, #tpu.memory_space<hbm>>
    tpu.wait_indirect_dma semaphore(%arg12 : memref<!tpu.dma_semaphore, #tpu.memory_space<semaphore_mem>>) src(%dma_wait3A_733 : memref<37748736xf32, #tpu.memory_space<hbm>>) dst(%dma_wait3A_728 : memref<128xf32, #tpu.memory_space<vmem>>)
    %dma_wait3A_734 = arith.constant 6 : i32
    %dma_wait3A_735 = arith.constant 6 : i32
    %dma_wait3A_736 = arith.constant 0 : i32
    %dma_wait3A_737 = tpu.memref_slice %arg9[%dma_wait3A_735, %dma_wait3A_736] : memref<8x128xf32, #tpu.memory_space<vmem>> -> memref<1x128xf32, #tpu.memory_space<vmem>>
    %dma_wait3A_738 = tpu.memref_squeeze %dma_wait3A_737 : memref<1x128xf32, #tpu.memory_space<vmem>> -> memref<128xf32, #tpu.memory_space<vmem>>
    %dma_wait3A_739 = arith.constant 0 : i32
    %dma_wait3A_740 = tpu.memref_slice %arg8[%dma_wait3A_734, %dma_wait3A_739] : memref<8x128xi32, #tpu.memory_space<vmem>> -> memref<1x128xi32, #tpu.memory_space<vmem>>
    %dma_wait3A_741 = tpu.memref_squeeze %dma_wait3A_740 : memref<1x128xi32, #tpu.memory_space<vmem>> -> memref<128xi32, #tpu.memory_space<vmem>>
    %dma_wait3A_742 = arith.constant 0 : i32
    %dma_wait3A_743 = tpu.memref_slice %arg3[%dma_wait3A_742] : memref<37748736xf32, #tpu.memory_space<hbm>> -> memref<37748736xf32, #tpu.memory_space<hbm>>
    tpu.wait_indirect_dma semaphore(%arg12 : memref<!tpu.dma_semaphore, #tpu.memory_space<semaphore_mem>>) src(%dma_wait3A_743 : memref<37748736xf32, #tpu.memory_space<hbm>>) dst(%dma_wait3A_738 : memref<128xf32, #tpu.memory_space<vmem>>)
    %dma_wait3A_744 = arith.constant 7 : i32
    %dma_wait3A_745 = arith.constant 7 : i32
    %dma_wait3A_746 = arith.constant 0 : i32
    %dma_wait3A_747 = tpu.memref_slice %arg9[%dma_wait3A_745, %dma_wait3A_746] : memref<8x128xf32, #tpu.memory_space<vmem>> -> memref<1x128xf32, #tpu.memory_space<vmem>>
    %dma_wait3A_748 = tpu.memref_squeeze %dma_wait3A_747 : memref<1x128xf32, #tpu.memory_space<vmem>> -> memref<128xf32, #tpu.memory_space<vmem>>
    %dma_wait3A_749 = arith.constant 0 : i32
    %dma_wait3A_750 = tpu.memref_slice %arg8[%dma_wait3A_744, %dma_wait3A_749] : memref<8x128xi32, #tpu.memory_space<vmem>> -> memref<1x128xi32, #tpu.memory_space<vmem>>
    %dma_wait3A_751 = tpu.memref_squeeze %dma_wait3A_750 : memref<1x128xi32, #tpu.memory_space<vmem>> -> memref<128xi32, #tpu.memory_space<vmem>>
    %dma_wait3A_752 = arith.constant 0 : i32
    %dma_wait3A_753 = tpu.memref_slice %arg3[%dma_wait3A_752] : memref<37748736xf32, #tpu.memory_space<hbm>> -> memref<37748736xf32, #tpu.memory_space<hbm>>
    tpu.wait_indirect_dma semaphore(%arg12 : memref<!tpu.dma_semaphore, #tpu.memory_space<semaphore_mem>>) src(%dma_wait3A_753 : memref<37748736xf32, #tpu.memory_space<hbm>>) dst(%dma_wait3A_748 : memref<128xf32, #tpu.memory_space<vmem>>)
    %mul3A_754 = arith.constant 8 : i32
    %mul3A_755 = arith.muli %arg1, %mul3A_754 : i32
    %add3A_756 = arith.constant 0 : i32
    %add3A_757 = arith.addi %mul3A_755, %add3A_756 : i32
    %run_scoped3A_758 = arith.constant 0 : i32
    %run_scoped3A_759 = arith.constant 0 : i32
    "tpu.region"() ({
      %run_scoped3A_1618 = tpu.sem_alloc : memref<!tpu.dma_semaphore, #tpu.memory_space<semaphore_mem>>
      %dma_start3A_1619 = arith.constant 0 : i32
      %dma_start3A_1620 = tpu.memref_slice %arg9[%run_scoped3A_758, %dma_start3A_1619] : memref<8x128xf32, #tpu.memory_space<vmem>> -> memref<1x128xf32, #tpu.memory_space<vmem>>
      %dma_start3A_1621 = tpu.memref_squeeze %dma_start3A_1620 : memref<1x128xf32, #tpu.memory_space<vmem>> -> memref<128xf32, #tpu.memory_space<vmem>>
      %dma_start3A_1622 = arith.constant 0 : i32
      %dma_start3A_1623 = tpu.memref_slice %arg5[%run_scoped3A_759, %add3A_757, %dma_start3A_1622] : memref<2x128x128xf32, #tpu.memory_space<hbm>> -> memref<1x1x128xf32, #tpu.memory_space<hbm>>
      %dma_start3A_1624 = tpu.memref_squeeze %dma_start3A_1623 : memref<1x1x128xf32, #tpu.memory_space<hbm>> -> memref<128xf32, #tpu.memory_space<hbm>>
      %dma_start3A_1625 = arith.constant 0 : i32
      %dma_start3A_1626 = tpu.memref_slice %arg5[%run_scoped3A_759, %add3A_757, %dma_start3A_1625] : memref<2x128x128xf32, #tpu.memory_space<hbm>> -> memref<1x1x128xf32, #tpu.memory_space<hbm>>
      %dma_start3A_1627 = tpu.memref_squeeze %dma_start3A_1626 : memref<1x1x128xf32, #tpu.memory_space<hbm>> -> memref<128xf32, #tpu.memory_space<hbm>>
      %dma_start3A_1628 = arith.constant 0 : i32
      %dma_start3A_1629 = tpu.memref_slice %arg9[%run_scoped3A_758, %dma_start3A_1628] : memref<8x128xf32, #tpu.memory_space<vmem>> -> memref<1x128xf32, #tpu.memory_space<vmem>>
      %dma_start3A_1630 = tpu.memref_squeeze %dma_start3A_1629 : memref<1x128xf32, #tpu.memory_space<vmem>> -> memref<128xf32, #tpu.memory_space<vmem>>
      tpu.enqueue_dma source(%dma_start3A_1630 : memref<128xf32, #tpu.memory_space<vmem>>) target(%dma_start3A_1627 : memref<128xf32, #tpu.memory_space<hbm>>) target_semaphore(%run_scoped3A_1618 : memref<!tpu.dma_semaphore, #tpu.memory_space<semaphore_mem>>)
      %dma_wait3A_1631 = arith.constant 0 : i32
      %dma_wait3A_1632 = tpu.memref_slice %arg9[%run_scoped3A_758, %dma_wait3A_1631] : memref<8x128xf32, #tpu.memory_space<vmem>> -> memref<1x128xf32, #tpu.memory_space<vmem>>
      %dma_wait3A_1633 = tpu.memref_squeeze %dma_wait3A_1632 : memref<1x128xf32, #tpu.memory_space<vmem>> -> memref<128xf32, #tpu.memory_space<vmem>>
      %dma_wait3A_1634 = arith.constant 0 : i32
      %dma_wait3A_1635 = tpu.memref_slice %arg5[%run_scoped3A_759, %add3A_757, %dma_wait3A_1634] : memref<2x128x128xf32, #tpu.memory_space<hbm>> -> memref<1x1x128xf32, #tpu.memory_space<hbm>>
      %dma_wait3A_1636 = tpu.memref_squeeze %dma_wait3A_1635 : memref<1x1x128xf32, #tpu.memory_space<hbm>> -> memref<128xf32, #tpu.memory_space<hbm>>
      %dma_wait3A_1637 = arith.constant 0 : i32
      %dma_wait3A_1638 = tpu.memref_slice %arg5[%run_scoped3A_759, %add3A_757, %dma_wait3A_1637] : memref<2x128x128xf32, #tpu.memory_space<hbm>> -> memref<1x1x128xf32, #tpu.memory_space<hbm>>
      %dma_wait3A_1639 = tpu.memref_squeeze %dma_wait3A_1638 : memref<1x1x128xf32, #tpu.memory_space<hbm>> -> memref<128xf32, #tpu.memory_space<hbm>>
      %dma_wait3A_1640 = arith.constant 0 : i32
      %dma_wait3A_1641 = tpu.memref_slice %arg9[%run_scoped3A_758, %dma_wait3A_1640] : memref<8x128xf32, #tpu.memory_space<vmem>> -> memref<1x128xf32, #tpu.memory_space<vmem>>
      %dma_wait3A_1642 = tpu.memref_squeeze %dma_wait3A_1641 : memref<1x128xf32, #tpu.memory_space<vmem>> -> memref<128xf32, #tpu.memory_space<vmem>>
      tpu.wait_dma2 semaphore(%run_scoped3A_1618 : memref<!tpu.dma_semaphore, #tpu.memory_space<semaphore_mem>>) src(%dma_wait3A_1642 : memref<128xf32, #tpu.memory_space<vmem>>) dst(%dma_wait3A_1639 : memref<128xf32, #tpu.memory_space<hbm>>)
      tpu.yield
    }) : () -> ()
    %mul3A_760 = arith.constant 8 : i32
    %mul3A_761 = arith.muli %arg1, %mul3A_760 : i32
    %add3A_762 = arith.constant 1 : i32
    %add3A_763 = arith.addi %mul3A_761, %add3A_762 : i32
    %run_scoped3A_764 = arith.constant 1 : i32
    %run_scoped3A_765 = arith.constant 0 : i32
    "tpu.region"() ({
      %run_scoped3A_1618 = tpu.sem_alloc : memref<!tpu.dma_semaphore, #tpu.memory_space<semaphore_mem>>
      %dma_start3A_1619 = arith.constant 0 : i32
      %dma_start3A_1620 = tpu.memref_slice %arg9[%run_scoped3A_764, %dma_start3A_1619] : memref<8x128xf32, #tpu.memory_space<vmem>> -> memref<1x128xf32, #tpu.memory_space<vmem>>
      %dma_start3A_1621 = tpu.memref_squeeze %dma_start3A_1620 : memref<1x128xf32, #tpu.memory_space<vmem>> -> memref<128xf32, #tpu.memory_space<vmem>>
      %dma_start3A_1622 = arith.constant 0 : i32
      %dma_start3A_1623 = tpu.memref_slice %arg5[%run_scoped3A_765, %add3A_763, %dma_start3A_1622] : memref<2x128x128xf32, #tpu.memory_space<hbm>> -> memref<1x1x128xf32, #tpu.memory_space<hbm>>
      %dma_start3A_1624 = tpu.memref_squeeze %dma_start3A_1623 : memref<1x1x128xf32, #tpu.memory_space<hbm>> -> memref<128xf32, #tpu.memory_space<hbm>>
      %dma_start3A_1625 = arith.constant 0 : i32
      %dma_start3A_1626 = tpu.memref_slice %arg5[%run_scoped3A_765, %add3A_763, %dma_start3A_1625] : memref<2x128x128xf32, #tpu.memory_space<hbm>> -> memref<1x1x128xf32, #tpu.memory_space<hbm>>
      %dma_start3A_1627 = tpu.memref_squeeze %dma_start3A_1626 : memref<1x1x128xf32, #tpu.memory_space<hbm>> -> memref<128xf32, #tpu.memory_space<hbm>>
      %dma_start3A_1628 = arith.constant 0 : i32
      %dma_start3A_1629 = tpu.memref_slice %arg9[%run_scoped3A_764, %dma_start3A_1628] : memref<8x128xf32, #tpu.memory_space<vmem>> -> memref<1x128xf32, #tpu.memory_space<vmem>>
      %dma_start3A_1630 = tpu.memref_squeeze %dma_start3A_1629 : memref<1x128xf32, #tpu.memory_space<vmem>> -> memref<128xf32, #tpu.memory_space<vmem>>
      tpu.enqueue_dma source(%dma_start3A_1630 : memref<128xf32, #tpu.memory_space<vmem>>) target(%dma_start3A_1627 : memref<128xf32, #tpu.memory_space<hbm>>) target_semaphore(%run_scoped3A_1618 : memref<!tpu.dma_semaphore, #tpu.memory_space<semaphore_mem>>)
      %dma_wait3A_1631 = arith.constant 0 : i32
      %dma_wait3A_1632 = tpu.memref_slice %arg9[%run_scoped3A_764, %dma_wait3A_1631] : memref<8x128xf32, #tpu.memory_space<vmem>> -> memref<1x128xf32, #tpu.memory_space<vmem>>
      %dma_wait3A_1633 = tpu.memref_squeeze %dma_wait3A_1632 : memref<1x128xf32, #tpu.memory_space<vmem>> -> memref<128xf32, #tpu.memory_space<vmem>>
      %dma_wait3A_1634 = arith.constant 0 : i32
      %dma_wait3A_1635 = tpu.memref_slice %arg5[%run_scoped3A_765, %add3A_763, %dma_wait3A_1634] : memref<2x128x128xf32, #tpu.memory_space<hbm>> -> memref<1x1x128xf32, #tpu.memory_space<hbm>>
      %dma_wait3A_1636 = tpu.memref_squeeze %dma_wait3A_1635 : memref<1x1x128xf32, #tpu.memory_space<hbm>> -> memref<128xf32, #tpu.memory_space<hbm>>
      %dma_wait3A_1637 = arith.constant 0 : i32
      %dma_wait3A_1638 = tpu.memref_slice %arg5[%run_scoped3A_765, %add3A_763, %dma_wait3A_1637] : memref<2x128x128xf32, #tpu.memory_space<hbm>> -> memref<1x1x128xf32, #tpu.memory_space<hbm>>
      %dma_wait3A_1639 = tpu.memref_squeeze %dma_wait3A_1638 : memref<1x1x128xf32, #tpu.memory_space<hbm>> -> memref<128xf32, #tpu.memory_space<hbm>>
      %dma_wait3A_1640 = arith.constant 0 : i32
      %dma_wait3A_1641 = tpu.memref_slice %arg9[%run_scoped3A_764, %dma_wait3A_1640] : memref<8x128xf32, #tpu.memory_space<vmem>> -> memref<1x128xf32, #tpu.memory_space<vmem>>
      %dma_wait3A_1642 = tpu.memref_squeeze %dma_wait3A_1641 : memref<1x128xf32, #tpu.memory_space<vmem>> -> memref<128xf32, #tpu.memory_space<vmem>>
      tpu.wait_dma2 semaphore(%run_scoped3A_1618 : memref<!tpu.dma_semaphore, #tpu.memory_space<semaphore_mem>>) src(%dma_wait3A_1642 : memref<128xf32, #tpu.memory_space<vmem>>) dst(%dma_wait3A_1639 : memref<128xf32, #tpu.memory_space<hbm>>)
      tpu.yield
    }) : () -> ()
    %mul3A_766 = arith.constant 8 : i32
    %mul3A_767 = arith.muli %arg1, %mul3A_766 : i32
    %add3A_768 = arith.constant 2 : i32
    %add3A_769 = arith.addi %mul3A_767, %add3A_768 : i32
    %run_scoped3A_770 = arith.constant 2 : i32
    %run_scoped3A_771 = arith.constant 0 : i32
    "tpu.region"() ({
      %run_scoped3A_1618 = tpu.sem_alloc : memref<!tpu.dma_semaphore, #tpu.memory_space<semaphore_mem>>
      %dma_start3A_1619 = arith.constant 0 : i32
      %dma_start3A_1620 = tpu.memref_slice %arg9[%run_scoped3A_770, %dma_start3A_1619] : memref<8x128xf32, #tpu.memory_space<vmem>> -> memref<1x128xf32, #tpu.memory_space<vmem>>
      %dma_start3A_1621 = tpu.memref_squeeze %dma_start3A_1620 : memref<1x128xf32, #tpu.memory_space<vmem>> -> memref<128xf32, #tpu.memory_space<vmem>>
      %dma_start3A_1622 = arith.constant 0 : i32
      %dma_start3A_1623 = tpu.memref_slice %arg5[%run_scoped3A_771, %add3A_769, %dma_start3A_1622] : memref<2x128x128xf32, #tpu.memory_space<hbm>> -> memref<1x1x128xf32, #tpu.memory_space<hbm>>
      %dma_start3A_1624 = tpu.memref_squeeze %dma_start3A_1623 : memref<1x1x128xf32, #tpu.memory_space<hbm>> -> memref<128xf32, #tpu.memory_space<hbm>>
      %dma_start3A_1625 = arith.constant 0 : i32
      %dma_start3A_1626 = tpu.memref_slice %arg5[%run_scoped3A_771, %add3A_769, %dma_start3A_1625] : memref<2x128x128xf32, #tpu.memory_space<hbm>> -> memref<1x1x128xf32, #tpu.memory_space<hbm>>
      %dma_start3A_1627 = tpu.memref_squeeze %dma_start3A_1626 : memref<1x1x128xf32, #tpu.memory_space<hbm>> -> memref<128xf32, #tpu.memory_space<hbm>>
      %dma_start3A_1628 = arith.constant 0 : i32
      %dma_start3A_1629 = tpu.memref_slice %arg9[%run_scoped3A_770, %dma_start3A_1628] : memref<8x128xf32, #tpu.memory_space<vmem>> -> memref<1x128xf32, #tpu.memory_space<vmem>>
      %dma_start3A_1630 = tpu.memref_squeeze %dma_start3A_1629 : memref<1x128xf32, #tpu.memory_space<vmem>> -> memref<128xf32, #tpu.memory_space<vmem>>
      tpu.enqueue_dma source(%dma_start3A_1630 : memref<128xf32, #tpu.memory_space<vmem>>) target(%dma_start3A_1627 : memref<128xf32, #tpu.memory_space<hbm>>) target_semaphore(%run_scoped3A_1618 : memref<!tpu.dma_semaphore, #tpu.memory_space<semaphore_mem>>)
      %dma_wait3A_1631 = arith.constant 0 : i32
      %dma_wait3A_1632 = tpu.memref_slice %arg9[%run_scoped3A_770, %dma_wait3A_1631] : memref<8x128xf32, #tpu.memory_space<vmem>> -> memref<1x128xf32, #tpu.memory_space<vmem>>
      %dma_wait3A_1633 = tpu.memref_squeeze %dma_wait3A_1632 : memref<1x128xf32, #tpu.memory_space<vmem>> -> memref<128xf32, #tpu.memory_space<vmem>>
      %dma_wait3A_1634 = arith.constant 0 : i32
      %dma_wait3A_1635 = tpu.memref_slice %arg5[%run_scoped3A_771, %add3A_769, %dma_wait3A_1634] : memref<2x128x128xf32, #tpu.memory_space<hbm>> -> memref<1x1x128xf32, #tpu.memory_space<hbm>>
      %dma_wait3A_1636 = tpu.memref_squeeze %dma_wait3A_1635 : memref<1x1x128xf32, #tpu.memory_space<hbm>> -> memref<128xf32, #tpu.memory_space<hbm>>
      %dma_wait3A_1637 = arith.constant 0 : i32
      %dma_wait3A_1638 = tpu.memref_slice %arg5[%run_scoped3A_771, %add3A_769, %dma_wait3A_1637] : memref<2x128x128xf32, #tpu.memory_space<hbm>> -> memref<1x1x128xf32, #tpu.memory_space<hbm>>
      %dma_wait3A_1639 = tpu.memref_squeeze %dma_wait3A_1638 : memref<1x1x128xf32, #tpu.memory_space<hbm>> -> memref<128xf32, #tpu.memory_space<hbm>>
      %dma_wait3A_1640 = arith.constant 0 : i32
      %dma_wait3A_1641 = tpu.memref_slice %arg9[%run_scoped3A_770, %dma_wait3A_1640] : memref<8x128xf32, #tpu.memory_space<vmem>> -> memref<1x128xf32, #tpu.memory_space<vmem>>
      %dma_wait3A_1642 = tpu.memref_squeeze %dma_wait3A_1641 : memref<1x128xf32, #tpu.memory_space<vmem>> -> memref<128xf32, #tpu.memory_space<vmem>>
      tpu.wait_dma2 semaphore(%run_scoped3A_1618 : memref<!tpu.dma_semaphore, #tpu.memory_space<semaphore_mem>>) src(%dma_wait3A_1642 : memref<128xf32, #tpu.memory_space<vmem>>) dst(%dma_wait3A_1639 : memref<128xf32, #tpu.memory_space<hbm>>)
      tpu.yield
    }) : () -> ()
    %mul3A_772 = arith.constant 8 : i32
    %mul3A_773 = arith.muli %arg1, %mul3A_772 : i32
    %add3A_774 = arith.constant 3 : i32
    %add3A_775 = arith.addi %mul3A_773, %add3A_774 : i32
    %run_scoped3A_776 = arith.constant 3 : i32
    %run_scoped3A_777 = arith.constant 0 : i32
    "tpu.region"() ({
      %run_scoped3A_1618 = tpu.sem_alloc : memref<!tpu.dma_semaphore, #tpu.memory_space<semaphore_mem>>
      %dma_start3A_1619 = arith.constant 0 : i32
      %dma_start3A_1620 = tpu.memref_slice %arg9[%run_scoped3A_776, %dma_start3A_1619] : memref<8x128xf32, #tpu.memory_space<vmem>> -> memref<1x128xf32, #tpu.memory_space<vmem>>
      %dma_start3A_1621 = tpu.memref_squeeze %dma_start3A_1620 : memref<1x128xf32, #tpu.memory_space<vmem>> -> memref<128xf32, #tpu.memory_space<vmem>>
      %dma_start3A_1622 = arith.constant 0 : i32
      %dma_start3A_1623 = tpu.memref_slice %arg5[%run_scoped3A_777, %add3A_775, %dma_start3A_1622] : memref<2x128x128xf32, #tpu.memory_space<hbm>> -> memref<1x1x128xf32, #tpu.memory_space<hbm>>
      %dma_start3A_1624 = tpu.memref_squeeze %dma_start3A_1623 : memref<1x1x128xf32, #tpu.memory_space<hbm>> -> memref<128xf32, #tpu.memory_space<hbm>>
      %dma_start3A_1625 = arith.constant 0 : i32
      %dma_start3A_1626 = tpu.memref_slice %arg5[%run_scoped3A_777, %add3A_775, %dma_start3A_1625] : memref<2x128x128xf32, #tpu.memory_space<hbm>> -> memref<1x1x128xf32, #tpu.memory_space<hbm>>
      %dma_start3A_1627 = tpu.memref_squeeze %dma_start3A_1626 : memref<1x1x128xf32, #tpu.memory_space<hbm>> -> memref<128xf32, #tpu.memory_space<hbm>>
      %dma_start3A_1628 = arith.constant 0 : i32
      %dma_start3A_1629 = tpu.memref_slice %arg9[%run_scoped3A_776, %dma_start3A_1628] : memref<8x128xf32, #tpu.memory_space<vmem>> -> memref<1x128xf32, #tpu.memory_space<vmem>>
      %dma_start3A_1630 = tpu.memref_squeeze %dma_start3A_1629 : memref<1x128xf32, #tpu.memory_space<vmem>> -> memref<128xf32, #tpu.memory_space<vmem>>
      tpu.enqueue_dma source(%dma_start3A_1630 : memref<128xf32, #tpu.memory_space<vmem>>) target(%dma_start3A_1627 : memref<128xf32, #tpu.memory_space<hbm>>) target_semaphore(%run_scoped3A_1618 : memref<!tpu.dma_semaphore, #tpu.memory_space<semaphore_mem>>)
      %dma_wait3A_1631 = arith.constant 0 : i32
      %dma_wait3A_1632 = tpu.memref_slice %arg9[%run_scoped3A_776, %dma_wait3A_1631] : memref<8x128xf32, #tpu.memory_space<vmem>> -> memref<1x128xf32, #tpu.memory_space<vmem>>
      %dma_wait3A_1633 = tpu.memref_squeeze %dma_wait3A_1632 : memref<1x128xf32, #tpu.memory_space<vmem>> -> memref<128xf32, #tpu.memory_space<vmem>>
      %dma_wait3A_1634 = arith.constant 0 : i32
      %dma_wait3A_1635 = tpu.memref_slice %arg5[%run_scoped3A_777, %add3A_775, %dma_wait3A_1634] : memref<2x128x128xf32, #tpu.memory_space<hbm>> -> memref<1x1x128xf32, #tpu.memory_space<hbm>>
      %dma_wait3A_1636 = tpu.memref_squeeze %dma_wait3A_1635 : memref<1x1x128xf32, #tpu.memory_space<hbm>> -> memref<128xf32, #tpu.memory_space<hbm>>
      %dma_wait3A_1637 = arith.constant 0 : i32
      %dma_wait3A_1638 = tpu.memref_slice %arg5[%run_scoped3A_777, %add3A_775, %dma_wait3A_1637] : memref<2x128x128xf32, #tpu.memory_space<hbm>> -> memref<1x1x128xf32, #tpu.memory_space<hbm>>
      %dma_wait3A_1639 = tpu.memref_squeeze %dma_wait3A_1638 : memref<1x1x128xf32, #tpu.memory_space<hbm>> -> memref<128xf32, #tpu.memory_space<hbm>>
      %dma_wait3A_1640 = arith.constant 0 : i32
      %dma_wait3A_1641 = tpu.memref_slice %arg9[%run_scoped3A_776, %dma_wait3A_1640] : memref<8x128xf32, #tpu.memory_space<vmem>> -> memref<1x128xf32, #tpu.memory_space<vmem>>
      %dma_wait3A_1642 = tpu.memref_squeeze %dma_wait3A_1641 : memref<1x128xf32, #tpu.memory_space<vmem>> -> memref<128xf32, #tpu.memory_space<vmem>>
      tpu.wait_dma2 semaphore(%run_scoped3A_1618 : memref<!tpu.dma_semaphore, #tpu.memory_space<semaphore_mem>>) src(%dma_wait3A_1642 : memref<128xf32, #tpu.memory_space<vmem>>) dst(%dma_wait3A_1639 : memref<128xf32, #tpu.memory_space<hbm>>)
      tpu.yield
    }) : () -> ()
    %mul3A_778 = arith.constant 8 : i32
    %mul3A_779 = arith.muli %arg1, %mul3A_778 : i32
    %add3A_780 = arith.constant 4 : i32
    %add3A_781 = arith.addi %mul3A_779, %add3A_780 : i32
    %run_scoped3A_782 = arith.constant 4 : i32
    %run_scoped3A_783 = arith.constant 0 : i32
    "tpu.region"() ({
      %run_scoped3A_1618 = tpu.sem_alloc : memref<!tpu.dma_semaphore, #tpu.memory_space<semaphore_mem>>
      %dma_start3A_1619 = arith.constant 0 : i32
      %dma_start3A_1620 = tpu.memref_slice %arg9[%run_scoped3A_782, %dma_start3A_1619] : memref<8x128xf32, #tpu.memory_space<vmem>> -> memref<1x128xf32, #tpu.memory_space<vmem>>
      %dma_start3A_1621 = tpu.memref_squeeze %dma_start3A_1620 : memref<1x128xf32, #tpu.memory_space<vmem>> -> memref<128xf32, #tpu.memory_space<vmem>>
      %dma_start3A_1622 = arith.constant 0 : i32
      %dma_start3A_1623 = tpu.memref_slice %arg5[%run_scoped3A_783, %add3A_781, %dma_start3A_1622] : memref<2x128x128xf32, #tpu.memory_space<hbm>> -> memref<1x1x128xf32, #tpu.memory_space<hbm>>
      %dma_start3A_1624 = tpu.memref_squeeze %dma_start3A_1623 : memref<1x1x128xf32, #tpu.memory_space<hbm>> -> memref<128xf32, #tpu.memory_space<hbm>>
      %dma_start3A_1625 = arith.constant 0 : i32
      %dma_start3A_1626 = tpu.memref_slice %arg5[%run_scoped3A_783, %add3A_781, %dma_start3A_1625] : memref<2x128x128xf32, #tpu.memory_space<hbm>> -> memref<1x1x128xf32, #tpu.memory_space<hbm>>
      %dma_start3A_1627 = tpu.memref_squeeze %dma_start3A_1626 : memref<1x1x128xf32, #tpu.memory_space<hbm>> -> memref<128xf32, #tpu.memory_space<hbm>>
      %dma_start3A_1628 = arith.constant 0 : i32
      %dma_start3A_1629 = tpu.memref_slice %arg9[%run_scoped3A_782, %dma_start3A_1628] : memref<8x128xf32, #tpu.memory_space<vmem>> -> memref<1x128xf32, #tpu.memory_space<vmem>>
      %dma_start3A_1630 = tpu.memref_squeeze %dma_start3A_1629 : memref<1x128xf32, #tpu.memory_space<vmem>> -> memref<128xf32, #tpu.memory_space<vmem>>
      tpu.enqueue_dma source(%dma_start3A_1630 : memref<128xf32, #tpu.memory_space<vmem>>) target(%dma_start3A_1627 : memref<128xf32, #tpu.memory_space<hbm>>) target_semaphore(%run_scoped3A_1618 : memref<!tpu.dma_semaphore, #tpu.memory_space<semaphore_mem>>)
      %dma_wait3A_1631 = arith.constant 0 : i32
      %dma_wait3A_1632 = tpu.memref_slice %arg9[%run_scoped3A_782, %dma_wait3A_1631] : memref<8x128xf32, #tpu.memory_space<vmem>> -> memref<1x128xf32, #tpu.memory_space<vmem>>
      %dma_wait3A_1633 = tpu.memref_squeeze %dma_wait3A_1632 : memref<1x128xf32, #tpu.memory_space<vmem>> -> memref<128xf32, #tpu.memory_space<vmem>>
      %dma_wait3A_1634 = arith.constant 0 : i32
      %dma_wait3A_1635 = tpu.memref_slice %arg5[%run_scoped3A_783, %add3A_781, %dma_wait3A_1634] : memref<2x128x128xf32, #tpu.memory_space<hbm>> -> memref<1x1x128xf32, #tpu.memory_space<hbm>>
      %dma_wait3A_1636 = tpu.memref_squeeze %dma_wait3A_1635 : memref<1x1x128xf32, #tpu.memory_space<hbm>> -> memref<128xf32, #tpu.memory_space<hbm>>
      %dma_wait3A_1637 = arith.constant 0 : i32
      %dma_wait3A_1638 = tpu.memref_slice %arg5[%run_scoped3A_783, %add3A_781, %dma_wait3A_1637] : memref<2x128x128xf32, #tpu.memory_space<hbm>> -> memref<1x1x128xf32, #tpu.memory_space<hbm>>
      %dma_wait3A_1639 = tpu.memref_squeeze %dma_wait3A_1638 : memref<1x1x128xf32, #tpu.memory_space<hbm>> -> memref<128xf32, #tpu.memory_space<hbm>>
      %dma_wait3A_1640 = arith.constant 0 : i32
      %dma_wait3A_1641 = tpu.memref_slice %arg9[%run_scoped3A_782, %dma_wait3A_1640] : memref<8x128xf32, #tpu.memory_space<vmem>> -> memref<1x128xf32, #tpu.memory_space<vmem>>
      %dma_wait3A_1642 = tpu.memref_squeeze %dma_wait3A_1641 : memref<1x128xf32, #tpu.memory_space<vmem>> -> memref<128xf32, #tpu.memory_space<vmem>>
      tpu.wait_dma2 semaphore(%run_scoped3A_1618 : memref<!tpu.dma_semaphore, #tpu.memory_space<semaphore_mem>>) src(%dma_wait3A_1642 : memref<128xf32, #tpu.memory_space<vmem>>) dst(%dma_wait3A_1639 : memref<128xf32, #tpu.memory_space<hbm>>)
      tpu.yield
    }) : () -> ()
    %mul3A_784 = arith.constant 8 : i32
    %mul3A_785 = arith.muli %arg1, %mul3A_784 : i32
    %add3A_786 = arith.constant 5 : i32
    %add3A_787 = arith.addi %mul3A_785, %add3A_786 : i32
    %run_scoped3A_788 = arith.constant 5 : i32
    %run_scoped3A_789 = arith.constant 0 : i32
    "tpu.region"() ({
      %run_scoped3A_1618 = tpu.sem_alloc : memref<!tpu.dma_semaphore, #tpu.memory_space<semaphore_mem>>
      %dma_start3A_1619 = arith.constant 0 : i32
      %dma_start3A_1620 = tpu.memref_slice %arg9[%run_scoped3A_788, %dma_start3A_1619] : memref<8x128xf32, #tpu.memory_space<vmem>> -> memref<1x128xf32, #tpu.memory_space<vmem>>
      %dma_start3A_1621 = tpu.memref_squeeze %dma_start3A_1620 : memref<1x128xf32, #tpu.memory_space<vmem>> -> memref<128xf32, #tpu.memory_space<vmem>>
      %dma_start3A_1622 = arith.constant 0 : i32
      %dma_start3A_1623 = tpu.memref_slice %arg5[%run_scoped3A_789, %add3A_787, %dma_start3A_1622] : memref<2x128x128xf32, #tpu.memory_space<hbm>> -> memref<1x1x128xf32, #tpu.memory_space<hbm>>
      %dma_start3A_1624 = tpu.memref_squeeze %dma_start3A_1623 : memref<1x1x128xf32, #tpu.memory_space<hbm>> -> memref<128xf32, #tpu.memory_space<hbm>>
      %dma_start3A_1625 = arith.constant 0 : i32
      %dma_start3A_1626 = tpu.memref_slice %arg5[%run_scoped3A_789, %add3A_787, %dma_start3A_1625] : memref<2x128x128xf32, #tpu.memory_space<hbm>> -> memref<1x1x128xf32, #tpu.memory_space<hbm>>
      %dma_start3A_1627 = tpu.memref_squeeze %dma_start3A_1626 : memref<1x1x128xf32, #tpu.memory_space<hbm>> -> memref<128xf32, #tpu.memory_space<hbm>>
      %dma_start3A_1628 = arith.constant 0 : i32
      %dma_start3A_1629 = tpu.memref_slice %arg9[%run_scoped3A_788, %dma_start3A_1628] : memref<8x128xf32, #tpu.memory_space<vmem>> -> memref<1x128xf32, #tpu.memory_space<vmem>>
      %dma_start3A_1630 = tpu.memref_squeeze %dma_start3A_1629 : memref<1x128xf32, #tpu.memory_space<vmem>> -> memref<128xf32, #tpu.memory_space<vmem>>
      tpu.enqueue_dma source(%dma_start3A_1630 : memref<128xf32, #tpu.memory_space<vmem>>) target(%dma_start3A_1627 : memref<128xf32, #tpu.memory_space<hbm>>) target_semaphore(%run_scoped3A_1618 : memref<!tpu.dma_semaphore, #tpu.memory_space<semaphore_mem>>)
      %dma_wait3A_1631 = arith.constant 0 : i32
      %dma_wait3A_1632 = tpu.memref_slice %arg9[%run_scoped3A_788, %dma_wait3A_1631] : memref<8x128xf32, #tpu.memory_space<vmem>> -> memref<1x128xf32, #tpu.memory_space<vmem>>
      %dma_wait3A_1633 = tpu.memref_squeeze %dma_wait3A_1632 : memref<1x128xf32, #tpu.memory_space<vmem>> -> memref<128xf32, #tpu.memory_space<vmem>>
      %dma_wait3A_1634 = arith.constant 0 : i32
      %dma_wait3A_1635 = tpu.memref_slice %arg5[%run_scoped3A_789, %add3A_787, %dma_wait3A_1634] : memref<2x128x128xf32, #tpu.memory_space<hbm>> -> memref<1x1x128xf32, #tpu.memory_space<hbm>>
      %dma_wait3A_1636 = tpu.memref_squeeze %dma_wait3A_1635 : memref<1x1x128xf32, #tpu.memory_space<hbm>> -> memref<128xf32, #tpu.memory_space<hbm>>
      %dma_wait3A_1637 = arith.constant 0 : i32
      %dma_wait3A_1638 = tpu.memref_slice %arg5[%run_scoped3A_789, %add3A_787, %dma_wait3A_1637] : memref<2x128x128xf32, #tpu.memory_space<hbm>> -> memref<1x1x128xf32, #tpu.memory_space<hbm>>
      %dma_wait3A_1639 = tpu.memref_squeeze %dma_wait3A_1638 : memref<1x1x128xf32, #tpu.memory_space<hbm>> -> memref<128xf32, #tpu.memory_space<hbm>>
      %dma_wait3A_1640 = arith.constant 0 : i32
      %dma_wait3A_1641 = tpu.memref_slice %arg9[%run_scoped3A_788, %dma_wait3A_1640] : memref<8x128xf32, #tpu.memory_space<vmem>> -> memref<1x128xf32, #tpu.memory_space<vmem>>
      %dma_wait3A_1642 = tpu.memref_squeeze %dma_wait3A_1641 : memref<1x128xf32, #tpu.memory_space<vmem>> -> memref<128xf32, #tpu.memory_space<vmem>>
      tpu.wait_dma2 semaphore(%run_scoped3A_1618 : memref<!tpu.dma_semaphore, #tpu.memory_space<semaphore_mem>>) src(%dma_wait3A_1642 : memref<128xf32, #tpu.memory_space<vmem>>) dst(%dma_wait3A_1639 : memref<128xf32, #tpu.memory_space<hbm>>)
      tpu.yield
    }) : () -> ()
    %mul3A_790 = arith.constant 8 : i32
    %mul3A_791 = arith.muli %arg1, %mul3A_790 : i32
    %add3A_792 = arith.constant 6 : i32
    %add3A_793 = arith.addi %mul3A_791, %add3A_792 : i32
    %run_scoped3A_794 = arith.constant 6 : i32
    %run_scoped3A_795 = arith.constant 0 : i32
    "tpu.region"() ({
      %run_scoped3A_1618 = tpu.sem_alloc : memref<!tpu.dma_semaphore, #tpu.memory_space<semaphore_mem>>
      %dma_start3A_1619 = arith.constant 0 : i32
      %dma_start3A_1620 = tpu.memref_slice %arg9[%run_scoped3A_794, %dma_start3A_1619] : memref<8x128xf32, #tpu.memory_space<vmem>> -> memref<1x128xf32, #tpu.memory_space<vmem>>
      %dma_start3A_1621 = tpu.memref_squeeze %dma_start3A_1620 : memref<1x128xf32, #tpu.memory_space<vmem>> -> memref<128xf32, #tpu.memory_space<vmem>>
      %dma_start3A_1622 = arith.constant 0 : i32
      %dma_start3A_1623 = tpu.memref_slice %arg5[%run_scoped3A_795, %add3A_793, %dma_start3A_1622] : memref<2x128x128xf32, #tpu.memory_space<hbm>> -> memref<1x1x128xf32, #tpu.memory_space<hbm>>
      %dma_start3A_1624 = tpu.memref_squeeze %dma_start3A_1623 : memref<1x1x128xf32, #tpu.memory_space<hbm>> -> memref<128xf32, #tpu.memory_space<hbm>>
      %dma_start3A_1625 = arith.constant 0 : i32
      %dma_start3A_1626 = tpu.memref_slice %arg5[%run_scoped3A_795, %add3A_793, %dma_start3A_1625] : memref<2x128x128xf32, #tpu.memory_space<hbm>> -> memref<1x1x128xf32, #tpu.memory_space<hbm>>
      %dma_start3A_1627 = tpu.memref_squeeze %dma_start3A_1626 : memref<1x1x128xf32, #tpu.memory_space<hbm>> -> memref<128xf32, #tpu.memory_space<hbm>>
      %dma_start3A_1628 = arith.constant 0 : i32
      %dma_start3A_1629 = tpu.memref_slice %arg9[%run_scoped3A_794, %dma_start3A_1628] : memref<8x128xf32, #tpu.memory_space<vmem>> -> memref<1x128xf32, #tpu.memory_space<vmem>>
      %dma_start3A_1630 = tpu.memref_squeeze %dma_start3A_1629 : memref<1x128xf32, #tpu.memory_space<vmem>> -> memref<128xf32, #tpu.memory_space<vmem>>
      tpu.enqueue_dma source(%dma_start3A_1630 : memref<128xf32, #tpu.memory_space<vmem>>) target(%dma_start3A_1627 : memref<128xf32, #tpu.memory_space<hbm>>) target_semaphore(%run_scoped3A_1618 : memref<!tpu.dma_semaphore, #tpu.memory_space<semaphore_mem>>)
      %dma_wait3A_1631 = arith.constant 0 : i32
      %dma_wait3A_1632 = tpu.memref_slice %arg9[%run_scoped3A_794, %dma_wait3A_1631] : memref<8x128xf32, #tpu.memory_space<vmem>> -> memref<1x128xf32, #tpu.memory_space<vmem>>
      %dma_wait3A_1633 = tpu.memref_squeeze %dma_wait3A_1632 : memref<1x128xf32, #tpu.memory_space<vmem>> -> memref<128xf32, #tpu.memory_space<vmem>>
      %dma_wait3A_1634 = arith.constant 0 : i32
      %dma_wait3A_1635 = tpu.memref_slice %arg5[%run_scoped3A_795, %add3A_793, %dma_wait3A_1634] : memref<2x128x128xf32, #tpu.memory_space<hbm>> -> memref<1x1x128xf32, #tpu.memory_space<hbm>>
      %dma_wait3A_1636 = tpu.memref_squeeze %dma_wait3A_1635 : memref<1x1x128xf32, #tpu.memory_space<hbm>> -> memref<128xf32, #tpu.memory_space<hbm>>
      %dma_wait3A_1637 = arith.constant 0 : i32
      %dma_wait3A_1638 = tpu.memref_slice %arg5[%run_scoped3A_795, %add3A_793, %dma_wait3A_1637] : memref<2x128x128xf32, #tpu.memory_space<hbm>> -> memref<1x1x128xf32, #tpu.memory_space<hbm>>
      %dma_wait3A_1639 = tpu.memref_squeeze %dma_wait3A_1638 : memref<1x1x128xf32, #tpu.memory_space<hbm>> -> memref<128xf32, #tpu.memory_space<hbm>>
      %dma_wait3A_1640 = arith.constant 0 : i32
      %dma_wait3A_1641 = tpu.memref_slice %arg9[%run_scoped3A_794, %dma_wait3A_1640] : memref<8x128xf32, #tpu.memory_space<vmem>> -> memref<1x128xf32, #tpu.memory_space<vmem>>
      %dma_wait3A_1642 = tpu.memref_squeeze %dma_wait3A_1641 : memref<1x128xf32, #tpu.memory_space<vmem>> -> memref<128xf32, #tpu.memory_space<vmem>>
      tpu.wait_dma2 semaphore(%run_scoped3A_1618 : memref<!tpu.dma_semaphore, #tpu.memory_space<semaphore_mem>>) src(%dma_wait3A_1642 : memref<128xf32, #tpu.memory_space<vmem>>) dst(%dma_wait3A_1639 : memref<128xf32, #tpu.memory_space<hbm>>)
      tpu.yield
    }) : () -> ()
    %mul3A_796 = arith.constant 8 : i32
    %mul3A_797 = arith.muli %arg1, %mul3A_796 : i32
    %add3A_798 = arith.constant 7 : i32
    %add3A_799 = arith.addi %mul3A_797, %add3A_798 : i32
    %run_scoped3A_800 = arith.constant 7 : i32
    %run_scoped3A_801 = arith.constant 0 : i32
    "tpu.region"() ({
      %run_scoped3A_1618 = tpu.sem_alloc : memref<!tpu.dma_semaphore, #tpu.memory_space<semaphore_mem>>
      %dma_start3A_1619 = arith.constant 0 : i32
      %dma_start3A_1620 = tpu.memref_slice %arg9[%run_scoped3A_800, %dma_start3A_1619] : memref<8x128xf32, #tpu.memory_space<vmem>> -> memref<1x128xf32, #tpu.memory_space<vmem>>
      %dma_start3A_1621 = tpu.memref_squeeze %dma_start3A_1620 : memref<1x128xf32, #tpu.memory_space<vmem>> -> memref<128xf32, #tpu.memory_space<vmem>>
      %dma_start3A_1622 = arith.constant 0 : i32
      %dma_start3A_1623 = tpu.memref_slice %arg5[%run_scoped3A_801, %add3A_799, %dma_start3A_1622] : memref<2x128x128xf32, #tpu.memory_space<hbm>> -> memref<1x1x128xf32, #tpu.memory_space<hbm>>
      %dma_start3A_1624 = tpu.memref_squeeze %dma_start3A_1623 : memref<1x1x128xf32, #tpu.memory_space<hbm>> -> memref<128xf32, #tpu.memory_space<hbm>>
      %dma_start3A_1625 = arith.constant 0 : i32
      %dma_start3A_1626 = tpu.memref_slice %arg5[%run_scoped3A_801, %add3A_799, %dma_start3A_1625] : memref<2x128x128xf32, #tpu.memory_space<hbm>> -> memref<1x1x128xf32, #tpu.memory_space<hbm>>
      %dma_start3A_1627 = tpu.memref_squeeze %dma_start3A_1626 : memref<1x1x128xf32, #tpu.memory_space<hbm>> -> memref<128xf32, #tpu.memory_space<hbm>>
      %dma_start3A_1628 = arith.constant 0 : i32
      %dma_start3A_1629 = tpu.memref_slice %arg9[%run_scoped3A_800, %dma_start3A_1628] : memref<8x128xf32, #tpu.memory_space<vmem>> -> memref<1x128xf32, #tpu.memory_space<vmem>>
      %dma_start3A_1630 = tpu.memref_squeeze %dma_start3A_1629 : memref<1x128xf32, #tpu.memory_space<vmem>> -> memref<128xf32, #tpu.memory_space<vmem>>
      tpu.enqueue_dma source(%dma_start3A_1630 : memref<128xf32, #tpu.memory_space<vmem>>) target(%dma_start3A_1627 : memref<128xf32, #tpu.memory_space<hbm>>) target_semaphore(%run_scoped3A_1618 : memref<!tpu.dma_semaphore, #tpu.memory_space<semaphore_mem>>)
      %dma_wait3A_1631 = arith.constant 0 : i32
      %dma_wait3A_1632 = tpu.memref_slice %arg9[%run_scoped3A_800, %dma_wait3A_1631] : memref<8x128xf32, #tpu.memory_space<vmem>> -> memref<1x128xf32, #tpu.memory_space<vmem>>
      %dma_wait3A_1633 = tpu.memref_squeeze %dma_wait3A_1632 : memref<1x128xf32, #tpu.memory_space<vmem>> -> memref<128xf32, #tpu.memory_space<vmem>>
      %dma_wait3A_1634 = arith.constant 0 : i32
      %dma_wait3A_1635 = tpu.memref_slice %arg5[%run_scoped3A_801, %add3A_799, %dma_wait3A_1634] : memref<2x128x128xf32, #tpu.memory_space<hbm>> -> memref<1x1x128xf32, #tpu.memory_space<hbm>>
      %dma_wait3A_1636 = tpu.memref_squeeze %dma_wait3A_1635 : memref<1x1x128xf32, #tpu.memory_space<hbm>> -> memref<128xf32, #tpu.memory_space<hbm>>
      %dma_wait3A_1637 = arith.constant 0 : i32
      %dma_wait3A_1638 = tpu.memref_slice %arg5[%run_scoped3A_801, %add3A_799, %dma_wait3A_1637] : memref<2x128x128xf32, #tpu.memory_space<hbm>> -> memref<1x1x128xf32, #tpu.memory_space<hbm>>
      %dma_wait3A_1639 = tpu.memref_squeeze %dma_wait3A_1638 : memref<1x1x128xf32, #tpu.memory_space<hbm>> -> memref<128xf32, #tpu.memory_space<hbm>>
      %dma_wait3A_1640 = arith.constant 0 : i32
      %dma_wait3A_1641 = tpu.memref_slice %arg9[%run_scoped3A_800, %dma_wait3A_1640] : memref<8x128xf32, #tpu.memory_space<vmem>> -> memref<1x128xf32, #tpu.memory_space<vmem>>
      %dma_wait3A_1642 = tpu.memref_squeeze %dma_wait3A_1641 : memref<1x128xf32, #tpu.memory_space<vmem>> -> memref<128xf32, #tpu.memory_space<vmem>>
      tpu.wait_dma2 semaphore(%run_scoped3A_1618 : memref<!tpu.dma_semaphore, #tpu.memory_space<semaphore_mem>>) src(%dma_wait3A_1642 : memref<128xf32, #tpu.memory_space<vmem>>) dst(%dma_wait3A_1639 : memref<128xf32, #tpu.memory_space<hbm>>)
      tpu.yield
    }) : () -> ()
    %eq3A = arith.constant 0 : i32
    %eq3A_802 = arith.cmpi eq, %arg1, %eq3A : i32
    %convert_element_type3A = arith.extui %eq3A_802 : i1 to i32
    %cond3A = arith.constant 0 : i32
    %cond3A_803 = arith.cmpi ne, %convert_element_type3A, %cond3A : i32
    scf.if %cond3A_803 {
      %add3A_1618 = arith.constant 0 : i32
      %add3A_1619 = vector.broadcast %add3A_1618 : i32 to vector<16xi32>
      %add3A_1620 = arith.addi %get3A_1, %add3A_1619 : vector<16xi32>
      %swap3A_1621 = arith.constant 0 : i32
      %swap3A_1622 = arith.index_cast %swap3A_1621 : i32 to index
      %swap3A_1623 = arith.constant 0 : index
      %swap3A_1624 = tpu.vector_load %arg10[%swap3A_1622, %swap3A_1623] {strides = array<i32>} : memref<2x128xi32, #tpu.memory_space<vmem>>, vector<1x16xi32>,
      %swap3A_1625 = vector.shape_cast %swap3A_1624 : vector<1x16xi32> to vector<16xi32>
      %swap3A_1626 = vector.shape_cast %add3A_1620 : vector<16xi32> to vector<1x16xi32>
      tpu.vector_store %arg10[%swap3A_1622, %swap3A_1623], %swap3A_1626 {strides = array<i32>} : memref<2x128xi32, #tpu.memory_space<vmem>>, vector<1x16xi32>,
      %add3A_1627 = arith.constant 0 : i32
      %add3A_1628 = vector.broadcast %add3A_1627 : i32 to vector<16xi32>
      %add3A_1629 = arith.addi %get3A_4, %add3A_1628 : vector<16xi32>
      %swap3A_1630 = arith.constant 0 : i32
      %swap3A_1631 = arith.index_cast %swap3A_1630 : i32 to index
      %swap3A_1632 = arith.constant 16 : index
      %swap3A_1633 = tpu.vector_load %arg10[%swap3A_1631, %swap3A_1632] {strides = array<i32>} : memref<2x128xi32, #tpu.memory_space<vmem>>, vector<1x16xi32>,
      %swap3A_1634 = vector.shape_cast %swap3A_1633 : vector<1x16xi32> to vector<16xi32>
      %swap3A_1635 = vector.shape_cast %add3A_1629 : vector<16xi32> to vector<1x16xi32>
      tpu.vector_store %arg10[%swap3A_1631, %swap3A_1632], %swap3A_1635 {strides = array<i32>} : memref<2x128xi32, #tpu.memory_space<vmem>>, vector<1x16xi32>,
      %add3A_1636 = arith.constant 0 : i32
      %add3A_1637 = vector.broadcast %add3A_1636 : i32 to vector<16xi32>
      %add3A_1638 = arith.addi %get3A_7, %add3A_1637 : vector<16xi32>
      %swap3A_1639 = arith.constant 0 : i32
      %swap3A_1640 = arith.index_cast %swap3A_1639 : i32 to index
      %swap3A_1641 = arith.constant 32 : index
      %swap3A_1642 = tpu.vector_load %arg10[%swap3A_1640, %swap3A_1641] {strides = array<i32>} : memref<2x128xi32, #tpu.memory_space<vmem>>, vector<1x16xi32>,
      %swap3A_1643 = vector.shape_cast %swap3A_1642 : vector<1x16xi32> to vector<16xi32>
      %swap3A_1644 = vector.shape_cast %add3A_1638 : vector<16xi32> to vector<1x16xi32>
      tpu.vector_store %arg10[%swap3A_1640, %swap3A_1641], %swap3A_1644 {strides = array<i32>} : memref<2x128xi32, #tpu.memory_space<vmem>>, vector<1x16xi32>,
      %add3A_1645 = arith.constant 0 : i32
      %add3A_1646 = vector.broadcast %add3A_1645 : i32 to vector<16xi32>
      %add3A_1647 = arith.addi %get3A_10, %add3A_1646 : vector<16xi32>
      %swap3A_1648 = arith.constant 0 : i32
      %swap3A_1649 = arith.index_cast %swap3A_1648 : i32 to index
      %swap3A_1650 = arith.constant 48 : index
      %swap3A_1651 = tpu.vector_load %arg10[%swap3A_1649, %swap3A_1650] {strides = array<i32>} : memref<2x128xi32, #tpu.memory_space<vmem>>, vector<1x16xi32>,
      %swap3A_1652 = vector.shape_cast %swap3A_1651 : vector<1x16xi32> to vector<16xi32>
      %swap3A_1653 = vector.shape_cast %add3A_1647 : vector<16xi32> to vector<1x16xi32>
      tpu.vector_store %arg10[%swap3A_1649, %swap3A_1650], %swap3A_1653 {strides = array<i32>} : memref<2x128xi32, #tpu.memory_space<vmem>>, vector<1x16xi32>,
      %add3A_1654 = arith.constant 0 : i32
      %add3A_1655 = vector.broadcast %add3A_1654 : i32 to vector<16xi32>
      %add3A_1656 = arith.addi %get3A_13, %add3A_1655 : vector<16xi32>
      %swap3A_1657 = arith.constant 0 : i32
      %swap3A_1658 = arith.index_cast %swap3A_1657 : i32 to index
      %swap3A_1659 = arith.constant 64 : index
      %swap3A_1660 = tpu.vector_load %arg10[%swap3A_1658, %swap3A_1659] {strides = array<i32>} : memref<2x128xi32, #tpu.memory_space<vmem>>, vector<1x16xi32>,
      %swap3A_1661 = vector.shape_cast %swap3A_1660 : vector<1x16xi32> to vector<16xi32>
      %swap3A_1662 = vector.shape_cast %add3A_1656 : vector<16xi32> to vector<1x16xi32>
      tpu.vector_store %arg10[%swap3A_1658, %swap3A_1659], %swap3A_1662 {strides = array<i32>} : memref<2x128xi32, #tpu.memory_space<vmem>>, vector<1x16xi32>,
      %add3A_1663 = arith.constant 0 : i32
      %add3A_1664 = vector.broadcast %add3A_1663 : i32 to vector<16xi32>
      %add3A_1665 = arith.addi %get3A_16, %add3A_1664 : vector<16xi32>
      %swap3A_1666 = arith.constant 0 : i32
      %swap3A_1667 = arith.index_cast %swap3A_1666 : i32 to index
      %swap3A_1668 = arith.constant 80 : index
      %swap3A_1669 = tpu.vector_load %arg10[%swap3A_1667, %swap3A_1668] {strides = array<i32>} : memref<2x128xi32, #tpu.memory_space<vmem>>, vector<1x16xi32>,
      %swap3A_1670 = vector.shape_cast %swap3A_1669 : vector<1x16xi32> to vector<16xi32>
      %swap3A_1671 = vector.shape_cast %add3A_1665 : vector<16xi32> to vector<1x16xi32>
      tpu.vector_store %arg10[%swap3A_1667, %swap3A_1668], %swap3A_1671 {strides = array<i32>} : memref<2x128xi32, #tpu.memory_space<vmem>>, vector<1x16xi32>,
      %add3A_1672 = arith.constant 0 : i32
      %add3A_1673 = vector.broadcast %add3A_1672 : i32 to vector<16xi32>
      %add3A_1674 = arith.addi %get3A_19, %add3A_1673 : vector<16xi32>
      %swap3A_1675 = arith.constant 0 : i32
      %swap3A_1676 = arith.index_cast %swap3A_1675 : i32 to index
      %swap3A_1677 = arith.constant 96 : index
      %swap3A_1678 = tpu.vector_load %arg10[%swap3A_1676, %swap3A_1677] {strides = array<i32>} : memref<2x128xi32, #tpu.memory_space<vmem>>, vector<1x16xi32>,
      %swap3A_1679 = vector.shape_cast %swap3A_1678 : vector<1x16xi32> to vector<16xi32>
      %swap3A_1680 = vector.shape_cast %add3A_1674 : vector<16xi32> to vector<1x16xi32>
      tpu.vector_store %arg10[%swap3A_1676, %swap3A_1677], %swap3A_1680 {strides = array<i32>} : memref<2x128xi32, #tpu.memory_space<vmem>>, vector<1x16xi32>,
      %add3A_1681 = arith.constant 0 : i32
      %add3A_1682 = vector.broadcast %add3A_1681 : i32 to vector<16xi32>
      %add3A_1683 = arith.addi %get3A_22, %add3A_1682 : vector<16xi32>
      %swap3A_1684 = arith.constant 0 : i32
      %swap3A_1685 = arith.index_cast %swap3A_1684 : i32 to index
      %swap3A_1686 = arith.constant 112 : index
      %swap3A_1687 = tpu.vector_load %arg10[%swap3A_1685, %swap3A_1686] {strides = array<i32>} : memref<2x128xi32, #tpu.memory_space<vmem>>, vector<1x16xi32>,
      %swap3A_1688 = vector.shape_cast %swap3A_1687 : vector<1x16xi32> to vector<16xi32>
      %swap3A_1689 = vector.shape_cast %add3A_1683 : vector<16xi32> to vector<1x16xi32>
      tpu.vector_store %arg10[%swap3A_1685, %swap3A_1686], %swap3A_1689 {strides = array<i32>} : memref<2x128xi32, #tpu.memory_space<vmem>>, vector<1x16xi32>,
      %add3A_1690 = arith.constant 147456 : i32
      %add3A_1691 = vector.broadcast %add3A_1690 : i32 to vector<16xi32>
      %add3A_1692 = arith.addi %get3A_1, %add3A_1691 : vector<16xi32>
      %swap3A_1693 = arith.constant 1 : i32
      %swap3A_1694 = arith.index_cast %swap3A_1693 : i32 to index
      %swap3A_1695 = arith.constant 0 : index
      %swap3A_1696 = tpu.vector_load %arg10[%swap3A_1694, %swap3A_1695] {strides = array<i32>} : memref<2x128xi32, #tpu.memory_space<vmem>>, vector<1x16xi32>,
      %swap3A_1697 = vector.shape_cast %swap3A_1696 : vector<1x16xi32> to vector<16xi32>
      %swap3A_1698 = vector.shape_cast %add3A_1692 : vector<16xi32> to vector<1x16xi32>
      tpu.vector_store %arg10[%swap3A_1694, %swap3A_1695], %swap3A_1698 {strides = array<i32>} : memref<2x128xi32, #tpu.memory_space<vmem>>, vector<1x16xi32>,
      %add3A_1699 = arith.constant 147456 : i32
      %add3A_1700 = vector.broadcast %add3A_1699 : i32 to vector<16xi32>
      %add3A_1701 = arith.addi %get3A_4, %add3A_1700 : vector<16xi32>
      %swap3A_1702 = arith.constant 1 : i32
      %swap3A_1703 = arith.index_cast %swap3A_1702 : i32 to index
      %swap3A_1704 = arith.constant 16 : index
      %swap3A_1705 = tpu.vector_load %arg10[%swap3A_1703, %swap3A_1704] {strides = array<i32>} : memref<2x128xi32, #tpu.memory_space<vmem>>, vector<1x16xi32>,
      %swap3A_1706 = vector.shape_cast %swap3A_1705 : vector<1x16xi32> to vector<16xi32>
      %swap3A_1707 = vector.shape_cast %add3A_1701 : vector<16xi32> to vector<1x16xi32>
      tpu.vector_store %arg10[%swap3A_1703, %swap3A_1704], %swap3A_1707 {strides = array<i32>} : memref<2x128xi32, #tpu.memory_space<vmem>>, vector<1x16xi32>,
      %add3A_1708 = arith.constant 147456 : i32
      %add3A_1709 = vector.broadcast %add3A_1708 : i32 to vector<16xi32>
      %add3A_1710 = arith.addi %get3A_7, %add3A_1709 : vector<16xi32>
      %swap3A_1711 = arith.constant 1 : i32
      %swap3A_1712 = arith.index_cast %swap3A_1711 : i32 to index
      %swap3A_1713 = arith.constant 32 : index
      %swap3A_1714 = tpu.vector_load %arg10[%swap3A_1712, %swap3A_1713] {strides = array<i32>} : memref<2x128xi32, #tpu.memory_space<vmem>>, vector<1x16xi32>,
      %swap3A_1715 = vector.shape_cast %swap3A_1714 : vector<1x16xi32> to vector<16xi32>
      %swap3A_1716 = vector.shape_cast %add3A_1710 : vector<16xi32> to vector<1x16xi32>
      tpu.vector_store %arg10[%swap3A_1712, %swap3A_1713], %swap3A_1716 {strides = array<i32>} : memref<2x128xi32, #tpu.memory_space<vmem>>, vector<1x16xi32>,
      %add3A_1717 = arith.constant 147456 : i32
      %add3A_1718 = vector.broadcast %add3A_1717 : i32 to vector<16xi32>
      %add3A_1719 = arith.addi %get3A_10, %add3A_1718 : vector<16xi32>
      %swap3A_1720 = arith.constant 1 : i32
      %swap3A_1721 = arith.index_cast %swap3A_1720 : i32 to index
      %swap3A_1722 = arith.constant 48 : index
      %swap3A_1723 = tpu.vector_load %arg10[%swap3A_1721, %swap3A_1722] {strides = array<i32>} : memref<2x128xi32, #tpu.memory_space<vmem>>, vector<1x16xi32>,
      %swap3A_1724 = vector.shape_cast %swap3A_1723 : vector<1x16xi32> to vector<16xi32>
      %swap3A_1725 = vector.shape_cast %add3A_1719 : vector<16xi32> to vector<1x16xi32>
      tpu.vector_store %arg10[%swap3A_1721, %swap3A_1722], %swap3A_1725 {strides = array<i32>} : memref<2x128xi32, #tpu.memory_space<vmem>>, vector<1x16xi32>,
      %add3A_1726 = arith.constant 147456 : i32
      %add3A_1727 = vector.broadcast %add3A_1726 : i32 to vector<16xi32>
      %add3A_1728 = arith.addi %get3A_13, %add3A_1727 : vector<16xi32>
      %swap3A_1729 = arith.constant 1 : i32
      %swap3A_1730 = arith.index_cast %swap3A_1729 : i32 to index
      %swap3A_1731 = arith.constant 64 : index
      %swap3A_1732 = tpu.vector_load %arg10[%swap3A_1730, %swap3A_1731] {strides = array<i32>} : memref<2x128xi32, #tpu.memory_space<vmem>>, vector<1x16xi32>,
      %swap3A_1733 = vector.shape_cast %swap3A_1732 : vector<1x16xi32> to vector<16xi32>
      %swap3A_1734 = vector.shape_cast %add3A_1728 : vector<16xi32> to vector<1x16xi32>
      tpu.vector_store %arg10[%swap3A_1730, %swap3A_1731], %swap3A_1734 {strides = array<i32>} : memref<2x128xi32, #tpu.memory_space<vmem>>, vector<1x16xi32>,
      %add3A_1735 = arith.constant 147456 : i32
      %add3A_1736 = vector.broadcast %add3A_1735 : i32 to vector<16xi32>
      %add3A_1737 = arith.addi %get3A_16, %add3A_1736 : vector<16xi32>
      %swap3A_1738 = arith.constant 1 : i32
      %swap3A_1739 = arith.index_cast %swap3A_1738 : i32 to index
      %swap3A_1740 = arith.constant 80 : index
      %swap3A_1741 = tpu.vector_load %arg10[%swap3A_1739, %swap3A_1740] {strides = array<i32>} : memref<2x128xi32, #tpu.memory_space<vmem>>, vector<1x16xi32>,
      %swap3A_1742 = vector.shape_cast %swap3A_1741 : vector<1x16xi32> to vector<16xi32>
      %swap3A_1743 = vector.shape_cast %add3A_1737 : vector<16xi32> to vector<1x16xi32>
      tpu.vector_store %arg10[%swap3A_1739, %swap3A_1740], %swap3A_1743 {strides = array<i32>} : memref<2x128xi32, #tpu.memory_space<vmem>>, vector<1x16xi32>,
      %add3A_1744 = arith.constant 147456 : i32
      %add3A_1745 = vector.broadcast %add3A_1744 : i32 to vector<16xi32>
      %add3A_1746 = arith.addi %get3A_19, %add3A_1745 : vector<16xi32>
      %swap3A_1747 = arith.constant 1 : i32
      %swap3A_1748 = arith.index_cast %swap3A_1747 : i32 to index
      %swap3A_1749 = arith.constant 96 : index
      %swap3A_1750 = tpu.vector_load %arg10[%swap3A_1748, %swap3A_1749] {strides = array<i32>} : memref<2x128xi32, #tpu.memory_space<vmem>>, vector<1x16xi32>,
      %swap3A_1751 = vector.shape_cast %swap3A_1750 : vector<1x16xi32> to vector<16xi32>
      %swap3A_1752 = vector.shape_cast %add3A_1746 : vector<16xi32> to vector<1x16xi32>
      tpu.vector_store %arg10[%swap3A_1748, %swap3A_1749], %swap3A_1752 {strides = array<i32>} : memref<2x128xi32, #tpu.memory_space<vmem>>, vector<1x16xi32>,
      %add3A_1753 = arith.constant 147456 : i32
      %add3A_1754 = vector.broadcast %add3A_1753 : i32 to vector<16xi32>
      %add3A_1755 = arith.addi %get3A_22, %add3A_1754 : vector<16xi32>
      %swap3A_1756 = arith.constant 1 : i32
      %swap3A_1757 = arith.index_cast %swap3A_1756 : i32 to index
      %swap3A_1758 = arith.constant 112 : index
      %swap3A_1759 = tpu.vector_load %arg10[%swap3A_1757, %swap3A_1758] {strides = array<i32>} : memref<2x128xi32, #tpu.memory_space<vmem>>, vector<1x16xi32>,
      %swap3A_1760 = vector.shape_cast %swap3A_1759 : vector<1x16xi32> to vector<16xi32>
      %swap3A_1761 = vector.shape_cast %add3A_1755 : vector<16xi32> to vector<1x16xi32>
      tpu.vector_store %arg10[%swap3A_1757, %swap3A_1758], %swap3A_1761 {strides = array<i32>} : memref<2x128xi32, #tpu.memory_space<vmem>>, vector<1x16xi32>,
      %dma_start3A_1762 = arith.constant 0 : i32
      %dma_start3A_1763 = arith.constant 0 : i32
      %dma_start3A_1764 = arith.constant 0 : i32
      %dma_start3A_1765 = tpu.memref_slice %arg11[%dma_start3A_1763, %dma_start3A_1764] : memref<2x128xf32, #tpu.memory_space<vmem>> -> memref<1x128xf32, #tpu.memory_space<vmem>>
      %dma_start3A_1766 = tpu.memref_squeeze %dma_start3A_1765 : memref<1x128xf32, #tpu.memory_space<vmem>> -> memref<128xf32, #tpu.memory_space<vmem>>
      %dma_start3A_1767 = arith.constant 0 : i32
      %dma_start3A_1768 = tpu.memref_slice %arg10[%dma_start3A_1762, %dma_start3A_1767] : memref<2x128xi32, #tpu.memory_space<vmem>> -> memref<1x128xi32, #tpu.memory_space<vmem>>
      %dma_start3A_1769 = tpu.memref_squeeze %dma_start3A_1768 : memref<1x128xi32, #tpu.memory_space<vmem>> -> memref<128xi32, #tpu.memory_space<vmem>>
      %dma_start3A_1770 = arith.constant 0 : i32
      %dma_start3A_1771 = tpu.memref_slice %arg4[%dma_start3A_1770] : memref<1179648xf32, #tpu.memory_space<hbm>> -> memref<1179648xf32, #tpu.memory_space<hbm>>
      tpu.enqueue_indirect_dma source(%dma_start3A_1771 : memref<1179648xf32, #tpu.memory_space<hbm>>) target(%dma_start3A_1766 : memref<128xf32, #tpu.memory_space<vmem>>) offsets(%dma_start3A_1769 : memref<128xi32, #tpu.memory_space<vmem>>) semaphore(%arg12 : memref<!tpu.dma_semaphore, #tpu.memory_space<semaphore_mem>>)
      %dma_start3A_1772 = arith.constant 1 : i32
      %dma_start3A_1773 = arith.constant 1 : i32
      %dma_start3A_1774 = arith.constant 0 : i32
      %dma_start3A_1775 = tpu.memref_slice %arg11[%dma_start3A_1773, %dma_start3A_1774] : memref<2x128xf32, #tpu.memory_space<vmem>> -> memref<1x128xf32, #tpu.memory_space<vmem>>
      %dma_start3A_1776 = tpu.memref_squeeze %dma_start3A_1775 : memref<1x128xf32, #tpu.memory_space<vmem>> -> memref<128xf32, #tpu.memory_space<vmem>>
      %dma_start3A_1777 = arith.constant 0 : i32
      %dma_start3A_1778 = tpu.memref_slice %arg10[%dma_start3A_1772, %dma_start3A_1777] : memref<2x128xi32, #tpu.memory_space<vmem>> -> memref<1x128xi32, #tpu.memory_space<vmem>>
      %dma_start3A_1779 = tpu.memref_squeeze %dma_start3A_1778 : memref<1x128xi32, #tpu.memory_space<vmem>> -> memref<128xi32, #tpu.memory_space<vmem>>
      %dma_start3A_1780 = arith.constant 0 : i32
      %dma_start3A_1781 = tpu.memref_slice %arg4[%dma_start3A_1780] : memref<1179648xf32, #tpu.memory_space<hbm>> -> memref<1179648xf32, #tpu.memory_space<hbm>>
      tpu.enqueue_indirect_dma source(%dma_start3A_1781 : memref<1179648xf32, #tpu.memory_space<hbm>>) target(%dma_start3A_1776 : memref<128xf32, #tpu.memory_space<vmem>>) offsets(%dma_start3A_1779 : memref<128xi32, #tpu.memory_space<vmem>>) semaphore(%arg12 : memref<!tpu.dma_semaphore, #tpu.memory_space<semaphore_mem>>)
      %dma_wait3A_1782 = arith.constant 0 : i32
      %dma_wait3A_1783 = arith.constant 0 : i32
      %dma_wait3A_1784 = arith.constant 0 : i32
      %dma_wait3A_1785 = tpu.memref_slice %arg11[%dma_wait3A_1783, %dma_wait3A_1784] : memref<2x128xf32, #tpu.memory_space<vmem>> -> memref<1x128xf32, #tpu.memory_space<vmem>>
      %dma_wait3A_1786 = tpu.memref_squeeze %dma_wait3A_1785 : memref<1x128xf32, #tpu.memory_space<vmem>> -> memref<128xf32, #tpu.memory_space<vmem>>
      %dma_wait3A_1787 = arith.constant 0 : i32
      %dma_wait3A_1788 = tpu.memref_slice %arg10[%dma_wait3A_1782, %dma_wait3A_1787] : memref<2x128xi32, #tpu.memory_space<vmem>> -> memref<1x128xi32, #tpu.memory_space<vmem>>
      %dma_wait3A_1789 = tpu.memref_squeeze %dma_wait3A_1788 : memref<1x128xi32, #tpu.memory_space<vmem>> -> memref<128xi32, #tpu.memory_space<vmem>>
      %dma_wait3A_1790 = arith.constant 0 : i32
      %dma_wait3A_1791 = tpu.memref_slice %arg4[%dma_wait3A_1790] : memref<1179648xf32, #tpu.memory_space<hbm>> -> memref<1179648xf32, #tpu.memory_space<hbm>>
      tpu.wait_indirect_dma semaphore(%arg12 : memref<!tpu.dma_semaphore, #tpu.memory_space<semaphore_mem>>) src(%dma_wait3A_1791 : memref<1179648xf32, #tpu.memory_space<hbm>>) dst(%dma_wait3A_1786 : memref<128xf32, #tpu.memory_space<vmem>>)
      %dma_wait3A_1792 = arith.constant 1 : i32
      %dma_wait3A_1793 = arith.constant 1 : i32
      %dma_wait3A_1794 = arith.constant 0 : i32
      %dma_wait3A_1795 = tpu.memref_slice %arg11[%dma_wait3A_1793, %dma_wait3A_1794] : memref<2x128xf32, #tpu.memory_space<vmem>> -> memref<1x128xf32, #tpu.memory_space<vmem>>
      %dma_wait3A_1796 = tpu.memref_squeeze %dma_wait3A_1795 : memref<1x128xf32, #tpu.memory_space<vmem>> -> memref<128xf32, #tpu.memory_space<vmem>>
      %dma_wait3A_1797 = arith.constant 0 : i32
      %dma_wait3A_1798 = tpu.memref_slice %arg10[%dma_wait3A_1792, %dma_wait3A_1797] : memref<2x128xi32, #tpu.memory_space<vmem>> -> memref<1x128xi32, #tpu.memory_space<vmem>>
      %dma_wait3A_1799 = tpu.memref_squeeze %dma_wait3A_1798 : memref<1x128xi32, #tpu.memory_space<vmem>> -> memref<128xi32, #tpu.memory_space<vmem>>
      %dma_wait3A_1800 = arith.constant 0 : i32
      %dma_wait3A_1801 = tpu.memref_slice %arg4[%dma_wait3A_1800] : memref<1179648xf32, #tpu.memory_space<hbm>> -> memref<1179648xf32, #tpu.memory_space<hbm>>
      tpu.wait_indirect_dma semaphore(%arg12 : memref<!tpu.dma_semaphore, #tpu.memory_space<semaphore_mem>>) src(%dma_wait3A_1801 : memref<1179648xf32, #tpu.memory_space<hbm>>) dst(%dma_wait3A_1796 : memref<128xf32, #tpu.memory_space<vmem>>)
      %run_scoped3A_1802 = arith.constant 0 : i32
      "tpu.region"() ({
        %run_scoped3A_1803 = tpu.sem_alloc : memref<!tpu.dma_semaphore, #tpu.memory_space<semaphore_mem>>
        %dma_start3A_1804 = arith.constant 0 : i32
        %dma_start3A_1805 = arith.constant 0 : i32
        %dma_start3A_1806 = tpu.memref_slice %arg6[%run_scoped3A_1802, %dma_start3A_1804, %dma_start3A_1805] : memref<2x2x128xf32, #tpu.memory_space<hbm>> -> memref<1x2x128xf32, #tpu.memory_space<hbm>>
        %dma_start3A_1807 = tpu.memref_squeeze %dma_start3A_1806 : memref<1x2x128xf32, #tpu.memory_space<hbm>> -> memref<2x128xf32, #tpu.memory_space<hbm>>
        %dma_start3A_1808 = arith.constant 0 : i32
        %dma_start3A_1809 = arith.constant 0 : i32
        %dma_start3A_1810 = tpu.memref_slice %arg6[%run_scoped3A_1802, %dma_start3A_1808, %dma_start3A_1809] : memref<2x2x128xf32, #tpu.memory_space<hbm>> -> memref<1x2x128xf32, #tpu.memory_space<hbm>>
        %dma_start3A_1811 = tpu.memref_squeeze %dma_start3A_1810 : memref<1x2x128xf32, #tpu.memory_space<hbm>> -> memref<2x128xf32, #tpu.memory_space<hbm>>
        tpu.enqueue_dma source(%arg11 : memref<2x128xf32, #tpu.memory_space<vmem>>) target(%dma_start3A_1811 : memref<2x128xf32, #tpu.memory_space<hbm>>) target_semaphore(%run_scoped3A_1803 : memref<!tpu.dma_semaphore, #tpu.memory_space<semaphore_mem>>)
        %dma_wait3A_1812 = arith.constant 0 : i32
        %dma_wait3A_1813 = arith.constant 0 : i32
        %dma_wait3A_1814 = tpu.memref_slice %arg6[%run_scoped3A_1802, %dma_wait3A_1812, %dma_wait3A_1813] : memref<2x2x128xf32, #tpu.memory_space<hbm>> -> memref<1x2x128xf32, #tpu.memory_space<hbm>>
        %dma_wait3A_1815 = tpu.memref_squeeze %dma_wait3A_1814 : memref<1x2x128xf32, #tpu.memory_space<hbm>> -> memref<2x128xf32, #tpu.memory_space<hbm>>
        %dma_wait3A_1816 = arith.constant 0 : i32
        %dma_wait3A_1817 = arith.constant 0 : i32
        %dma_wait3A_1818 = tpu.memref_slice %arg6[%run_scoped3A_1802, %dma_wait3A_1816, %dma_wait3A_1817] : memref<2x2x128xf32, #tpu.memory_space<hbm>> -> memref<1x2x128xf32, #tpu.memory_space<hbm>>
        %dma_wait3A_1819 = tpu.memref_squeeze %dma_wait3A_1818 : memref<1x2x128xf32, #tpu.memory_space<hbm>> -> memref<2x128xf32, #tpu.memory_space<hbm>>
        tpu.wait_dma2 semaphore(%run_scoped3A_1803 : memref<!tpu.dma_semaphore, #tpu.memory_space<semaphore_mem>>) src(%arg11 : memref<2x128xf32, #tpu.memory_space<vmem>>) dst(%dma_wait3A_1819 : memref<2x128xf32, #tpu.memory_space<hbm>>)
        tpu.yield
      }) : () -> ()
    } else {
    }
    %run_scoped3A_804 = arith.constant 1 : i32
    "tpu.region"() ({
      %run_scoped3A_1618 = tpu.sem_alloc : memref<!tpu.dma_semaphore, #tpu.memory_space<semaphore_mem>>
      %dma_start3A_1619 = arith.constant 0 : i32
      %dma_start3A_1620 = tpu.memref_slice %arg2[%run_scoped3A_804, %dma_start3A_1619] : memref<2x128xi32, #tpu.memory_space<hbm>> -> memref<1x128xi32, #tpu.memory_space<hbm>>
      %dma_start3A_1621 = tpu.memref_squeeze %dma_start3A_1620 : memref<1x128xi32, #tpu.memory_space<hbm>> -> memref<128xi32, #tpu.memory_space<hbm>>
      %dma_start3A_1622 = arith.constant 0 : i32
      %dma_start3A_1623 = tpu.memref_slice %arg2[%run_scoped3A_804, %dma_start3A_1622] : memref<2x128xi32, #tpu.memory_space<hbm>> -> memref<1x128xi32, #tpu.memory_space<hbm>>
      %dma_start3A_1624 = tpu.memref_squeeze %dma_start3A_1623 : memref<1x128xi32, #tpu.memory_space<hbm>> -> memref<128xi32, #tpu.memory_space<hbm>>
      tpu.enqueue_dma source(%dma_start3A_1624 : memref<128xi32, #tpu.memory_space<hbm>>) target(%arg7 : memref<128xi32, #tpu.memory_space<vmem>>) target_semaphore(%run_scoped3A_1618 : memref<!tpu.dma_semaphore, #tpu.memory_space<semaphore_mem>>)
      %dma_wait3A_1625 = arith.constant 0 : i32
      %dma_wait3A_1626 = tpu.memref_slice %arg2[%run_scoped3A_804, %dma_wait3A_1625] : memref<2x128xi32, #tpu.memory_space<hbm>> -> memref<1x128xi32, #tpu.memory_space<hbm>>
      %dma_wait3A_1627 = tpu.memref_squeeze %dma_wait3A_1626 : memref<1x128xi32, #tpu.memory_space<hbm>> -> memref<128xi32, #tpu.memory_space<hbm>>
      %dma_wait3A_1628 = arith.constant 0 : i32
      %dma_wait3A_1629 = tpu.memref_slice %arg2[%run_scoped3A_804, %dma_wait3A_1628] : memref<2x128xi32, #tpu.memory_space<hbm>> -> memref<1x128xi32, #tpu.memory_space<hbm>>
      %dma_wait3A_1630 = tpu.memref_squeeze %dma_wait3A_1629 : memref<1x128xi32, #tpu.memory_space<hbm>> -> memref<128xi32, #tpu.memory_space<hbm>>
      tpu.wait_dma2 semaphore(%run_scoped3A_1618 : memref<!tpu.dma_semaphore, #tpu.memory_space<semaphore_mem>>) src(%dma_wait3A_1630 : memref<128xi32, #tpu.memory_space<hbm>>) dst(%arg7 : memref<128xi32, #tpu.memory_space<vmem>>)
      tpu.yield
    }) : () -> ()
    %get3A_805 = arith.constant 0 : index
    %get3A_806 = tpu.vector_load %arg7[%get3A_805] {strides = array<i32>} : memref<128xi32, #tpu.memory_space<vmem>>, vector<16xi32>,
    %get3A_807 = vector.shape_cast %get3A_806 : vector<16xi32> to vector<16xi32>
    %get3A_808 = arith.constant 16 : index
    %get3A_809 = tpu.vector_load %arg7[%get3A_808] {strides = array<i32>} : memref<128xi32, #tpu.memory_space<vmem>>, vector<16xi32>,
    %get3A_810 = vector.shape_cast %get3A_809 : vector<16xi32> to vector<16xi32>
    %get3A_811 = arith.constant 32 : index
    %get3A_812 = tpu.vector_load %arg7[%get3A_811] {strides = array<i32>} : memref<128xi32, #tpu.memory_space<vmem>>, vector<16xi32>,
    %get3A_813 = vector.shape_cast %get3A_812 : vector<16xi32> to vector<16xi32>
    %get3A_814 = arith.constant 48 : index
    %get3A_815 = tpu.vector_load %arg7[%get3A_814] {strides = array<i32>} : memref<128xi32, #tpu.memory_space<vmem>>, vector<16xi32>,
    %get3A_816 = vector.shape_cast %get3A_815 : vector<16xi32> to vector<16xi32>
    %get3A_817 = arith.constant 64 : index
    %get3A_818 = tpu.vector_load %arg7[%get3A_817] {strides = array<i32>} : memref<128xi32, #tpu.memory_space<vmem>>, vector<16xi32>,
    %get3A_819 = vector.shape_cast %get3A_818 : vector<16xi32> to vector<16xi32>
    %get3A_820 = arith.constant 80 : index
    %get3A_821 = tpu.vector_load %arg7[%get3A_820] {strides = array<i32>} : memref<128xi32, #tpu.memory_space<vmem>>, vector<16xi32>,
    %get3A_822 = vector.shape_cast %get3A_821 : vector<16xi32> to vector<16xi32>
    %get3A_823 = arith.constant 96 : index
    %get3A_824 = tpu.vector_load %arg7[%get3A_823] {strides = array<i32>} : memref<128xi32, #tpu.memory_space<vmem>>, vector<16xi32>,
    %get3A_825 = vector.shape_cast %get3A_824 : vector<16xi32> to vector<16xi32>
    %get3A_826 = arith.constant 112 : index
    %get3A_827 = tpu.vector_load %arg7[%get3A_826] {strides = array<i32>} : memref<128xi32, #tpu.memory_space<vmem>>, vector<16xi32>,
    %get3A_828 = vector.shape_cast %get3A_827 : vector<16xi32> to vector<16xi32>
    %mul3A_829 = arith.constant 8 : i32
    %mul3A_830 = arith.muli %arg1, %mul3A_829 : i32
    %add3A_831 = arith.constant 128 : i32
    %add3A_832 = arith.addi %add3A_831, %mul3A_830 : i32
    %add3A_833 = arith.constant 0 : i32
    %add3A_834 = arith.addi %add3A_832, %add3A_833 : i32
    %mul3A_835 = arith.constant 147456 : i32
    %mul3A_836 = arith.muli %add3A_834, %mul3A_835 : i32
    %add3A_837 = vector.broadcast %mul3A_836 : i32 to vector<16xi32>
    %add3A_838 = arith.addi %get3A_807, %add3A_837 : vector<16xi32>
    %swap3A_839 = arith.constant 0 : i32
    %swap3A_840 = arith.index_cast %swap3A_839 : i32 to index
    %swap3A_841 = arith.constant 0 : index
    %swap3A_842 = tpu.vector_load %arg8[%swap3A_840, %swap3A_841] {strides = array<i32>} : memref<8x128xi32, #tpu.memory_space<vmem>>, vector<1x16xi32>,
    %swap3A_843 = vector.shape_cast %swap3A_842 : vector<1x16xi32> to vector<16xi32>
    %swap3A_844 = vector.shape_cast %add3A_838 : vector<16xi32> to vector<1x16xi32>
    tpu.vector_store %arg8[%swap3A_840, %swap3A_841], %swap3A_844 {strides = array<i32>} : memref<8x128xi32, #tpu.memory_space<vmem>>, vector<1x16xi32>,
    %add3A_845 = vector.broadcast %mul3A_836 : i32 to vector<16xi32>
    %add3A_846 = arith.addi %get3A_810, %add3A_845 : vector<16xi32>
    %swap3A_847 = arith.constant 0 : i32
    %swap3A_848 = arith.index_cast %swap3A_847 : i32 to index
    %swap3A_849 = arith.constant 16 : index
    %swap3A_850 = tpu.vector_load %arg8[%swap3A_848, %swap3A_849] {strides = array<i32>} : memref<8x128xi32, #tpu.memory_space<vmem>>, vector<1x16xi32>,
    %swap3A_851 = vector.shape_cast %swap3A_850 : vector<1x16xi32> to vector<16xi32>
    %swap3A_852 = vector.shape_cast %add3A_846 : vector<16xi32> to vector<1x16xi32>
    tpu.vector_store %arg8[%swap3A_848, %swap3A_849], %swap3A_852 {strides = array<i32>} : memref<8x128xi32, #tpu.memory_space<vmem>>, vector<1x16xi32>,
    %add3A_853 = vector.broadcast %mul3A_836 : i32 to vector<16xi32>
    %add3A_854 = arith.addi %get3A_813, %add3A_853 : vector<16xi32>
    %swap3A_855 = arith.constant 0 : i32
    %swap3A_856 = arith.index_cast %swap3A_855 : i32 to index
    %swap3A_857 = arith.constant 32 : index
    %swap3A_858 = tpu.vector_load %arg8[%swap3A_856, %swap3A_857] {strides = array<i32>} : memref<8x128xi32, #tpu.memory_space<vmem>>, vector<1x16xi32>,
    %swap3A_859 = vector.shape_cast %swap3A_858 : vector<1x16xi32> to vector<16xi32>
    %swap3A_860 = vector.shape_cast %add3A_854 : vector<16xi32> to vector<1x16xi32>
    tpu.vector_store %arg8[%swap3A_856, %swap3A_857], %swap3A_860 {strides = array<i32>} : memref<8x128xi32, #tpu.memory_space<vmem>>, vector<1x16xi32>,
    %add3A_861 = vector.broadcast %mul3A_836 : i32 to vector<16xi32>
    %add3A_862 = arith.addi %get3A_816, %add3A_861 : vector<16xi32>
    %swap3A_863 = arith.constant 0 : i32
    %swap3A_864 = arith.index_cast %swap3A_863 : i32 to index
    %swap3A_865 = arith.constant 48 : index
    %swap3A_866 = tpu.vector_load %arg8[%swap3A_864, %swap3A_865] {strides = array<i32>} : memref<8x128xi32, #tpu.memory_space<vmem>>, vector<1x16xi32>,
    %swap3A_867 = vector.shape_cast %swap3A_866 : vector<1x16xi32> to vector<16xi32>
    %swap3A_868 = vector.shape_cast %add3A_862 : vector<16xi32> to vector<1x16xi32>
    tpu.vector_store %arg8[%swap3A_864, %swap3A_865], %swap3A_868 {strides = array<i32>} : memref<8x128xi32, #tpu.memory_space<vmem>>, vector<1x16xi32>,
    %add3A_869 = vector.broadcast %mul3A_836 : i32 to vector<16xi32>
    %add3A_870 = arith.addi %get3A_819, %add3A_869 : vector<16xi32>
    %swap3A_871 = arith.constant 0 : i32
    %swap3A_872 = arith.index_cast %swap3A_871 : i32 to index
    %swap3A_873 = arith.constant 64 : index
    %swap3A_874 = tpu.vector_load %arg8[%swap3A_872, %swap3A_873] {strides = array<i32>} : memref<8x128xi32, #tpu.memory_space<vmem>>, vector<1x16xi32>,
    %swap3A_875 = vector.shape_cast %swap3A_874 : vector<1x16xi32> to vector<16xi32>
    %swap3A_876 = vector.shape_cast %add3A_870 : vector<16xi32> to vector<1x16xi32>
    tpu.vector_store %arg8[%swap3A_872, %swap3A_873], %swap3A_876 {strides = array<i32>} : memref<8x128xi32, #tpu.memory_space<vmem>>, vector<1x16xi32>,
    %add3A_877 = vector.broadcast %mul3A_836 : i32 to vector<16xi32>
    %add3A_878 = arith.addi %get3A_822, %add3A_877 : vector<16xi32>
    %swap3A_879 = arith.constant 0 : i32
    %swap3A_880 = arith.index_cast %swap3A_879 : i32 to index
    %swap3A_881 = arith.constant 80 : index
    %swap3A_882 = tpu.vector_load %arg8[%swap3A_880, %swap3A_881] {strides = array<i32>} : memref<8x128xi32, #tpu.memory_space<vmem>>, vector<1x16xi32>,
    %swap3A_883 = vector.shape_cast %swap3A_882 : vector<1x16xi32> to vector<16xi32>
    %swap3A_884 = vector.shape_cast %add3A_878 : vector<16xi32> to vector<1x16xi32>
    tpu.vector_store %arg8[%swap3A_880, %swap3A_881], %swap3A_884 {strides = array<i32>} : memref<8x128xi32, #tpu.memory_space<vmem>>, vector<1x16xi32>,
    %add3A_885 = vector.broadcast %mul3A_836 : i32 to vector<16xi32>
    %add3A_886 = arith.addi %get3A_825, %add3A_885 : vector<16xi32>
    %swap3A_887 = arith.constant 0 : i32
    %swap3A_888 = arith.index_cast %swap3A_887 : i32 to index
    %swap3A_889 = arith.constant 96 : index
    %swap3A_890 = tpu.vector_load %arg8[%swap3A_888, %swap3A_889] {strides = array<i32>} : memref<8x128xi32, #tpu.memory_space<vmem>>, vector<1x16xi32>,
    %swap3A_891 = vector.shape_cast %swap3A_890 : vector<1x16xi32> to vector<16xi32>
    %swap3A_892 = vector.shape_cast %add3A_886 : vector<16xi32> to vector<1x16xi32>
    tpu.vector_store %arg8[%swap3A_888, %swap3A_889], %swap3A_892 {strides = array<i32>} : memref<8x128xi32, #tpu.memory_space<vmem>>, vector<1x16xi32>,
    %add3A_893 = vector.broadcast %mul3A_836 : i32 to vector<16xi32>
    %add3A_894 = arith.addi %get3A_828, %add3A_893 : vector<16xi32>
    %swap3A_895 = arith.constant 0 : i32
    %swap3A_896 = arith.index_cast %swap3A_895 : i32 to index
    %swap3A_897 = arith.constant 112 : index
    %swap3A_898 = tpu.vector_load %arg8[%swap3A_896, %swap3A_897] {strides = array<i32>} : memref<8x128xi32, #tpu.memory_space<vmem>>, vector<1x16xi32>,
    %swap3A_899 = vector.shape_cast %swap3A_898 : vector<1x16xi32> to vector<16xi32>
    %swap3A_900 = vector.shape_cast %add3A_894 : vector<16xi32> to vector<1x16xi32>
    tpu.vector_store %arg8[%swap3A_896, %swap3A_897], %swap3A_900 {strides = array<i32>} : memref<8x128xi32, #tpu.memory_space<vmem>>, vector<1x16xi32>,
    %mul3A_901 = arith.constant 8 : i32
    %mul3A_902 = arith.muli %arg1, %mul3A_901 : i32
    %add3A_903 = arith.constant 128 : i32
    %add3A_904 = arith.addi %add3A_903, %mul3A_902 : i32
    %add3A_905 = arith.constant 1 : i32
    %add3A_906 = arith.addi %add3A_904, %add3A_905 : i32
    %mul3A_907 = arith.constant 147456 : i32
    %mul3A_908 = arith.muli %add3A_906, %mul3A_907 : i32
    %add3A_909 = vector.broadcast %mul3A_908 : i32 to vector<16xi32>
    %add3A_910 = arith.addi %get3A_807, %add3A_909 : vector<16xi32>
    %swap3A_911 = arith.constant 1 : i32
    %swap3A_912 = arith.index_cast %swap3A_911 : i32 to index
    %swap3A_913 = arith.constant 0 : index
    %swap3A_914 = tpu.vector_load %arg8[%swap3A_912, %swap3A_913] {strides = array<i32>} : memref<8x128xi32, #tpu.memory_space<vmem>>, vector<1x16xi32>,
    %swap3A_915 = vector.shape_cast %swap3A_914 : vector<1x16xi32> to vector<16xi32>
    %swap3A_916 = vector.shape_cast %add3A_910 : vector<16xi32> to vector<1x16xi32>
    tpu.vector_store %arg8[%swap3A_912, %swap3A_913], %swap3A_916 {strides = array<i32>} : memref<8x128xi32, #tpu.memory_space<vmem>>, vector<1x16xi32>,
    %add3A_917 = vector.broadcast %mul3A_908 : i32 to vector<16xi32>
    %add3A_918 = arith.addi %get3A_810, %add3A_917 : vector<16xi32>
    %swap3A_919 = arith.constant 1 : i32
    %swap3A_920 = arith.index_cast %swap3A_919 : i32 to index
    %swap3A_921 = arith.constant 16 : index
    %swap3A_922 = tpu.vector_load %arg8[%swap3A_920, %swap3A_921] {strides = array<i32>} : memref<8x128xi32, #tpu.memory_space<vmem>>, vector<1x16xi32>,
    %swap3A_923 = vector.shape_cast %swap3A_922 : vector<1x16xi32> to vector<16xi32>
    %swap3A_924 = vector.shape_cast %add3A_918 : vector<16xi32> to vector<1x16xi32>
    tpu.vector_store %arg8[%swap3A_920, %swap3A_921], %swap3A_924 {strides = array<i32>} : memref<8x128xi32, #tpu.memory_space<vmem>>, vector<1x16xi32>,
    %add3A_925 = vector.broadcast %mul3A_908 : i32 to vector<16xi32>
    %add3A_926 = arith.addi %get3A_813, %add3A_925 : vector<16xi32>
    %swap3A_927 = arith.constant 1 : i32
    %swap3A_928 = arith.index_cast %swap3A_927 : i32 to index
    %swap3A_929 = arith.constant 32 : index
    %swap3A_930 = tpu.vector_load %arg8[%swap3A_928, %swap3A_929] {strides = array<i32>} : memref<8x128xi32, #tpu.memory_space<vmem>>, vector<1x16xi32>,
    %swap3A_931 = vector.shape_cast %swap3A_930 : vector<1x16xi32> to vector<16xi32>
    %swap3A_932 = vector.shape_cast %add3A_926 : vector<16xi32> to vector<1x16xi32>
    tpu.vector_store %arg8[%swap3A_928, %swap3A_929], %swap3A_932 {strides = array<i32>} : memref<8x128xi32, #tpu.memory_space<vmem>>, vector<1x16xi32>,
    %add3A_933 = vector.broadcast %mul3A_908 : i32 to vector<16xi32>
    %add3A_934 = arith.addi %get3A_816, %add3A_933 : vector<16xi32>
    %swap3A_935 = arith.constant 1 : i32
    %swap3A_936 = arith.index_cast %swap3A_935 : i32 to index
    %swap3A_937 = arith.constant 48 : index
    %swap3A_938 = tpu.vector_load %arg8[%swap3A_936, %swap3A_937] {strides = array<i32>} : memref<8x128xi32, #tpu.memory_space<vmem>>, vector<1x16xi32>,
    %swap3A_939 = vector.shape_cast %swap3A_938 : vector<1x16xi32> to vector<16xi32>
    %swap3A_940 = vector.shape_cast %add3A_934 : vector<16xi32> to vector<1x16xi32>
    tpu.vector_store %arg8[%swap3A_936, %swap3A_937], %swap3A_940 {strides = array<i32>} : memref<8x128xi32, #tpu.memory_space<vmem>>, vector<1x16xi32>,
    %add3A_941 = vector.broadcast %mul3A_908 : i32 to vector<16xi32>
    %add3A_942 = arith.addi %get3A_819, %add3A_941 : vector<16xi32>
    %swap3A_943 = arith.constant 1 : i32
    %swap3A_944 = arith.index_cast %swap3A_943 : i32 to index
    %swap3A_945 = arith.constant 64 : index
    %swap3A_946 = tpu.vector_load %arg8[%swap3A_944, %swap3A_945] {strides = array<i32>} : memref<8x128xi32, #tpu.memory_space<vmem>>, vector<1x16xi32>,
    %swap3A_947 = vector.shape_cast %swap3A_946 : vector<1x16xi32> to vector<16xi32>
    %swap3A_948 = vector.shape_cast %add3A_942 : vector<16xi32> to vector<1x16xi32>
    tpu.vector_store %arg8[%swap3A_944, %swap3A_945], %swap3A_948 {strides = array<i32>} : memref<8x128xi32, #tpu.memory_space<vmem>>, vector<1x16xi32>,
    %add3A_949 = vector.broadcast %mul3A_908 : i32 to vector<16xi32>
    %add3A_950 = arith.addi %get3A_822, %add3A_949 : vector<16xi32>
    %swap3A_951 = arith.constant 1 : i32
    %swap3A_952 = arith.index_cast %swap3A_951 : i32 to index
    %swap3A_953 = arith.constant 80 : index
    %swap3A_954 = tpu.vector_load %arg8[%swap3A_952, %swap3A_953] {strides = array<i32>} : memref<8x128xi32, #tpu.memory_space<vmem>>, vector<1x16xi32>,
    %swap3A_955 = vector.shape_cast %swap3A_954 : vector<1x16xi32> to vector<16xi32>
    %swap3A_956 = vector.shape_cast %add3A_950 : vector<16xi32> to vector<1x16xi32>
    tpu.vector_store %arg8[%swap3A_952, %swap3A_953], %swap3A_956 {strides = array<i32>} : memref<8x128xi32, #tpu.memory_space<vmem>>, vector<1x16xi32>,
    %add3A_957 = vector.broadcast %mul3A_908 : i32 to vector<16xi32>
    %add3A_958 = arith.addi %get3A_825, %add3A_957 : vector<16xi32>
    %swap3A_959 = arith.constant 1 : i32
    %swap3A_960 = arith.index_cast %swap3A_959 : i32 to index
    %swap3A_961 = arith.constant 96 : index
    %swap3A_962 = tpu.vector_load %arg8[%swap3A_960, %swap3A_961] {strides = array<i32>} : memref<8x128xi32, #tpu.memory_space<vmem>>, vector<1x16xi32>,
    %swap3A_963 = vector.shape_cast %swap3A_962 : vector<1x16xi32> to vector<16xi32>
    %swap3A_964 = vector.shape_cast %add3A_958 : vector<16xi32> to vector<1x16xi32>
    tpu.vector_store %arg8[%swap3A_960, %swap3A_961], %swap3A_964 {strides = array<i32>} : memref<8x128xi32, #tpu.memory_space<vmem>>, vector<1x16xi32>,
    %add3A_965 = vector.broadcast %mul3A_908 : i32 to vector<16xi32>
    %add3A_966 = arith.addi %get3A_828, %add3A_965 : vector<16xi32>
    %swap3A_967 = arith.constant 1 : i32
    %swap3A_968 = arith.index_cast %swap3A_967 : i32 to index
    %swap3A_969 = arith.constant 112 : index
    %swap3A_970 = tpu.vector_load %arg8[%swap3A_968, %swap3A_969] {strides = array<i32>} : memref<8x128xi32, #tpu.memory_space<vmem>>, vector<1x16xi32>,
    %swap3A_971 = vector.shape_cast %swap3A_970 : vector<1x16xi32> to vector<16xi32>
    %swap3A_972 = vector.shape_cast %add3A_966 : vector<16xi32> to vector<1x16xi32>
    tpu.vector_store %arg8[%swap3A_968, %swap3A_969], %swap3A_972 {strides = array<i32>} : memref<8x128xi32, #tpu.memory_space<vmem>>, vector<1x16xi32>,
    %mul3A_973 = arith.constant 8 : i32
    %mul3A_974 = arith.muli %arg1, %mul3A_973 : i32
    %add3A_975 = arith.constant 128 : i32
    %add3A_976 = arith.addi %add3A_975, %mul3A_974 : i32
    %add3A_977 = arith.constant 2 : i32
    %add3A_978 = arith.addi %add3A_976, %add3A_977 : i32
    %mul3A_979 = arith.constant 147456 : i32
    %mul3A_980 = arith.muli %add3A_978, %mul3A_979 : i32
    %add3A_981 = vector.broadcast %mul3A_980 : i32 to vector<16xi32>
    %add3A_982 = arith.addi %get3A_807, %add3A_981 : vector<16xi32>
    %swap3A_983 = arith.constant 2 : i32
    %swap3A_984 = arith.index_cast %swap3A_983 : i32 to index
    %swap3A_985 = arith.constant 0 : index
    %swap3A_986 = tpu.vector_load %arg8[%swap3A_984, %swap3A_985] {strides = array<i32>} : memref<8x128xi32, #tpu.memory_space<vmem>>, vector<1x16xi32>,
    %swap3A_987 = vector.shape_cast %swap3A_986 : vector<1x16xi32> to vector<16xi32>
    %swap3A_988 = vector.shape_cast %add3A_982 : vector<16xi32> to vector<1x16xi32>
    tpu.vector_store %arg8[%swap3A_984, %swap3A_985], %swap3A_988 {strides = array<i32>} : memref<8x128xi32, #tpu.memory_space<vmem>>, vector<1x16xi32>,
    %add3A_989 = vector.broadcast %mul3A_980 : i32 to vector<16xi32>
    %add3A_990 = arith.addi %get3A_810, %add3A_989 : vector<16xi32>
    %swap3A_991 = arith.constant 2 : i32
    %swap3A_992 = arith.index_cast %swap3A_991 : i32 to index
    %swap3A_993 = arith.constant 16 : index
    %swap3A_994 = tpu.vector_load %arg8[%swap3A_992, %swap3A_993] {strides = array<i32>} : memref<8x128xi32, #tpu.memory_space<vmem>>, vector<1x16xi32>,
    %swap3A_995 = vector.shape_cast %swap3A_994 : vector<1x16xi32> to vector<16xi32>
    %swap3A_996 = vector.shape_cast %add3A_990 : vector<16xi32> to vector<1x16xi32>
    tpu.vector_store %arg8[%swap3A_992, %swap3A_993], %swap3A_996 {strides = array<i32>} : memref<8x128xi32, #tpu.memory_space<vmem>>, vector<1x16xi32>,
    %add3A_997 = vector.broadcast %mul3A_980 : i32 to vector<16xi32>
    %add3A_998 = arith.addi %get3A_813, %add3A_997 : vector<16xi32>
    %swap3A_999 = arith.constant 2 : i32
    %swap3A_1000 = arith.index_cast %swap3A_999 : i32 to index
    %swap3A_1001 = arith.constant 32 : index
    %swap3A_1002 = tpu.vector_load %arg8[%swap3A_1000, %swap3A_1001] {strides = array<i32>} : memref<8x128xi32, #tpu.memory_space<vmem>>, vector<1x16xi32>,
    %swap3A_1003 = vector.shape_cast %swap3A_1002 : vector<1x16xi32> to vector<16xi32>
    %swap3A_1004 = vector.shape_cast %add3A_998 : vector<16xi32> to vector<1x16xi32>
    tpu.vector_store %arg8[%swap3A_1000, %swap3A_1001], %swap3A_1004 {strides = array<i32>} : memref<8x128xi32, #tpu.memory_space<vmem>>, vector<1x16xi32>,
    %add3A_1005 = vector.broadcast %mul3A_980 : i32 to vector<16xi32>
    %add3A_1006 = arith.addi %get3A_816, %add3A_1005 : vector<16xi32>
    %swap3A_1007 = arith.constant 2 : i32
    %swap3A_1008 = arith.index_cast %swap3A_1007 : i32 to index
    %swap3A_1009 = arith.constant 48 : index
    %swap3A_1010 = tpu.vector_load %arg8[%swap3A_1008, %swap3A_1009] {strides = array<i32>} : memref<8x128xi32, #tpu.memory_space<vmem>>, vector<1x16xi32>,
    %swap3A_1011 = vector.shape_cast %swap3A_1010 : vector<1x16xi32> to vector<16xi32>
    %swap3A_1012 = vector.shape_cast %add3A_1006 : vector<16xi32> to vector<1x16xi32>
    tpu.vector_store %arg8[%swap3A_1008, %swap3A_1009], %swap3A_1012 {strides = array<i32>} : memref<8x128xi32, #tpu.memory_space<vmem>>, vector<1x16xi32>,
    %add3A_1013 = vector.broadcast %mul3A_980 : i32 to vector<16xi32>
    %add3A_1014 = arith.addi %get3A_819, %add3A_1013 : vector<16xi32>
    %swap3A_1015 = arith.constant 2 : i32
    %swap3A_1016 = arith.index_cast %swap3A_1015 : i32 to index
    %swap3A_1017 = arith.constant 64 : index
    %swap3A_1018 = tpu.vector_load %arg8[%swap3A_1016, %swap3A_1017] {strides = array<i32>} : memref<8x128xi32, #tpu.memory_space<vmem>>, vector<1x16xi32>,
    %swap3A_1019 = vector.shape_cast %swap3A_1018 : vector<1x16xi32> to vector<16xi32>
    %swap3A_1020 = vector.shape_cast %add3A_1014 : vector<16xi32> to vector<1x16xi32>
    tpu.vector_store %arg8[%swap3A_1016, %swap3A_1017], %swap3A_1020 {strides = array<i32>} : memref<8x128xi32, #tpu.memory_space<vmem>>, vector<1x16xi32>,
    %add3A_1021 = vector.broadcast %mul3A_980 : i32 to vector<16xi32>
    %add3A_1022 = arith.addi %get3A_822, %add3A_1021 : vector<16xi32>
    %swap3A_1023 = arith.constant 2 : i32
    %swap3A_1024 = arith.index_cast %swap3A_1023 : i32 to index
    %swap3A_1025 = arith.constant 80 : index
    %swap3A_1026 = tpu.vector_load %arg8[%swap3A_1024, %swap3A_1025] {strides = array<i32>} : memref<8x128xi32, #tpu.memory_space<vmem>>, vector<1x16xi32>,
    %swap3A_1027 = vector.shape_cast %swap3A_1026 : vector<1x16xi32> to vector<16xi32>
    %swap3A_1028 = vector.shape_cast %add3A_1022 : vector<16xi32> to vector<1x16xi32>
    tpu.vector_store %arg8[%swap3A_1024, %swap3A_1025], %swap3A_1028 {strides = array<i32>} : memref<8x128xi32, #tpu.memory_space<vmem>>, vector<1x16xi32>,
    %add3A_1029 = vector.broadcast %mul3A_980 : i32 to vector<16xi32>
    %add3A_1030 = arith.addi %get3A_825, %add3A_1029 : vector<16xi32>
    %swap3A_1031 = arith.constant 2 : i32
    %swap3A_1032 = arith.index_cast %swap3A_1031 : i32 to index
    %swap3A_1033 = arith.constant 96 : index
    %swap3A_1034 = tpu.vector_load %arg8[%swap3A_1032, %swap3A_1033] {strides = array<i32>} : memref<8x128xi32, #tpu.memory_space<vmem>>, vector<1x16xi32>,
    %swap3A_1035 = vector.shape_cast %swap3A_1034 : vector<1x16xi32> to vector<16xi32>
    %swap3A_1036 = vector.shape_cast %add3A_1030 : vector<16xi32> to vector<1x16xi32>
    tpu.vector_store %arg8[%swap3A_1032, %swap3A_1033], %swap3A_1036 {strides = array<i32>} : memref<8x128xi32, #tpu.memory_space<vmem>>, vector<1x16xi32>,
    %add3A_1037 = vector.broadcast %mul3A_980 : i32 to vector<16xi32>
    %add3A_1038 = arith.addi %get3A_828, %add3A_1037 : vector<16xi32>
    %swap3A_1039 = arith.constant 2 : i32
    %swap3A_1040 = arith.index_cast %swap3A_1039 : i32 to index
    %swap3A_1041 = arith.constant 112 : index
    %swap3A_1042 = tpu.vector_load %arg8[%swap3A_1040, %swap3A_1041] {strides = array<i32>} : memref<8x128xi32, #tpu.memory_space<vmem>>, vector<1x16xi32>,
    %swap3A_1043 = vector.shape_cast %swap3A_1042 : vector<1x16xi32> to vector<16xi32>
    %swap3A_1044 = vector.shape_cast %add3A_1038 : vector<16xi32> to vector<1x16xi32>
    tpu.vector_store %arg8[%swap3A_1040, %swap3A_1041], %swap3A_1044 {strides = array<i32>} : memref<8x128xi32, #tpu.memory_space<vmem>>, vector<1x16xi32>,
    %mul3A_1045 = arith.constant 8 : i32
    %mul3A_1046 = arith.muli %arg1, %mul3A_1045 : i32
    %add3A_1047 = arith.constant 128 : i32
    %add3A_1048 = arith.addi %add3A_1047, %mul3A_1046 : i32
    %add3A_1049 = arith.constant 3 : i32
    %add3A_1050 = arith.addi %add3A_1048, %add3A_1049 : i32
    %mul3A_1051 = arith.constant 147456 : i32
    %mul3A_1052 = arith.muli %add3A_1050, %mul3A_1051 : i32
    %add3A_1053 = vector.broadcast %mul3A_1052 : i32 to vector<16xi32>
    %add3A_1054 = arith.addi %get3A_807, %add3A_1053 : vector<16xi32>
    %swap3A_1055 = arith.constant 3 : i32
    %swap3A_1056 = arith.index_cast %swap3A_1055 : i32 to index
    %swap3A_1057 = arith.constant 0 : index
    %swap3A_1058 = tpu.vector_load %arg8[%swap3A_1056, %swap3A_1057] {strides = array<i32>} : memref<8x128xi32, #tpu.memory_space<vmem>>, vector<1x16xi32>,
    %swap3A_1059 = vector.shape_cast %swap3A_1058 : vector<1x16xi32> to vector<16xi32>
    %swap3A_1060 = vector.shape_cast %add3A_1054 : vector<16xi32> to vector<1x16xi32>
    tpu.vector_store %arg8[%swap3A_1056, %swap3A_1057], %swap3A_1060 {strides = array<i32>} : memref<8x128xi32, #tpu.memory_space<vmem>>, vector<1x16xi32>,
    %add3A_1061 = vector.broadcast %mul3A_1052 : i32 to vector<16xi32>
    %add3A_1062 = arith.addi %get3A_810, %add3A_1061 : vector<16xi32>
    %swap3A_1063 = arith.constant 3 : i32
    %swap3A_1064 = arith.index_cast %swap3A_1063 : i32 to index
    %swap3A_1065 = arith.constant 16 : index
    %swap3A_1066 = tpu.vector_load %arg8[%swap3A_1064, %swap3A_1065] {strides = array<i32>} : memref<8x128xi32, #tpu.memory_space<vmem>>, vector<1x16xi32>,
    %swap3A_1067 = vector.shape_cast %swap3A_1066 : vector<1x16xi32> to vector<16xi32>
    %swap3A_1068 = vector.shape_cast %add3A_1062 : vector<16xi32> to vector<1x16xi32>
    tpu.vector_store %arg8[%swap3A_1064, %swap3A_1065], %swap3A_1068 {strides = array<i32>} : memref<8x128xi32, #tpu.memory_space<vmem>>, vector<1x16xi32>,
    %add3A_1069 = vector.broadcast %mul3A_1052 : i32 to vector<16xi32>
    %add3A_1070 = arith.addi %get3A_813, %add3A_1069 : vector<16xi32>
    %swap3A_1071 = arith.constant 3 : i32
    %swap3A_1072 = arith.index_cast %swap3A_1071 : i32 to index
    %swap3A_1073 = arith.constant 32 : index
    %swap3A_1074 = tpu.vector_load %arg8[%swap3A_1072, %swap3A_1073] {strides = array<i32>} : memref<8x128xi32, #tpu.memory_space<vmem>>, vector<1x16xi32>,
    %swap3A_1075 = vector.shape_cast %swap3A_1074 : vector<1x16xi32> to vector<16xi32>
    %swap3A_1076 = vector.shape_cast %add3A_1070 : vector<16xi32> to vector<1x16xi32>
    tpu.vector_store %arg8[%swap3A_1072, %swap3A_1073], %swap3A_1076 {strides = array<i32>} : memref<8x128xi32, #tpu.memory_space<vmem>>, vector<1x16xi32>,
    %add3A_1077 = vector.broadcast %mul3A_1052 : i32 to vector<16xi32>
    %add3A_1078 = arith.addi %get3A_816, %add3A_1077 : vector<16xi32>
    %swap3A_1079 = arith.constant 3 : i32
    %swap3A_1080 = arith.index_cast %swap3A_1079 : i32 to index
    %swap3A_1081 = arith.constant 48 : index
    %swap3A_1082 = tpu.vector_load %arg8[%swap3A_1080, %swap3A_1081] {strides = array<i32>} : memref<8x128xi32, #tpu.memory_space<vmem>>, vector<1x16xi32>,
    %swap3A_1083 = vector.shape_cast %swap3A_1082 : vector<1x16xi32> to vector<16xi32>
    %swap3A_1084 = vector.shape_cast %add3A_1078 : vector<16xi32> to vector<1x16xi32>
    tpu.vector_store %arg8[%swap3A_1080, %swap3A_1081], %swap3A_1084 {strides = array<i32>} : memref<8x128xi32, #tpu.memory_space<vmem>>, vector<1x16xi32>,
    %add3A_1085 = vector.broadcast %mul3A_1052 : i32 to vector<16xi32>
    %add3A_1086 = arith.addi %get3A_819, %add3A_1085 : vector<16xi32>
    %swap3A_1087 = arith.constant 3 : i32
    %swap3A_1088 = arith.index_cast %swap3A_1087 : i32 to index
    %swap3A_1089 = arith.constant 64 : index
    %swap3A_1090 = tpu.vector_load %arg8[%swap3A_1088, %swap3A_1089] {strides = array<i32>} : memref<8x128xi32, #tpu.memory_space<vmem>>, vector<1x16xi32>,
    %swap3A_1091 = vector.shape_cast %swap3A_1090 : vector<1x16xi32> to vector<16xi32>
    %swap3A_1092 = vector.shape_cast %add3A_1086 : vector<16xi32> to vector<1x16xi32>
    tpu.vector_store %arg8[%swap3A_1088, %swap3A_1089], %swap3A_1092 {strides = array<i32>} : memref<8x128xi32, #tpu.memory_space<vmem>>, vector<1x16xi32>,
    %add3A_1093 = vector.broadcast %mul3A_1052 : i32 to vector<16xi32>
    %add3A_1094 = arith.addi %get3A_822, %add3A_1093 : vector<16xi32>
    %swap3A_1095 = arith.constant 3 : i32
    %swap3A_1096 = arith.index_cast %swap3A_1095 : i32 to index
    %swap3A_1097 = arith.constant 80 : index
    %swap3A_1098 = tpu.vector_load %arg8[%swap3A_1096, %swap3A_1097] {strides = array<i32>} : memref<8x128xi32, #tpu.memory_space<vmem>>, vector<1x16xi32>,
    %swap3A_1099 = vector.shape_cast %swap3A_1098 : vector<1x16xi32> to vector<16xi32>
    %swap3A_1100 = vector.shape_cast %add3A_1094 : vector<16xi32> to vector<1x16xi32>
    tpu.vector_store %arg8[%swap3A_1096, %swap3A_1097], %swap3A_1100 {strides = array<i32>} : memref<8x128xi32, #tpu.memory_space<vmem>>, vector<1x16xi32>,
    %add3A_1101 = vector.broadcast %mul3A_1052 : i32 to vector<16xi32>
    %add3A_1102 = arith.addi %get3A_825, %add3A_1101 : vector<16xi32>
    %swap3A_1103 = arith.constant 3 : i32
    %swap3A_1104 = arith.index_cast %swap3A_1103 : i32 to index
    %swap3A_1105 = arith.constant 96 : index
    %swap3A_1106 = tpu.vector_load %arg8[%swap3A_1104, %swap3A_1105] {strides = array<i32>} : memref<8x128xi32, #tpu.memory_space<vmem>>, vector<1x16xi32>,
    %swap3A_1107 = vector.shape_cast %swap3A_1106 : vector<1x16xi32> to vector<16xi32>
    %swap3A_1108 = vector.shape_cast %add3A_1102 : vector<16xi32> to vector<1x16xi32>
    tpu.vector_store %arg8[%swap3A_1104, %swap3A_1105], %swap3A_1108 {strides = array<i32>} : memref<8x128xi32, #tpu.memory_space<vmem>>, vector<1x16xi32>,
    %add3A_1109 = vector.broadcast %mul3A_1052 : i32 to vector<16xi32>
    %add3A_1110 = arith.addi %get3A_828, %add3A_1109 : vector<16xi32>
    %swap3A_1111 = arith.constant 3 : i32
    %swap3A_1112 = arith.index_cast %swap3A_1111 : i32 to index
    %swap3A_1113 = arith.constant 112 : index
    %swap3A_1114 = tpu.vector_load %arg8[%swap3A_1112, %swap3A_1113] {strides = array<i32>} : memref<8x128xi32, #tpu.memory_space<vmem>>, vector<1x16xi32>,
    %swap3A_1115 = vector.shape_cast %swap3A_1114 : vector<1x16xi32> to vector<16xi32>
    %swap3A_1116 = vector.shape_cast %add3A_1110 : vector<16xi32> to vector<1x16xi32>
    tpu.vector_store %arg8[%swap3A_1112, %swap3A_1113], %swap3A_1116 {strides = array<i32>} : memref<8x128xi32, #tpu.memory_space<vmem>>, vector<1x16xi32>,
    %mul3A_1117 = arith.constant 8 : i32
    %mul3A_1118 = arith.muli %arg1, %mul3A_1117 : i32
    %add3A_1119 = arith.constant 128 : i32
    %add3A_1120 = arith.addi %add3A_1119, %mul3A_1118 : i32
    %add3A_1121 = arith.constant 4 : i32
    %add3A_1122 = arith.addi %add3A_1120, %add3A_1121 : i32
    %mul3A_1123 = arith.constant 147456 : i32
    %mul3A_1124 = arith.muli %add3A_1122, %mul3A_1123 : i32
    %add3A_1125 = vector.broadcast %mul3A_1124 : i32 to vector<16xi32>
    %add3A_1126 = arith.addi %get3A_807, %add3A_1125 : vector<16xi32>
    %swap3A_1127 = arith.constant 4 : i32
    %swap3A_1128 = arith.index_cast %swap3A_1127 : i32 to index
    %swap3A_1129 = arith.constant 0 : index
    %swap3A_1130 = tpu.vector_load %arg8[%swap3A_1128, %swap3A_1129] {strides = array<i32>} : memref<8x128xi32, #tpu.memory_space<vmem>>, vector<1x16xi32>,
    %swap3A_1131 = vector.shape_cast %swap3A_1130 : vector<1x16xi32> to vector<16xi32>
    %swap3A_1132 = vector.shape_cast %add3A_1126 : vector<16xi32> to vector<1x16xi32>
    tpu.vector_store %arg8[%swap3A_1128, %swap3A_1129], %swap3A_1132 {strides = array<i32>} : memref<8x128xi32, #tpu.memory_space<vmem>>, vector<1x16xi32>,
    %add3A_1133 = vector.broadcast %mul3A_1124 : i32 to vector<16xi32>
    %add3A_1134 = arith.addi %get3A_810, %add3A_1133 : vector<16xi32>
    %swap3A_1135 = arith.constant 4 : i32
    %swap3A_1136 = arith.index_cast %swap3A_1135 : i32 to index
    %swap3A_1137 = arith.constant 16 : index
    %swap3A_1138 = tpu.vector_load %arg8[%swap3A_1136, %swap3A_1137] {strides = array<i32>} : memref<8x128xi32, #tpu.memory_space<vmem>>, vector<1x16xi32>,
    %swap3A_1139 = vector.shape_cast %swap3A_1138 : vector<1x16xi32> to vector<16xi32>
    %swap3A_1140 = vector.shape_cast %add3A_1134 : vector<16xi32> to vector<1x16xi32>
    tpu.vector_store %arg8[%swap3A_1136, %swap3A_1137], %swap3A_1140 {strides = array<i32>} : memref<8x128xi32, #tpu.memory_space<vmem>>, vector<1x16xi32>,
    %add3A_1141 = vector.broadcast %mul3A_1124 : i32 to vector<16xi32>
    %add3A_1142 = arith.addi %get3A_813, %add3A_1141 : vector<16xi32>
    %swap3A_1143 = arith.constant 4 : i32
    %swap3A_1144 = arith.index_cast %swap3A_1143 : i32 to index
    %swap3A_1145 = arith.constant 32 : index
    %swap3A_1146 = tpu.vector_load %arg8[%swap3A_1144, %swap3A_1145] {strides = array<i32>} : memref<8x128xi32, #tpu.memory_space<vmem>>, vector<1x16xi32>,
    %swap3A_1147 = vector.shape_cast %swap3A_1146 : vector<1x16xi32> to vector<16xi32>
    %swap3A_1148 = vector.shape_cast %add3A_1142 : vector<16xi32> to vector<1x16xi32>
    tpu.vector_store %arg8[%swap3A_1144, %swap3A_1145], %swap3A_1148 {strides = array<i32>} : memref<8x128xi32, #tpu.memory_space<vmem>>, vector<1x16xi32>,
    %add3A_1149 = vector.broadcast %mul3A_1124 : i32 to vector<16xi32>
    %add3A_1150 = arith.addi %get3A_816, %add3A_1149 : vector<16xi32>
    %swap3A_1151 = arith.constant 4 : i32
    %swap3A_1152 = arith.index_cast %swap3A_1151 : i32 to index
    %swap3A_1153 = arith.constant 48 : index
    %swap3A_1154 = tpu.vector_load %arg8[%swap3A_1152, %swap3A_1153] {strides = array<i32>} : memref<8x128xi32, #tpu.memory_space<vmem>>, vector<1x16xi32>,
    %swap3A_1155 = vector.shape_cast %swap3A_1154 : vector<1x16xi32> to vector<16xi32>
    %swap3A_1156 = vector.shape_cast %add3A_1150 : vector<16xi32> to vector<1x16xi32>
    tpu.vector_store %arg8[%swap3A_1152, %swap3A_1153], %swap3A_1156 {strides = array<i32>} : memref<8x128xi32, #tpu.memory_space<vmem>>, vector<1x16xi32>,
    %add3A_1157 = vector.broadcast %mul3A_1124 : i32 to vector<16xi32>
    %add3A_1158 = arith.addi %get3A_819, %add3A_1157 : vector<16xi32>
    %swap3A_1159 = arith.constant 4 : i32
    %swap3A_1160 = arith.index_cast %swap3A_1159 : i32 to index
    %swap3A_1161 = arith.constant 64 : index
    %swap3A_1162 = tpu.vector_load %arg8[%swap3A_1160, %swap3A_1161] {strides = array<i32>} : memref<8x128xi32, #tpu.memory_space<vmem>>, vector<1x16xi32>,
    %swap3A_1163 = vector.shape_cast %swap3A_1162 : vector<1x16xi32> to vector<16xi32>
    %swap3A_1164 = vector.shape_cast %add3A_1158 : vector<16xi32> to vector<1x16xi32>
    tpu.vector_store %arg8[%swap3A_1160, %swap3A_1161], %swap3A_1164 {strides = array<i32>} : memref<8x128xi32, #tpu.memory_space<vmem>>, vector<1x16xi32>,
    %add3A_1165 = vector.broadcast %mul3A_1124 : i32 to vector<16xi32>
    %add3A_1166 = arith.addi %get3A_822, %add3A_1165 : vector<16xi32>
    %swap3A_1167 = arith.constant 4 : i32
    %swap3A_1168 = arith.index_cast %swap3A_1167 : i32 to index
    %swap3A_1169 = arith.constant 80 : index
    %swap3A_1170 = tpu.vector_load %arg8[%swap3A_1168, %swap3A_1169] {strides = array<i32>} : memref<8x128xi32, #tpu.memory_space<vmem>>, vector<1x16xi32>,
    %swap3A_1171 = vector.shape_cast %swap3A_1170 : vector<1x16xi32> to vector<16xi32>
    %swap3A_1172 = vector.shape_cast %add3A_1166 : vector<16xi32> to vector<1x16xi32>
    tpu.vector_store %arg8[%swap3A_1168, %swap3A_1169], %swap3A_1172 {strides = array<i32>} : memref<8x128xi32, #tpu.memory_space<vmem>>, vector<1x16xi32>,
    %add3A_1173 = vector.broadcast %mul3A_1124 : i32 to vector<16xi32>
    %add3A_1174 = arith.addi %get3A_825, %add3A_1173 : vector<16xi32>
    %swap3A_1175 = arith.constant 4 : i32
    %swap3A_1176 = arith.index_cast %swap3A_1175 : i32 to index
    %swap3A_1177 = arith.constant 96 : index
    %swap3A_1178 = tpu.vector_load %arg8[%swap3A_1176, %swap3A_1177] {strides = array<i32>} : memref<8x128xi32, #tpu.memory_space<vmem>>, vector<1x16xi32>,
    %swap3A_1179 = vector.shape_cast %swap3A_1178 : vector<1x16xi32> to vector<16xi32>
    %swap3A_1180 = vector.shape_cast %add3A_1174 : vector<16xi32> to vector<1x16xi32>
    tpu.vector_store %arg8[%swap3A_1176, %swap3A_1177], %swap3A_1180 {strides = array<i32>} : memref<8x128xi32, #tpu.memory_space<vmem>>, vector<1x16xi32>,
    %add3A_1181 = vector.broadcast %mul3A_1124 : i32 to vector<16xi32>
    %add3A_1182 = arith.addi %get3A_828, %add3A_1181 : vector<16xi32>
    %swap3A_1183 = arith.constant 4 : i32
    %swap3A_1184 = arith.index_cast %swap3A_1183 : i32 to index
    %swap3A_1185 = arith.constant 112 : index
    %swap3A_1186 = tpu.vector_load %arg8[%swap3A_1184, %swap3A_1185] {strides = array<i32>} : memref<8x128xi32, #tpu.memory_space<vmem>>, vector<1x16xi32>,
    %swap3A_1187 = vector.shape_cast %swap3A_1186 : vector<1x16xi32> to vector<16xi32>
    %swap3A_1188 = vector.shape_cast %add3A_1182 : vector<16xi32> to vector<1x16xi32>
    tpu.vector_store %arg8[%swap3A_1184, %swap3A_1185], %swap3A_1188 {strides = array<i32>} : memref<8x128xi32, #tpu.memory_space<vmem>>, vector<1x16xi32>,
    %mul3A_1189 = arith.constant 8 : i32
    %mul3A_1190 = arith.muli %arg1, %mul3A_1189 : i32
    %add3A_1191 = arith.constant 128 : i32
    %add3A_1192 = arith.addi %add3A_1191, %mul3A_1190 : i32
    %add3A_1193 = arith.constant 5 : i32
    %add3A_1194 = arith.addi %add3A_1192, %add3A_1193 : i32
    %mul3A_1195 = arith.constant 147456 : i32
    %mul3A_1196 = arith.muli %add3A_1194, %mul3A_1195 : i32
    %add3A_1197 = vector.broadcast %mul3A_1196 : i32 to vector<16xi32>
    %add3A_1198 = arith.addi %get3A_807, %add3A_1197 : vector<16xi32>
    %swap3A_1199 = arith.constant 5 : i32
    %swap3A_1200 = arith.index_cast %swap3A_1199 : i32 to index
    %swap3A_1201 = arith.constant 0 : index
    %swap3A_1202 = tpu.vector_load %arg8[%swap3A_1200, %swap3A_1201] {strides = array<i32>} : memref<8x128xi32, #tpu.memory_space<vmem>>, vector<1x16xi32>,
    %swap3A_1203 = vector.shape_cast %swap3A_1202 : vector<1x16xi32> to vector<16xi32>
    %swap3A_1204 = vector.shape_cast %add3A_1198 : vector<16xi32> to vector<1x16xi32>
    tpu.vector_store %arg8[%swap3A_1200, %swap3A_1201], %swap3A_1204 {strides = array<i32>} : memref<8x128xi32, #tpu.memory_space<vmem>>, vector<1x16xi32>,
    %add3A_1205 = vector.broadcast %mul3A_1196 : i32 to vector<16xi32>
    %add3A_1206 = arith.addi %get3A_810, %add3A_1205 : vector<16xi32>
    %swap3A_1207 = arith.constant 5 : i32
    %swap3A_1208 = arith.index_cast %swap3A_1207 : i32 to index
    %swap3A_1209 = arith.constant 16 : index
    %swap3A_1210 = tpu.vector_load %arg8[%swap3A_1208, %swap3A_1209] {strides = array<i32>} : memref<8x128xi32, #tpu.memory_space<vmem>>, vector<1x16xi32>,
    %swap3A_1211 = vector.shape_cast %swap3A_1210 : vector<1x16xi32> to vector<16xi32>
    %swap3A_1212 = vector.shape_cast %add3A_1206 : vector<16xi32> to vector<1x16xi32>
    tpu.vector_store %arg8[%swap3A_1208, %swap3A_1209], %swap3A_1212 {strides = array<i32>} : memref<8x128xi32, #tpu.memory_space<vmem>>, vector<1x16xi32>,
    %add3A_1213 = vector.broadcast %mul3A_1196 : i32 to vector<16xi32>
    %add3A_1214 = arith.addi %get3A_813, %add3A_1213 : vector<16xi32>
    %swap3A_1215 = arith.constant 5 : i32
    %swap3A_1216 = arith.index_cast %swap3A_1215 : i32 to index
    %swap3A_1217 = arith.constant 32 : index
    %swap3A_1218 = tpu.vector_load %arg8[%swap3A_1216, %swap3A_1217] {strides = array<i32>} : memref<8x128xi32, #tpu.memory_space<vmem>>, vector<1x16xi32>,
    %swap3A_1219 = vector.shape_cast %swap3A_1218 : vector<1x16xi32> to vector<16xi32>
    %swap3A_1220 = vector.shape_cast %add3A_1214 : vector<16xi32> to vector<1x16xi32>
    tpu.vector_store %arg8[%swap3A_1216, %swap3A_1217], %swap3A_1220 {strides = array<i32>} : memref<8x128xi32, #tpu.memory_space<vmem>>, vector<1x16xi32>,
    %add3A_1221 = vector.broadcast %mul3A_1196 : i32 to vector<16xi32>
    %add3A_1222 = arith.addi %get3A_816, %add3A_1221 : vector<16xi32>
    %swap3A_1223 = arith.constant 5 : i32
    %swap3A_1224 = arith.index_cast %swap3A_1223 : i32 to index
    %swap3A_1225 = arith.constant 48 : index
    %swap3A_1226 = tpu.vector_load %arg8[%swap3A_1224, %swap3A_1225] {strides = array<i32>} : memref<8x128xi32, #tpu.memory_space<vmem>>, vector<1x16xi32>,
    %swap3A_1227 = vector.shape_cast %swap3A_1226 : vector<1x16xi32> to vector<16xi32>
    %swap3A_1228 = vector.shape_cast %add3A_1222 : vector<16xi32> to vector<1x16xi32>
    tpu.vector_store %arg8[%swap3A_1224, %swap3A_1225], %swap3A_1228 {strides = array<i32>} : memref<8x128xi32, #tpu.memory_space<vmem>>, vector<1x16xi32>,
    %add3A_1229 = vector.broadcast %mul3A_1196 : i32 to vector<16xi32>
    %add3A_1230 = arith.addi %get3A_819, %add3A_1229 : vector<16xi32>
    %swap3A_1231 = arith.constant 5 : i32
    %swap3A_1232 = arith.index_cast %swap3A_1231 : i32 to index
    %swap3A_1233 = arith.constant 64 : index
    %swap3A_1234 = tpu.vector_load %arg8[%swap3A_1232, %swap3A_1233] {strides = array<i32>} : memref<8x128xi32, #tpu.memory_space<vmem>>, vector<1x16xi32>,
    %swap3A_1235 = vector.shape_cast %swap3A_1234 : vector<1x16xi32> to vector<16xi32>
    %swap3A_1236 = vector.shape_cast %add3A_1230 : vector<16xi32> to vector<1x16xi32>
    tpu.vector_store %arg8[%swap3A_1232, %swap3A_1233], %swap3A_1236 {strides = array<i32>} : memref<8x128xi32, #tpu.memory_space<vmem>>, vector<1x16xi32>,
    %add3A_1237 = vector.broadcast %mul3A_1196 : i32 to vector<16xi32>
    %add3A_1238 = arith.addi %get3A_822, %add3A_1237 : vector<16xi32>
    %swap3A_1239 = arith.constant 5 : i32
    %swap3A_1240 = arith.index_cast %swap3A_1239 : i32 to index
    %swap3A_1241 = arith.constant 80 : index
    %swap3A_1242 = tpu.vector_load %arg8[%swap3A_1240, %swap3A_1241] {strides = array<i32>} : memref<8x128xi32, #tpu.memory_space<vmem>>, vector<1x16xi32>,
    %swap3A_1243 = vector.shape_cast %swap3A_1242 : vector<1x16xi32> to vector<16xi32>
    %swap3A_1244 = vector.shape_cast %add3A_1238 : vector<16xi32> to vector<1x16xi32>
    tpu.vector_store %arg8[%swap3A_1240, %swap3A_1241], %swap3A_1244 {strides = array<i32>} : memref<8x128xi32, #tpu.memory_space<vmem>>, vector<1x16xi32>,
    %add3A_1245 = vector.broadcast %mul3A_1196 : i32 to vector<16xi32>
    %add3A_1246 = arith.addi %get3A_825, %add3A_1245 : vector<16xi32>
    %swap3A_1247 = arith.constant 5 : i32
    %swap3A_1248 = arith.index_cast %swap3A_1247 : i32 to index
    %swap3A_1249 = arith.constant 96 : index
    %swap3A_1250 = tpu.vector_load %arg8[%swap3A_1248, %swap3A_1249] {strides = array<i32>} : memref<8x128xi32, #tpu.memory_space<vmem>>, vector<1x16xi32>,
    %swap3A_1251 = vector.shape_cast %swap3A_1250 : vector<1x16xi32> to vector<16xi32>
    %swap3A_1252 = vector.shape_cast %add3A_1246 : vector<16xi32> to vector<1x16xi32>
    tpu.vector_store %arg8[%swap3A_1248, %swap3A_1249], %swap3A_1252 {strides = array<i32>} : memref<8x128xi32, #tpu.memory_space<vmem>>, vector<1x16xi32>,
    %add3A_1253 = vector.broadcast %mul3A_1196 : i32 to vector<16xi32>
    %add3A_1254 = arith.addi %get3A_828, %add3A_1253 : vector<16xi32>
    %swap3A_1255 = arith.constant 5 : i32
    %swap3A_1256 = arith.index_cast %swap3A_1255 : i32 to index
    %swap3A_1257 = arith.constant 112 : index
    %swap3A_1258 = tpu.vector_load %arg8[%swap3A_1256, %swap3A_1257] {strides = array<i32>} : memref<8x128xi32, #tpu.memory_space<vmem>>, vector<1x16xi32>,
    %swap3A_1259 = vector.shape_cast %swap3A_1258 : vector<1x16xi32> to vector<16xi32>
    %swap3A_1260 = vector.shape_cast %add3A_1254 : vector<16xi32> to vector<1x16xi32>
    tpu.vector_store %arg8[%swap3A_1256, %swap3A_1257], %swap3A_1260 {strides = array<i32>} : memref<8x128xi32, #tpu.memory_space<vmem>>, vector<1x16xi32>,
    %mul3A_1261 = arith.constant 8 : i32
    %mul3A_1262 = arith.muli %arg1, %mul3A_1261 : i32
    %add3A_1263 = arith.constant 128 : i32
    %add3A_1264 = arith.addi %add3A_1263, %mul3A_1262 : i32
    %add3A_1265 = arith.constant 6 : i32
    %add3A_1266 = arith.addi %add3A_1264, %add3A_1265 : i32
    %mul3A_1267 = arith.constant 147456 : i32
    %mul3A_1268 = arith.muli %add3A_1266, %mul3A_1267 : i32
    %add3A_1269 = vector.broadcast %mul3A_1268 : i32 to vector<16xi32>
    %add3A_1270 = arith.addi %get3A_807, %add3A_1269 : vector<16xi32>
    %swap3A_1271 = arith.constant 6 : i32
    %swap3A_1272 = arith.index_cast %swap3A_1271 : i32 to index
    %swap3A_1273 = arith.constant 0 : index
    %swap3A_1274 = tpu.vector_load %arg8[%swap3A_1272, %swap3A_1273] {strides = array<i32>} : memref<8x128xi32, #tpu.memory_space<vmem>>, vector<1x16xi32>,
    %swap3A_1275 = vector.shape_cast %swap3A_1274 : vector<1x16xi32> to vector<16xi32>
    %swap3A_1276 = vector.shape_cast %add3A_1270 : vector<16xi32> to vector<1x16xi32>
    tpu.vector_store %arg8[%swap3A_1272, %swap3A_1273], %swap3A_1276 {strides = array<i32>} : memref<8x128xi32, #tpu.memory_space<vmem>>, vector<1x16xi32>,
    %add3A_1277 = vector.broadcast %mul3A_1268 : i32 to vector<16xi32>
    %add3A_1278 = arith.addi %get3A_810, %add3A_1277 : vector<16xi32>
    %swap3A_1279 = arith.constant 6 : i32
    %swap3A_1280 = arith.index_cast %swap3A_1279 : i32 to index
    %swap3A_1281 = arith.constant 16 : index
    %swap3A_1282 = tpu.vector_load %arg8[%swap3A_1280, %swap3A_1281] {strides = array<i32>} : memref<8x128xi32, #tpu.memory_space<vmem>>, vector<1x16xi32>,
    %swap3A_1283 = vector.shape_cast %swap3A_1282 : vector<1x16xi32> to vector<16xi32>
    %swap3A_1284 = vector.shape_cast %add3A_1278 : vector<16xi32> to vector<1x16xi32>
    tpu.vector_store %arg8[%swap3A_1280, %swap3A_1281], %swap3A_1284 {strides = array<i32>} : memref<8x128xi32, #tpu.memory_space<vmem>>, vector<1x16xi32>,
    %add3A_1285 = vector.broadcast %mul3A_1268 : i32 to vector<16xi32>
    %add3A_1286 = arith.addi %get3A_813, %add3A_1285 : vector<16xi32>
    %swap3A_1287 = arith.constant 6 : i32
    %swap3A_1288 = arith.index_cast %swap3A_1287 : i32 to index
    %swap3A_1289 = arith.constant 32 : index
    %swap3A_1290 = tpu.vector_load %arg8[%swap3A_1288, %swap3A_1289] {strides = array<i32>} : memref<8x128xi32, #tpu.memory_space<vmem>>, vector<1x16xi32>,
    %swap3A_1291 = vector.shape_cast %swap3A_1290 : vector<1x16xi32> to vector<16xi32>
    %swap3A_1292 = vector.shape_cast %add3A_1286 : vector<16xi32> to vector<1x16xi32>
    tpu.vector_store %arg8[%swap3A_1288, %swap3A_1289], %swap3A_1292 {strides = array<i32>} : memref<8x128xi32, #tpu.memory_space<vmem>>, vector<1x16xi32>,
    %add3A_1293 = vector.broadcast %mul3A_1268 : i32 to vector<16xi32>
    %add3A_1294 = arith.addi %get3A_816, %add3A_1293 : vector<16xi32>
    %swap3A_1295 = arith.constant 6 : i32
    %swap3A_1296 = arith.index_cast %swap3A_1295 : i32 to index
    %swap3A_1297 = arith.constant 48 : index
    %swap3A_1298 = tpu.vector_load %arg8[%swap3A_1296, %swap3A_1297] {strides = array<i32>} : memref<8x128xi32, #tpu.memory_space<vmem>>, vector<1x16xi32>,
    %swap3A_1299 = vector.shape_cast %swap3A_1298 : vector<1x16xi32> to vector<16xi32>
    %swap3A_1300 = vector.shape_cast %add3A_1294 : vector<16xi32> to vector<1x16xi32>
    tpu.vector_store %arg8[%swap3A_1296, %swap3A_1297], %swap3A_1300 {strides = array<i32>} : memref<8x128xi32, #tpu.memory_space<vmem>>, vector<1x16xi32>,
    %add3A_1301 = vector.broadcast %mul3A_1268 : i32 to vector<16xi32>
    %add3A_1302 = arith.addi %get3A_819, %add3A_1301 : vector<16xi32>
    %swap3A_1303 = arith.constant 6 : i32
    %swap3A_1304 = arith.index_cast %swap3A_1303 : i32 to index
    %swap3A_1305 = arith.constant 64 : index
    %swap3A_1306 = tpu.vector_load %arg8[%swap3A_1304, %swap3A_1305] {strides = array<i32>} : memref<8x128xi32, #tpu.memory_space<vmem>>, vector<1x16xi32>,
    %swap3A_1307 = vector.shape_cast %swap3A_1306 : vector<1x16xi32> to vector<16xi32>
    %swap3A_1308 = vector.shape_cast %add3A_1302 : vector<16xi32> to vector<1x16xi32>
    tpu.vector_store %arg8[%swap3A_1304, %swap3A_1305], %swap3A_1308 {strides = array<i32>} : memref<8x128xi32, #tpu.memory_space<vmem>>, vector<1x16xi32>,
    %add3A_1309 = vector.broadcast %mul3A_1268 : i32 to vector<16xi32>
    %add3A_1310 = arith.addi %get3A_822, %add3A_1309 : vector<16xi32>
    %swap3A_1311 = arith.constant 6 : i32
    %swap3A_1312 = arith.index_cast %swap3A_1311 : i32 to index
    %swap3A_1313 = arith.constant 80 : index
    %swap3A_1314 = tpu.vector_load %arg8[%swap3A_1312, %swap3A_1313] {strides = array<i32>} : memref<8x128xi32, #tpu.memory_space<vmem>>, vector<1x16xi32>,
    %swap3A_1315 = vector.shape_cast %swap3A_1314 : vector<1x16xi32> to vector<16xi32>
    %swap3A_1316 = vector.shape_cast %add3A_1310 : vector<16xi32> to vector<1x16xi32>
    tpu.vector_store %arg8[%swap3A_1312, %swap3A_1313], %swap3A_1316 {strides = array<i32>} : memref<8x128xi32, #tpu.memory_space<vmem>>, vector<1x16xi32>,
    %add3A_1317 = vector.broadcast %mul3A_1268 : i32 to vector<16xi32>
    %add3A_1318 = arith.addi %get3A_825, %add3A_1317 : vector<16xi32>
    %swap3A_1319 = arith.constant 6 : i32
    %swap3A_1320 = arith.index_cast %swap3A_1319 : i32 to index
    %swap3A_1321 = arith.constant 96 : index
    %swap3A_1322 = tpu.vector_load %arg8[%swap3A_1320, %swap3A_1321] {strides = array<i32>} : memref<8x128xi32, #tpu.memory_space<vmem>>, vector<1x16xi32>,
    %swap3A_1323 = vector.shape_cast %swap3A_1322 : vector<1x16xi32> to vector<16xi32>
    %swap3A_1324 = vector.shape_cast %add3A_1318 : vector<16xi32> to vector<1x16xi32>
    tpu.vector_store %arg8[%swap3A_1320, %swap3A_1321], %swap3A_1324 {strides = array<i32>} : memref<8x128xi32, #tpu.memory_space<vmem>>, vector<1x16xi32>,
    %add3A_1325 = vector.broadcast %mul3A_1268 : i32 to vector<16xi32>
    %add3A_1326 = arith.addi %get3A_828, %add3A_1325 : vector<16xi32>
    %swap3A_1327 = arith.constant 6 : i32
    %swap3A_1328 = arith.index_cast %swap3A_1327 : i32 to index
    %swap3A_1329 = arith.constant 112 : index
    %swap3A_1330 = tpu.vector_load %arg8[%swap3A_1328, %swap3A_1329] {strides = array<i32>} : memref<8x128xi32, #tpu.memory_space<vmem>>, vector<1x16xi32>,
    %swap3A_1331 = vector.shape_cast %swap3A_1330 : vector<1x16xi32> to vector<16xi32>
    %swap3A_1332 = vector.shape_cast %add3A_1326 : vector<16xi32> to vector<1x16xi32>
    tpu.vector_store %arg8[%swap3A_1328, %swap3A_1329], %swap3A_1332 {strides = array<i32>} : memref<8x128xi32, #tpu.memory_space<vmem>>, vector<1x16xi32>,
    %mul3A_1333 = arith.constant 8 : i32
    %mul3A_1334 = arith.muli %arg1, %mul3A_1333 : i32
    %add3A_1335 = arith.constant 128 : i32
    %add3A_1336 = arith.addi %add3A_1335, %mul3A_1334 : i32
    %add3A_1337 = arith.constant 7 : i32
    %add3A_1338 = arith.addi %add3A_1336, %add3A_1337 : i32
    %mul3A_1339 = arith.constant 147456 : i32
    %mul3A_1340 = arith.muli %add3A_1338, %mul3A_1339 : i32
    %add3A_1341 = vector.broadcast %mul3A_1340 : i32 to vector<16xi32>
    %add3A_1342 = arith.addi %get3A_807, %add3A_1341 : vector<16xi32>
    %swap3A_1343 = arith.constant 7 : i32
    %swap3A_1344 = arith.index_cast %swap3A_1343 : i32 to index
    %swap3A_1345 = arith.constant 0 : index
    %swap3A_1346 = tpu.vector_load %arg8[%swap3A_1344, %swap3A_1345] {strides = array<i32>} : memref<8x128xi32, #tpu.memory_space<vmem>>, vector<1x16xi32>,
    %swap3A_1347 = vector.shape_cast %swap3A_1346 : vector<1x16xi32> to vector<16xi32>
    %swap3A_1348 = vector.shape_cast %add3A_1342 : vector<16xi32> to vector<1x16xi32>
    tpu.vector_store %arg8[%swap3A_1344, %swap3A_1345], %swap3A_1348 {strides = array<i32>} : memref<8x128xi32, #tpu.memory_space<vmem>>, vector<1x16xi32>,
    %add3A_1349 = vector.broadcast %mul3A_1340 : i32 to vector<16xi32>
    %add3A_1350 = arith.addi %get3A_810, %add3A_1349 : vector<16xi32>
    %swap3A_1351 = arith.constant 7 : i32
    %swap3A_1352 = arith.index_cast %swap3A_1351 : i32 to index
    %swap3A_1353 = arith.constant 16 : index
    %swap3A_1354 = tpu.vector_load %arg8[%swap3A_1352, %swap3A_1353] {strides = array<i32>} : memref<8x128xi32, #tpu.memory_space<vmem>>, vector<1x16xi32>,
    %swap3A_1355 = vector.shape_cast %swap3A_1354 : vector<1x16xi32> to vector<16xi32>
    %swap3A_1356 = vector.shape_cast %add3A_1350 : vector<16xi32> to vector<1x16xi32>
    tpu.vector_store %arg8[%swap3A_1352, %swap3A_1353], %swap3A_1356 {strides = array<i32>} : memref<8x128xi32, #tpu.memory_space<vmem>>, vector<1x16xi32>,
    %add3A_1357 = vector.broadcast %mul3A_1340 : i32 to vector<16xi32>
    %add3A_1358 = arith.addi %get3A_813, %add3A_1357 : vector<16xi32>
    %swap3A_1359 = arith.constant 7 : i32
    %swap3A_1360 = arith.index_cast %swap3A_1359 : i32 to index
    %swap3A_1361 = arith.constant 32 : index
    %swap3A_1362 = tpu.vector_load %arg8[%swap3A_1360, %swap3A_1361] {strides = array<i32>} : memref<8x128xi32, #tpu.memory_space<vmem>>, vector<1x16xi32>,
    %swap3A_1363 = vector.shape_cast %swap3A_1362 : vector<1x16xi32> to vector<16xi32>
    %swap3A_1364 = vector.shape_cast %add3A_1358 : vector<16xi32> to vector<1x16xi32>
    tpu.vector_store %arg8[%swap3A_1360, %swap3A_1361], %swap3A_1364 {strides = array<i32>} : memref<8x128xi32, #tpu.memory_space<vmem>>, vector<1x16xi32>,
    %add3A_1365 = vector.broadcast %mul3A_1340 : i32 to vector<16xi32>
    %add3A_1366 = arith.addi %get3A_816, %add3A_1365 : vector<16xi32>
    %swap3A_1367 = arith.constant 7 : i32
    %swap3A_1368 = arith.index_cast %swap3A_1367 : i32 to index
    %swap3A_1369 = arith.constant 48 : index
    %swap3A_1370 = tpu.vector_load %arg8[%swap3A_1368, %swap3A_1369] {strides = array<i32>} : memref<8x128xi32, #tpu.memory_space<vmem>>, vector<1x16xi32>,
    %swap3A_1371 = vector.shape_cast %swap3A_1370 : vector<1x16xi32> to vector<16xi32>
    %swap3A_1372 = vector.shape_cast %add3A_1366 : vector<16xi32> to vector<1x16xi32>
    tpu.vector_store %arg8[%swap3A_1368, %swap3A_1369], %swap3A_1372 {strides = array<i32>} : memref<8x128xi32, #tpu.memory_space<vmem>>, vector<1x16xi32>,
    %add3A_1373 = vector.broadcast %mul3A_1340 : i32 to vector<16xi32>
    %add3A_1374 = arith.addi %get3A_819, %add3A_1373 : vector<16xi32>
    %swap3A_1375 = arith.constant 7 : i32
    %swap3A_1376 = arith.index_cast %swap3A_1375 : i32 to index
    %swap3A_1377 = arith.constant 64 : index
    %swap3A_1378 = tpu.vector_load %arg8[%swap3A_1376, %swap3A_1377] {strides = array<i32>} : memref<8x128xi32, #tpu.memory_space<vmem>>, vector<1x16xi32>,
    %swap3A_1379 = vector.shape_cast %swap3A_1378 : vector<1x16xi32> to vector<16xi32>
    %swap3A_1380 = vector.shape_cast %add3A_1374 : vector<16xi32> to vector<1x16xi32>
    tpu.vector_store %arg8[%swap3A_1376, %swap3A_1377], %swap3A_1380 {strides = array<i32>} : memref<8x128xi32, #tpu.memory_space<vmem>>, vector<1x16xi32>,
    %add3A_1381 = vector.broadcast %mul3A_1340 : i32 to vector<16xi32>
    %add3A_1382 = arith.addi %get3A_822, %add3A_1381 : vector<16xi32>
    %swap3A_1383 = arith.constant 7 : i32
    %swap3A_1384 = arith.index_cast %swap3A_1383 : i32 to index
    %swap3A_1385 = arith.constant 80 : index
    %swap3A_1386 = tpu.vector_load %arg8[%swap3A_1384, %swap3A_1385] {strides = array<i32>} : memref<8x128xi32, #tpu.memory_space<vmem>>, vector<1x16xi32>,
    %swap3A_1387 = vector.shape_cast %swap3A_1386 : vector<1x16xi32> to vector<16xi32>
    %swap3A_1388 = vector.shape_cast %add3A_1382 : vector<16xi32> to vector<1x16xi32>
    tpu.vector_store %arg8[%swap3A_1384, %swap3A_1385], %swap3A_1388 {strides = array<i32>} : memref<8x128xi32, #tpu.memory_space<vmem>>, vector<1x16xi32>,
    %add3A_1389 = vector.broadcast %mul3A_1340 : i32 to vector<16xi32>
    %add3A_1390 = arith.addi %get3A_825, %add3A_1389 : vector<16xi32>
    %swap3A_1391 = arith.constant 7 : i32
    %swap3A_1392 = arith.index_cast %swap3A_1391 : i32 to index
    %swap3A_1393 = arith.constant 96 : index
    %swap3A_1394 = tpu.vector_load %arg8[%swap3A_1392, %swap3A_1393] {strides = array<i32>} : memref<8x128xi32, #tpu.memory_space<vmem>>, vector<1x16xi32>,
    %swap3A_1395 = vector.shape_cast %swap3A_1394 : vector<1x16xi32> to vector<16xi32>
    %swap3A_1396 = vector.shape_cast %add3A_1390 : vector<16xi32> to vector<1x16xi32>
    tpu.vector_store %arg8[%swap3A_1392, %swap3A_1393], %swap3A_1396 {strides = array<i32>} : memref<8x128xi32, #tpu.memory_space<vmem>>, vector<1x16xi32>,
    %add3A_1397 = vector.broadcast %mul3A_1340 : i32 to vector<16xi32>
    %add3A_1398 = arith.addi %get3A_828, %add3A_1397 : vector<16xi32>
    %swap3A_1399 = arith.constant 7 : i32
    %swap3A_1400 = arith.index_cast %swap3A_1399 : i32 to index
    %swap3A_1401 = arith.constant 112 : index
    %swap3A_1402 = tpu.vector_load %arg8[%swap3A_1400, %swap3A_1401] {strides = array<i32>} : memref<8x128xi32, #tpu.memory_space<vmem>>, vector<1x16xi32>,
    %swap3A_1403 = vector.shape_cast %swap3A_1402 : vector<1x16xi32> to vector<16xi32>
    %swap3A_1404 = vector.shape_cast %add3A_1398 : vector<16xi32> to vector<1x16xi32>
    tpu.vector_store %arg8[%swap3A_1400, %swap3A_1401], %swap3A_1404 {strides = array<i32>} : memref<8x128xi32, #tpu.memory_space<vmem>>, vector<1x16xi32>,
    %dma_start3A_1405 = arith.constant 0 : i32
    %dma_start3A_1406 = arith.constant 0 : i32
    %dma_start3A_1407 = arith.constant 0 : i32
    %dma_start3A_1408 = tpu.memref_slice %arg9[%dma_start3A_1406, %dma_start3A_1407] : memref<8x128xf32, #tpu.memory_space<vmem>> -> memref<1x128xf32, #tpu.memory_space<vmem>>
    %dma_start3A_1409 = tpu.memref_squeeze %dma_start3A_1408 : memref<1x128xf32, #tpu.memory_space<vmem>> -> memref<128xf32, #tpu.memory_space<vmem>>
    %dma_start3A_1410 = arith.constant 0 : i32
    %dma_start3A_1411 = tpu.memref_slice %arg8[%dma_start3A_1405, %dma_start3A_1410] : memref<8x128xi32, #tpu.memory_space<vmem>> -> memref<1x128xi32, #tpu.memory_space<vmem>>
    %dma_start3A_1412 = tpu.memref_squeeze %dma_start3A_1411 : memref<1x128xi32, #tpu.memory_space<vmem>> -> memref<128xi32, #tpu.memory_space<vmem>>
    %dma_start3A_1413 = arith.constant 0 : i32
    %dma_start3A_1414 = tpu.memref_slice %arg3[%dma_start3A_1413] : memref<37748736xf32, #tpu.memory_space<hbm>> -> memref<37748736xf32, #tpu.memory_space<hbm>>
    tpu.enqueue_indirect_dma source(%dma_start3A_1414 : memref<37748736xf32, #tpu.memory_space<hbm>>) target(%dma_start3A_1409 : memref<128xf32, #tpu.memory_space<vmem>>) offsets(%dma_start3A_1412 : memref<128xi32, #tpu.memory_space<vmem>>) semaphore(%arg12 : memref<!tpu.dma_semaphore, #tpu.memory_space<semaphore_mem>>)
    %dma_start3A_1415 = arith.constant 1 : i32
    %dma_start3A_1416 = arith.constant 1 : i32
    %dma_start3A_1417 = arith.constant 0 : i32
    %dma_start3A_1418 = tpu.memref_slice %arg9[%dma_start3A_1416, %dma_start3A_1417] : memref<8x128xf32, #tpu.memory_space<vmem>> -> memref<1x128xf32, #tpu.memory_space<vmem>>
    %dma_start3A_1419 = tpu.memref_squeeze %dma_start3A_1418 : memref<1x128xf32, #tpu.memory_space<vmem>> -> memref<128xf32, #tpu.memory_space<vmem>>
    %dma_start3A_1420 = arith.constant 0 : i32
    %dma_start3A_1421 = tpu.memref_slice %arg8[%dma_start3A_1415, %dma_start3A_1420] : memref<8x128xi32, #tpu.memory_space<vmem>> -> memref<1x128xi32, #tpu.memory_space<vmem>>
    %dma_start3A_1422 = tpu.memref_squeeze %dma_start3A_1421 : memref<1x128xi32, #tpu.memory_space<vmem>> -> memref<128xi32, #tpu.memory_space<vmem>>
    %dma_start3A_1423 = arith.constant 0 : i32
    %dma_start3A_1424 = tpu.memref_slice %arg3[%dma_start3A_1423] : memref<37748736xf32, #tpu.memory_space<hbm>> -> memref<37748736xf32, #tpu.memory_space<hbm>>
    tpu.enqueue_indirect_dma source(%dma_start3A_1424 : memref<37748736xf32, #tpu.memory_space<hbm>>) target(%dma_start3A_1419 : memref<128xf32, #tpu.memory_space<vmem>>) offsets(%dma_start3A_1422 : memref<128xi32, #tpu.memory_space<vmem>>) semaphore(%arg12 : memref<!tpu.dma_semaphore, #tpu.memory_space<semaphore_mem>>)
    %dma_start3A_1425 = arith.constant 2 : i32
    %dma_start3A_1426 = arith.constant 2 : i32
    %dma_start3A_1427 = arith.constant 0 : i32
    %dma_start3A_1428 = tpu.memref_slice %arg9[%dma_start3A_1426, %dma_start3A_1427] : memref<8x128xf32, #tpu.memory_space<vmem>> -> memref<1x128xf32, #tpu.memory_space<vmem>>
    %dma_start3A_1429 = tpu.memref_squeeze %dma_start3A_1428 : memref<1x128xf32, #tpu.memory_space<vmem>> -> memref<128xf32, #tpu.memory_space<vmem>>
    %dma_start3A_1430 = arith.constant 0 : i32
    %dma_start3A_1431 = tpu.memref_slice %arg8[%dma_start3A_1425, %dma_start3A_1430] : memref<8x128xi32, #tpu.memory_space<vmem>> -> memref<1x128xi32, #tpu.memory_space<vmem>>
    %dma_start3A_1432 = tpu.memref_squeeze %dma_start3A_1431 : memref<1x128xi32, #tpu.memory_space<vmem>> -> memref<128xi32, #tpu.memory_space<vmem>>
    %dma_start3A_1433 = arith.constant 0 : i32
    %dma_start3A_1434 = tpu.memref_slice %arg3[%dma_start3A_1433] : memref<37748736xf32, #tpu.memory_space<hbm>> -> memref<37748736xf32, #tpu.memory_space<hbm>>
    tpu.enqueue_indirect_dma source(%dma_start3A_1434 : memref<37748736xf32, #tpu.memory_space<hbm>>) target(%dma_start3A_1429 : memref<128xf32, #tpu.memory_space<vmem>>) offsets(%dma_start3A_1432 : memref<128xi32, #tpu.memory_space<vmem>>) semaphore(%arg12 : memref<!tpu.dma_semaphore, #tpu.memory_space<semaphore_mem>>)
    %dma_start3A_1435 = arith.constant 3 : i32
    %dma_start3A_1436 = arith.constant 3 : i32
    %dma_start3A_1437 = arith.constant 0 : i32
    %dma_start3A_1438 = tpu.memref_slice %arg9[%dma_start3A_1436, %dma_start3A_1437] : memref<8x128xf32, #tpu.memory_space<vmem>> -> memref<1x128xf32, #tpu.memory_space<vmem>>
    %dma_start3A_1439 = tpu.memref_squeeze %dma_start3A_1438 : memref<1x128xf32, #tpu.memory_space<vmem>> -> memref<128xf32, #tpu.memory_space<vmem>>
    %dma_start3A_1440 = arith.constant 0 : i32
    %dma_start3A_1441 = tpu.memref_slice %arg8[%dma_start3A_1435, %dma_start3A_1440] : memref<8x128xi32, #tpu.memory_space<vmem>> -> memref<1x128xi32, #tpu.memory_space<vmem>>
    %dma_start3A_1442 = tpu.memref_squeeze %dma_start3A_1441 : memref<1x128xi32, #tpu.memory_space<vmem>> -> memref<128xi32, #tpu.memory_space<vmem>>
    %dma_start3A_1443 = arith.constant 0 : i32
    %dma_start3A_1444 = tpu.memref_slice %arg3[%dma_start3A_1443] : memref<37748736xf32, #tpu.memory_space<hbm>> -> memref<37748736xf32, #tpu.memory_space<hbm>>
    tpu.enqueue_indirect_dma source(%dma_start3A_1444 : memref<37748736xf32, #tpu.memory_space<hbm>>) target(%dma_start3A_1439 : memref<128xf32, #tpu.memory_space<vmem>>) offsets(%dma_start3A_1442 : memref<128xi32, #tpu.memory_space<vmem>>) semaphore(%arg12 : memref<!tpu.dma_semaphore, #tpu.memory_space<semaphore_mem>>)
    %dma_start3A_1445 = arith.constant 4 : i32
    %dma_start3A_1446 = arith.constant 4 : i32
    %dma_start3A_1447 = arith.constant 0 : i32
    %dma_start3A_1448 = tpu.memref_slice %arg9[%dma_start3A_1446, %dma_start3A_1447] : memref<8x128xf32, #tpu.memory_space<vmem>> -> memref<1x128xf32, #tpu.memory_space<vmem>>
    %dma_start3A_1449 = tpu.memref_squeeze %dma_start3A_1448 : memref<1x128xf32, #tpu.memory_space<vmem>> -> memref<128xf32, #tpu.memory_space<vmem>>
    %dma_start3A_1450 = arith.constant 0 : i32
    %dma_start3A_1451 = tpu.memref_slice %arg8[%dma_start3A_1445, %dma_start3A_1450] : memref<8x128xi32, #tpu.memory_space<vmem>> -> memref<1x128xi32, #tpu.memory_space<vmem>>
    %dma_start3A_1452 = tpu.memref_squeeze %dma_start3A_1451 : memref<1x128xi32, #tpu.memory_space<vmem>> -> memref<128xi32, #tpu.memory_space<vmem>>
    %dma_start3A_1453 = arith.constant 0 : i32
    %dma_start3A_1454 = tpu.memref_slice %arg3[%dma_start3A_1453] : memref<37748736xf32, #tpu.memory_space<hbm>> -> memref<37748736xf32, #tpu.memory_space<hbm>>
    tpu.enqueue_indirect_dma source(%dma_start3A_1454 : memref<37748736xf32, #tpu.memory_space<hbm>>) target(%dma_start3A_1449 : memref<128xf32, #tpu.memory_space<vmem>>) offsets(%dma_start3A_1452 : memref<128xi32, #tpu.memory_space<vmem>>) semaphore(%arg12 : memref<!tpu.dma_semaphore, #tpu.memory_space<semaphore_mem>>)
    %dma_start3A_1455 = arith.constant 5 : i32
    %dma_start3A_1456 = arith.constant 5 : i32
    %dma_start3A_1457 = arith.constant 0 : i32
    %dma_start3A_1458 = tpu.memref_slice %arg9[%dma_start3A_1456, %dma_start3A_1457] : memref<8x128xf32, #tpu.memory_space<vmem>> -> memref<1x128xf32, #tpu.memory_space<vmem>>
    %dma_start3A_1459 = tpu.memref_squeeze %dma_start3A_1458 : memref<1x128xf32, #tpu.memory_space<vmem>> -> memref<128xf32, #tpu.memory_space<vmem>>
    %dma_start3A_1460 = arith.constant 0 : i32
    %dma_start3A_1461 = tpu.memref_slice %arg8[%dma_start3A_1455, %dma_start3A_1460] : memref<8x128xi32, #tpu.memory_space<vmem>> -> memref<1x128xi32, #tpu.memory_space<vmem>>
    %dma_start3A_1462 = tpu.memref_squeeze %dma_start3A_1461 : memref<1x128xi32, #tpu.memory_space<vmem>> -> memref<128xi32, #tpu.memory_space<vmem>>
    %dma_start3A_1463 = arith.constant 0 : i32
    %dma_start3A_1464 = tpu.memref_slice %arg3[%dma_start3A_1463] : memref<37748736xf32, #tpu.memory_space<hbm>> -> memref<37748736xf32, #tpu.memory_space<hbm>>
    tpu.enqueue_indirect_dma source(%dma_start3A_1464 : memref<37748736xf32, #tpu.memory_space<hbm>>) target(%dma_start3A_1459 : memref<128xf32, #tpu.memory_space<vmem>>) offsets(%dma_start3A_1462 : memref<128xi32, #tpu.memory_space<vmem>>) semaphore(%arg12 : memref<!tpu.dma_semaphore, #tpu.memory_space<semaphore_mem>>)
    %dma_start3A_1465 = arith.constant 6 : i32
    %dma_start3A_1466 = arith.constant 6 : i32
    %dma_start3A_1467 = arith.constant 0 : i32
    %dma_start3A_1468 = tpu.memref_slice %arg9[%dma_start3A_1466, %dma_start3A_1467] : memref<8x128xf32, #tpu.memory_space<vmem>> -> memref<1x128xf32, #tpu.memory_space<vmem>>
    %dma_start3A_1469 = tpu.memref_squeeze %dma_start3A_1468 : memref<1x128xf32, #tpu.memory_space<vmem>> -> memref<128xf32, #tpu.memory_space<vmem>>
    %dma_start3A_1470 = arith.constant 0 : i32
    %dma_start3A_1471 = tpu.memref_slice %arg8[%dma_start3A_1465, %dma_start3A_1470] : memref<8x128xi32, #tpu.memory_space<vmem>> -> memref<1x128xi32, #tpu.memory_space<vmem>>
    %dma_start3A_1472 = tpu.memref_squeeze %dma_start3A_1471 : memref<1x128xi32, #tpu.memory_space<vmem>> -> memref<128xi32, #tpu.memory_space<vmem>>
    %dma_start3A_1473 = arith.constant 0 : i32
    %dma_start3A_1474 = tpu.memref_slice %arg3[%dma_start3A_1473] : memref<37748736xf32, #tpu.memory_space<hbm>> -> memref<37748736xf32, #tpu.memory_space<hbm>>
    tpu.enqueue_indirect_dma source(%dma_start3A_1474 : memref<37748736xf32, #tpu.memory_space<hbm>>) target(%dma_start3A_1469 : memref<128xf32, #tpu.memory_space<vmem>>) offsets(%dma_start3A_1472 : memref<128xi32, #tpu.memory_space<vmem>>) semaphore(%arg12 : memref<!tpu.dma_semaphore, #tpu.memory_space<semaphore_mem>>)
    %dma_start3A_1475 = arith.constant 7 : i32
    %dma_start3A_1476 = arith.constant 7 : i32
    %dma_start3A_1477 = arith.constant 0 : i32
    %dma_start3A_1478 = tpu.memref_slice %arg9[%dma_start3A_1476, %dma_start3A_1477] : memref<8x128xf32, #tpu.memory_space<vmem>> -> memref<1x128xf32, #tpu.memory_space<vmem>>
    %dma_start3A_1479 = tpu.memref_squeeze %dma_start3A_1478 : memref<1x128xf32, #tpu.memory_space<vmem>> -> memref<128xf32, #tpu.memory_space<vmem>>
    %dma_start3A_1480 = arith.constant 0 : i32
    %dma_start3A_1481 = tpu.memref_slice %arg8[%dma_start3A_1475, %dma_start3A_1480] : memref<8x128xi32, #tpu.memory_space<vmem>> -> memref<1x128xi32, #tpu.memory_space<vmem>>
    %dma_start3A_1482 = tpu.memref_squeeze %dma_start3A_1481 : memref<1x128xi32, #tpu.memory_space<vmem>> -> memref<128xi32, #tpu.memory_space<vmem>>
    %dma_start3A_1483 = arith.constant 0 : i32
    %dma_start3A_1484 = tpu.memref_slice %arg3[%dma_start3A_1483] : memref<37748736xf32, #tpu.memory_space<hbm>> -> memref<37748736xf32, #tpu.memory_space<hbm>>
    tpu.enqueue_indirect_dma source(%dma_start3A_1484 : memref<37748736xf32, #tpu.memory_space<hbm>>) target(%dma_start3A_1479 : memref<128xf32, #tpu.memory_space<vmem>>) offsets(%dma_start3A_1482 : memref<128xi32, #tpu.memory_space<vmem>>) semaphore(%arg12 : memref<!tpu.dma_semaphore, #tpu.memory_space<semaphore_mem>>)
    %dma_wait3A_1485 = arith.constant 0 : i32
    %dma_wait3A_1486 = arith.constant 0 : i32
    %dma_wait3A_1487 = arith.constant 0 : i32
    %dma_wait3A_1488 = tpu.memref_slice %arg9[%dma_wait3A_1486, %dma_wait3A_1487] : memref<8x128xf32, #tpu.memory_space<vmem>> -> memref<1x128xf32, #tpu.memory_space<vmem>>
    %dma_wait3A_1489 = tpu.memref_squeeze %dma_wait3A_1488 : memref<1x128xf32, #tpu.memory_space<vmem>> -> memref<128xf32, #tpu.memory_space<vmem>>
    %dma_wait3A_1490 = arith.constant 0 : i32
    %dma_wait3A_1491 = tpu.memref_slice %arg8[%dma_wait3A_1485, %dma_wait3A_1490] : memref<8x128xi32, #tpu.memory_space<vmem>> -> memref<1x128xi32, #tpu.memory_space<vmem>>
    %dma_wait3A_1492 = tpu.memref_squeeze %dma_wait3A_1491 : memref<1x128xi32, #tpu.memory_space<vmem>> -> memref<128xi32, #tpu.memory_space<vmem>>
    %dma_wait3A_1493 = arith.constant 0 : i32
    %dma_wait3A_1494 = tpu.memref_slice %arg3[%dma_wait3A_1493] : memref<37748736xf32, #tpu.memory_space<hbm>> -> memref<37748736xf32, #tpu.memory_space<hbm>>
    tpu.wait_indirect_dma semaphore(%arg12 : memref<!tpu.dma_semaphore, #tpu.memory_space<semaphore_mem>>) src(%dma_wait3A_1494 : memref<37748736xf32, #tpu.memory_space<hbm>>) dst(%dma_wait3A_1489 : memref<128xf32, #tpu.memory_space<vmem>>)
    %dma_wait3A_1495 = arith.constant 1 : i32
    %dma_wait3A_1496 = arith.constant 1 : i32
    %dma_wait3A_1497 = arith.constant 0 : i32
    %dma_wait3A_1498 = tpu.memref_slice %arg9[%dma_wait3A_1496, %dma_wait3A_1497] : memref<8x128xf32, #tpu.memory_space<vmem>> -> memref<1x128xf32, #tpu.memory_space<vmem>>
    %dma_wait3A_1499 = tpu.memref_squeeze %dma_wait3A_1498 : memref<1x128xf32, #tpu.memory_space<vmem>> -> memref<128xf32, #tpu.memory_space<vmem>>
    %dma_wait3A_1500 = arith.constant 0 : i32
    %dma_wait3A_1501 = tpu.memref_slice %arg8[%dma_wait3A_1495, %dma_wait3A_1500] : memref<8x128xi32, #tpu.memory_space<vmem>> -> memref<1x128xi32, #tpu.memory_space<vmem>>
    %dma_wait3A_1502 = tpu.memref_squeeze %dma_wait3A_1501 : memref<1x128xi32, #tpu.memory_space<vmem>> -> memref<128xi32, #tpu.memory_space<vmem>>
    %dma_wait3A_1503 = arith.constant 0 : i32
    %dma_wait3A_1504 = tpu.memref_slice %arg3[%dma_wait3A_1503] : memref<37748736xf32, #tpu.memory_space<hbm>> -> memref<37748736xf32, #tpu.memory_space<hbm>>
    tpu.wait_indirect_dma semaphore(%arg12 : memref<!tpu.dma_semaphore, #tpu.memory_space<semaphore_mem>>) src(%dma_wait3A_1504 : memref<37748736xf32, #tpu.memory_space<hbm>>) dst(%dma_wait3A_1499 : memref<128xf32, #tpu.memory_space<vmem>>)
    %dma_wait3A_1505 = arith.constant 2 : i32
    %dma_wait3A_1506 = arith.constant 2 : i32
    %dma_wait3A_1507 = arith.constant 0 : i32
    %dma_wait3A_1508 = tpu.memref_slice %arg9[%dma_wait3A_1506, %dma_wait3A_1507] : memref<8x128xf32, #tpu.memory_space<vmem>> -> memref<1x128xf32, #tpu.memory_space<vmem>>
    %dma_wait3A_1509 = tpu.memref_squeeze %dma_wait3A_1508 : memref<1x128xf32, #tpu.memory_space<vmem>> -> memref<128xf32, #tpu.memory_space<vmem>>
    %dma_wait3A_1510 = arith.constant 0 : i32
    %dma_wait3A_1511 = tpu.memref_slice %arg8[%dma_wait3A_1505, %dma_wait3A_1510] : memref<8x128xi32, #tpu.memory_space<vmem>> -> memref<1x128xi32, #tpu.memory_space<vmem>>
    %dma_wait3A_1512 = tpu.memref_squeeze %dma_wait3A_1511 : memref<1x128xi32, #tpu.memory_space<vmem>> -> memref<128xi32, #tpu.memory_space<vmem>>
    %dma_wait3A_1513 = arith.constant 0 : i32
    %dma_wait3A_1514 = tpu.memref_slice %arg3[%dma_wait3A_1513] : memref<37748736xf32, #tpu.memory_space<hbm>> -> memref<37748736xf32, #tpu.memory_space<hbm>>
    tpu.wait_indirect_dma semaphore(%arg12 : memref<!tpu.dma_semaphore, #tpu.memory_space<semaphore_mem>>) src(%dma_wait3A_1514 : memref<37748736xf32, #tpu.memory_space<hbm>>) dst(%dma_wait3A_1509 : memref<128xf32, #tpu.memory_space<vmem>>)
    %dma_wait3A_1515 = arith.constant 3 : i32
    %dma_wait3A_1516 = arith.constant 3 : i32
    %dma_wait3A_1517 = arith.constant 0 : i32
    %dma_wait3A_1518 = tpu.memref_slice %arg9[%dma_wait3A_1516, %dma_wait3A_1517] : memref<8x128xf32, #tpu.memory_space<vmem>> -> memref<1x128xf32, #tpu.memory_space<vmem>>
    %dma_wait3A_1519 = tpu.memref_squeeze %dma_wait3A_1518 : memref<1x128xf32, #tpu.memory_space<vmem>> -> memref<128xf32, #tpu.memory_space<vmem>>
    %dma_wait3A_1520 = arith.constant 0 : i32
    %dma_wait3A_1521 = tpu.memref_slice %arg8[%dma_wait3A_1515, %dma_wait3A_1520] : memref<8x128xi32, #tpu.memory_space<vmem>> -> memref<1x128xi32, #tpu.memory_space<vmem>>
    %dma_wait3A_1522 = tpu.memref_squeeze %dma_wait3A_1521 : memref<1x128xi32, #tpu.memory_space<vmem>> -> memref<128xi32, #tpu.memory_space<vmem>>
    %dma_wait3A_1523 = arith.constant 0 : i32
    %dma_wait3A_1524 = tpu.memref_slice %arg3[%dma_wait3A_1523] : memref<37748736xf32, #tpu.memory_space<hbm>> -> memref<37748736xf32, #tpu.memory_space<hbm>>
    tpu.wait_indirect_dma semaphore(%arg12 : memref<!tpu.dma_semaphore, #tpu.memory_space<semaphore_mem>>) src(%dma_wait3A_1524 : memref<37748736xf32, #tpu.memory_space<hbm>>) dst(%dma_wait3A_1519 : memref<128xf32, #tpu.memory_space<vmem>>)
    %dma_wait3A_1525 = arith.constant 4 : i32
    %dma_wait3A_1526 = arith.constant 4 : i32
    %dma_wait3A_1527 = arith.constant 0 : i32
    %dma_wait3A_1528 = tpu.memref_slice %arg9[%dma_wait3A_1526, %dma_wait3A_1527] : memref<8x128xf32, #tpu.memory_space<vmem>> -> memref<1x128xf32, #tpu.memory_space<vmem>>
    %dma_wait3A_1529 = tpu.memref_squeeze %dma_wait3A_1528 : memref<1x128xf32, #tpu.memory_space<vmem>> -> memref<128xf32, #tpu.memory_space<vmem>>
    %dma_wait3A_1530 = arith.constant 0 : i32
    %dma_wait3A_1531 = tpu.memref_slice %arg8[%dma_wait3A_1525, %dma_wait3A_1530] : memref<8x128xi32, #tpu.memory_space<vmem>> -> memref<1x128xi32, #tpu.memory_space<vmem>>
    %dma_wait3A_1532 = tpu.memref_squeeze %dma_wait3A_1531 : memref<1x128xi32, #tpu.memory_space<vmem>> -> memref<128xi32, #tpu.memory_space<vmem>>
    %dma_wait3A_1533 = arith.constant 0 : i32
    %dma_wait3A_1534 = tpu.memref_slice %arg3[%dma_wait3A_1533] : memref<37748736xf32, #tpu.memory_space<hbm>> -> memref<37748736xf32, #tpu.memory_space<hbm>>
    tpu.wait_indirect_dma semaphore(%arg12 : memref<!tpu.dma_semaphore, #tpu.memory_space<semaphore_mem>>) src(%dma_wait3A_1534 : memref<37748736xf32, #tpu.memory_space<hbm>>) dst(%dma_wait3A_1529 : memref<128xf32, #tpu.memory_space<vmem>>)
    %dma_wait3A_1535 = arith.constant 5 : i32
    %dma_wait3A_1536 = arith.constant 5 : i32
    %dma_wait3A_1537 = arith.constant 0 : i32
    %dma_wait3A_1538 = tpu.memref_slice %arg9[%dma_wait3A_1536, %dma_wait3A_1537] : memref<8x128xf32, #tpu.memory_space<vmem>> -> memref<1x128xf32, #tpu.memory_space<vmem>>
    %dma_wait3A_1539 = tpu.memref_squeeze %dma_wait3A_1538 : memref<1x128xf32, #tpu.memory_space<vmem>> -> memref<128xf32, #tpu.memory_space<vmem>>
    %dma_wait3A_1540 = arith.constant 0 : i32
    %dma_wait3A_1541 = tpu.memref_slice %arg8[%dma_wait3A_1535, %dma_wait3A_1540] : memref<8x128xi32, #tpu.memory_space<vmem>> -> memref<1x128xi32, #tpu.memory_space<vmem>>
    %dma_wait3A_1542 = tpu.memref_squeeze %dma_wait3A_1541 : memref<1x128xi32, #tpu.memory_space<vmem>> -> memref<128xi32, #tpu.memory_space<vmem>>
    %dma_wait3A_1543 = arith.constant 0 : i32
    %dma_wait3A_1544 = tpu.memref_slice %arg3[%dma_wait3A_1543] : memref<37748736xf32, #tpu.memory_space<hbm>> -> memref<37748736xf32, #tpu.memory_space<hbm>>
    tpu.wait_indirect_dma semaphore(%arg12 : memref<!tpu.dma_semaphore, #tpu.memory_space<semaphore_mem>>) src(%dma_wait3A_1544 : memref<37748736xf32, #tpu.memory_space<hbm>>) dst(%dma_wait3A_1539 : memref<128xf32, #tpu.memory_space<vmem>>)
    %dma_wait3A_1545 = arith.constant 6 : i32
    %dma_wait3A_1546 = arith.constant 6 : i32
    %dma_wait3A_1547 = arith.constant 0 : i32
    %dma_wait3A_1548 = tpu.memref_slice %arg9[%dma_wait3A_1546, %dma_wait3A_1547] : memref<8x128xf32, #tpu.memory_space<vmem>> -> memref<1x128xf32, #tpu.memory_space<vmem>>
    %dma_wait3A_1549 = tpu.memref_squeeze %dma_wait3A_1548 : memref<1x128xf32, #tpu.memory_space<vmem>> -> memref<128xf32, #tpu.memory_space<vmem>>
    %dma_wait3A_1550 = arith.constant 0 : i32
    %dma_wait3A_1551 = tpu.memref_slice %arg8[%dma_wait3A_1545, %dma_wait3A_1550] : memref<8x128xi32, #tpu.memory_space<vmem>> -> memref<1x128xi32, #tpu.memory_space<vmem>>
    %dma_wait3A_1552 = tpu.memref_squeeze %dma_wait3A_1551 : memref<1x128xi32, #tpu.memory_space<vmem>> -> memref<128xi32, #tpu.memory_space<vmem>>
    %dma_wait3A_1553 = arith.constant 0 : i32
    %dma_wait3A_1554 = tpu.memref_slice %arg3[%dma_wait3A_1553] : memref<37748736xf32, #tpu.memory_space<hbm>> -> memref<37748736xf32, #tpu.memory_space<hbm>>
    tpu.wait_indirect_dma semaphore(%arg12 : memref<!tpu.dma_semaphore, #tpu.memory_space<semaphore_mem>>) src(%dma_wait3A_1554 : memref<37748736xf32, #tpu.memory_space<hbm>>) dst(%dma_wait3A_1549 : memref<128xf32, #tpu.memory_space<vmem>>)
    %dma_wait3A_1555 = arith.constant 7 : i32
    %dma_wait3A_1556 = arith.constant 7 : i32
    %dma_wait3A_1557 = arith.constant 0 : i32
    %dma_wait3A_1558 = tpu.memref_slice %arg9[%dma_wait3A_1556, %dma_wait3A_1557] : memref<8x128xf32, #tpu.memory_space<vmem>> -> memref<1x128xf32, #tpu.memory_space<vmem>>
    %dma_wait3A_1559 = tpu.memref_squeeze %dma_wait3A_1558 : memref<1x128xf32, #tpu.memory_space<vmem>> -> memref<128xf32, #tpu.memory_space<vmem>>
    %dma_wait3A_1560 = arith.constant 0 : i32
    %dma_wait3A_1561 = tpu.memref_slice %arg8[%dma_wait3A_1555, %dma_wait3A_1560] : memref<8x128xi32, #tpu.memory_space<vmem>> -> memref<1x128xi32, #tpu.memory_space<vmem>>
    %dma_wait3A_1562 = tpu.memref_squeeze %dma_wait3A_1561 : memref<1x128xi32, #tpu.memory_space<vmem>> -> memref<128xi32, #tpu.memory_space<vmem>>
    %dma_wait3A_1563 = arith.constant 0 : i32
    %dma_wait3A_1564 = tpu.memref_slice %arg3[%dma_wait3A_1563] : memref<37748736xf32, #tpu.memory_space<hbm>> -> memref<37748736xf32, #tpu.memory_space<hbm>>
    tpu.wait_indirect_dma semaphore(%arg12 : memref<!tpu.dma_semaphore, #tpu.memory_space<semaphore_mem>>) src(%dma_wait3A_1564 : memref<37748736xf32, #tpu.memory_space<hbm>>) dst(%dma_wait3A_1559 : memref<128xf32, #tpu.memory_space<vmem>>)
    %mul3A_1565 = arith.constant 8 : i32
    %mul3A_1566 = arith.muli %arg1, %mul3A_1565 : i32
    %add3A_1567 = arith.constant 0 : i32
    %add3A_1568 = arith.addi %mul3A_1566, %add3A_1567 : i32
    %run_scoped3A_1569 = arith.constant 0 : i32
    %run_scoped3A_1570 = arith.constant 1 : i32
    "tpu.region"() ({
      %run_scoped3A_1618 = tpu.sem_alloc : memref<!tpu.dma_semaphore, #tpu.memory_space<semaphore_mem>>
      %dma_start3A_1619 = arith.constant 0 : i32
      %dma_start3A_1620 = tpu.memref_slice %arg9[%run_scoped3A_1569, %dma_start3A_1619] : memref<8x128xf32, #tpu.memory_space<vmem>> -> memref<1x128xf32, #tpu.memory_space<vmem>>
      %dma_start3A_1621 = tpu.memref_squeeze %dma_start3A_1620 : memref<1x128xf32, #tpu.memory_space<vmem>> -> memref<128xf32, #tpu.memory_space<vmem>>
      %dma_start3A_1622 = arith.constant 0 : i32
      %dma_start3A_1623 = tpu.memref_slice %arg5[%run_scoped3A_1570, %add3A_1568, %dma_start3A_1622] : memref<2x128x128xf32, #tpu.memory_space<hbm>> -> memref<1x1x128xf32, #tpu.memory_space<hbm>>
      %dma_start3A_1624 = tpu.memref_squeeze %dma_start3A_1623 : memref<1x1x128xf32, #tpu.memory_space<hbm>> -> memref<128xf32, #tpu.memory_space<hbm>>
      %dma_start3A_1625 = arith.constant 0 : i32
      %dma_start3A_1626 = tpu.memref_slice %arg5[%run_scoped3A_1570, %add3A_1568, %dma_start3A_1625] : memref<2x128x128xf32, #tpu.memory_space<hbm>> -> memref<1x1x128xf32, #tpu.memory_space<hbm>>
      %dma_start3A_1627 = tpu.memref_squeeze %dma_start3A_1626 : memref<1x1x128xf32, #tpu.memory_space<hbm>> -> memref<128xf32, #tpu.memory_space<hbm>>
      %dma_start3A_1628 = arith.constant 0 : i32
      %dma_start3A_1629 = tpu.memref_slice %arg9[%run_scoped3A_1569, %dma_start3A_1628] : memref<8x128xf32, #tpu.memory_space<vmem>> -> memref<1x128xf32, #tpu.memory_space<vmem>>
      %dma_start3A_1630 = tpu.memref_squeeze %dma_start3A_1629 : memref<1x128xf32, #tpu.memory_space<vmem>> -> memref<128xf32, #tpu.memory_space<vmem>>
      tpu.enqueue_dma source(%dma_start3A_1630 : memref<128xf32, #tpu.memory_space<vmem>>) target(%dma_start3A_1627 : memref<128xf32, #tpu.memory_space<hbm>>) target_semaphore(%run_scoped3A_1618 : memref<!tpu.dma_semaphore, #tpu.memory_space<semaphore_mem>>)
      %dma_wait3A_1631 = arith.constant 0 : i32
      %dma_wait3A_1632 = tpu.memref_slice %arg9[%run_scoped3A_1569, %dma_wait3A_1631] : memref<8x128xf32, #tpu.memory_space<vmem>> -> memref<1x128xf32, #tpu.memory_space<vmem>>
      %dma_wait3A_1633 = tpu.memref_squeeze %dma_wait3A_1632 : memref<1x128xf32, #tpu.memory_space<vmem>> -> memref<128xf32, #tpu.memory_space<vmem>>
      %dma_wait3A_1634 = arith.constant 0 : i32
      %dma_wait3A_1635 = tpu.memref_slice %arg5[%run_scoped3A_1570, %add3A_1568, %dma_wait3A_1634] : memref<2x128x128xf32, #tpu.memory_space<hbm>> -> memref<1x1x128xf32, #tpu.memory_space<hbm>>
      %dma_wait3A_1636 = tpu.memref_squeeze %dma_wait3A_1635 : memref<1x1x128xf32, #tpu.memory_space<hbm>> -> memref<128xf32, #tpu.memory_space<hbm>>
      %dma_wait3A_1637 = arith.constant 0 : i32
      %dma_wait3A_1638 = tpu.memref_slice %arg5[%run_scoped3A_1570, %add3A_1568, %dma_wait3A_1637] : memref<2x128x128xf32, #tpu.memory_space<hbm>> -> memref<1x1x128xf32, #tpu.memory_space<hbm>>
      %dma_wait3A_1639 = tpu.memref_squeeze %dma_wait3A_1638 : memref<1x1x128xf32, #tpu.memory_space<hbm>> -> memref<128xf32, #tpu.memory_space<hbm>>
      %dma_wait3A_1640 = arith.constant 0 : i32
      %dma_wait3A_1641 = tpu.memref_slice %arg9[%run_scoped3A_1569, %dma_wait3A_1640] : memref<8x128xf32, #tpu.memory_space<vmem>> -> memref<1x128xf32, #tpu.memory_space<vmem>>
      %dma_wait3A_1642 = tpu.memref_squeeze %dma_wait3A_1641 : memref<1x128xf32, #tpu.memory_space<vmem>> -> memref<128xf32, #tpu.memory_space<vmem>>
      tpu.wait_dma2 semaphore(%run_scoped3A_1618 : memref<!tpu.dma_semaphore, #tpu.memory_space<semaphore_mem>>) src(%dma_wait3A_1642 : memref<128xf32, #tpu.memory_space<vmem>>) dst(%dma_wait3A_1639 : memref<128xf32, #tpu.memory_space<hbm>>)
      tpu.yield
    }) : () -> ()
    %mul3A_1571 = arith.constant 8 : i32
    %mul3A_1572 = arith.muli %arg1, %mul3A_1571 : i32
    %add3A_1573 = arith.constant 1 : i32
    %add3A_1574 = arith.addi %mul3A_1572, %add3A_1573 : i32
    %run_scoped3A_1575 = arith.constant 1 : i32
    %run_scoped3A_1576 = arith.constant 1 : i32
    "tpu.region"() ({
      %run_scoped3A_1618 = tpu.sem_alloc : memref<!tpu.dma_semaphore, #tpu.memory_space<semaphore_mem>>
      %dma_start3A_1619 = arith.constant 0 : i32
      %dma_start3A_1620 = tpu.memref_slice %arg9[%run_scoped3A_1575, %dma_start3A_1619] : memref<8x128xf32, #tpu.memory_space<vmem>> -> memref<1x128xf32, #tpu.memory_space<vmem>>
      %dma_start3A_1621 = tpu.memref_squeeze %dma_start3A_1620 : memref<1x128xf32, #tpu.memory_space<vmem>> -> memref<128xf32, #tpu.memory_space<vmem>>
      %dma_start3A_1622 = arith.constant 0 : i32
      %dma_start3A_1623 = tpu.memref_slice %arg5[%run_scoped3A_1576, %add3A_1574, %dma_start3A_1622] : memref<2x128x128xf32, #tpu.memory_space<hbm>> -> memref<1x1x128xf32, #tpu.memory_space<hbm>>
      %dma_start3A_1624 = tpu.memref_squeeze %dma_start3A_1623 : memref<1x1x128xf32, #tpu.memory_space<hbm>> -> memref<128xf32, #tpu.memory_space<hbm>>
      %dma_start3A_1625 = arith.constant 0 : i32
      %dma_start3A_1626 = tpu.memref_slice %arg5[%run_scoped3A_1576, %add3A_1574, %dma_start3A_1625] : memref<2x128x128xf32, #tpu.memory_space<hbm>> -> memref<1x1x128xf32, #tpu.memory_space<hbm>>
      %dma_start3A_1627 = tpu.memref_squeeze %dma_start3A_1626 : memref<1x1x128xf32, #tpu.memory_space<hbm>> -> memref<128xf32, #tpu.memory_space<hbm>>
      %dma_start3A_1628 = arith.constant 0 : i32
      %dma_start3A_1629 = tpu.memref_slice %arg9[%run_scoped3A_1575, %dma_start3A_1628] : memref<8x128xf32, #tpu.memory_space<vmem>> -> memref<1x128xf32, #tpu.memory_space<vmem>>
      %dma_start3A_1630 = tpu.memref_squeeze %dma_start3A_1629 : memref<1x128xf32, #tpu.memory_space<vmem>> -> memref<128xf32, #tpu.memory_space<vmem>>
      tpu.enqueue_dma source(%dma_start3A_1630 : memref<128xf32, #tpu.memory_space<vmem>>) target(%dma_start3A_1627 : memref<128xf32, #tpu.memory_space<hbm>>) target_semaphore(%run_scoped3A_1618 : memref<!tpu.dma_semaphore, #tpu.memory_space<semaphore_mem>>)
      %dma_wait3A_1631 = arith.constant 0 : i32
      %dma_wait3A_1632 = tpu.memref_slice %arg9[%run_scoped3A_1575, %dma_wait3A_1631] : memref<8x128xf32, #tpu.memory_space<vmem>> -> memref<1x128xf32, #tpu.memory_space<vmem>>
      %dma_wait3A_1633 = tpu.memref_squeeze %dma_wait3A_1632 : memref<1x128xf32, #tpu.memory_space<vmem>> -> memref<128xf32, #tpu.memory_space<vmem>>
      %dma_wait3A_1634 = arith.constant 0 : i32
      %dma_wait3A_1635 = tpu.memref_slice %arg5[%run_scoped3A_1576, %add3A_1574, %dma_wait3A_1634] : memref<2x128x128xf32, #tpu.memory_space<hbm>> -> memref<1x1x128xf32, #tpu.memory_space<hbm>>
      %dma_wait3A_1636 = tpu.memref_squeeze %dma_wait3A_1635 : memref<1x1x128xf32, #tpu.memory_space<hbm>> -> memref<128xf32, #tpu.memory_space<hbm>>
      %dma_wait3A_1637 = arith.constant 0 : i32
      %dma_wait3A_1638 = tpu.memref_slice %arg5[%run_scoped3A_1576, %add3A_1574, %dma_wait3A_1637] : memref<2x128x128xf32, #tpu.memory_space<hbm>> -> memref<1x1x128xf32, #tpu.memory_space<hbm>>
      %dma_wait3A_1639 = tpu.memref_squeeze %dma_wait3A_1638 : memref<1x1x128xf32, #tpu.memory_space<hbm>> -> memref<128xf32, #tpu.memory_space<hbm>>
      %dma_wait3A_1640 = arith.constant 0 : i32
      %dma_wait3A_1641 = tpu.memref_slice %arg9[%run_scoped3A_1575, %dma_wait3A_1640] : memref<8x128xf32, #tpu.memory_space<vmem>> -> memref<1x128xf32, #tpu.memory_space<vmem>>
      %dma_wait3A_1642 = tpu.memref_squeeze %dma_wait3A_1641 : memref<1x128xf32, #tpu.memory_space<vmem>> -> memref<128xf32, #tpu.memory_space<vmem>>
      tpu.wait_dma2 semaphore(%run_scoped3A_1618 : memref<!tpu.dma_semaphore, #tpu.memory_space<semaphore_mem>>) src(%dma_wait3A_1642 : memref<128xf32, #tpu.memory_space<vmem>>) dst(%dma_wait3A_1639 : memref<128xf32, #tpu.memory_space<hbm>>)
      tpu.yield
    }) : () -> ()
    %mul3A_1577 = arith.constant 8 : i32
    %mul3A_1578 = arith.muli %arg1, %mul3A_1577 : i32
    %add3A_1579 = arith.constant 2 : i32
    %add3A_1580 = arith.addi %mul3A_1578, %add3A_1579 : i32
    %run_scoped3A_1581 = arith.constant 2 : i32
    %run_scoped3A_1582 = arith.constant 1 : i32
    "tpu.region"() ({
      %run_scoped3A_1618 = tpu.sem_alloc : memref<!tpu.dma_semaphore, #tpu.memory_space<semaphore_mem>>
      %dma_start3A_1619 = arith.constant 0 : i32
      %dma_start3A_1620 = tpu.memref_slice %arg9[%run_scoped3A_1581, %dma_start3A_1619] : memref<8x128xf32, #tpu.memory_space<vmem>> -> memref<1x128xf32, #tpu.memory_space<vmem>>
      %dma_start3A_1621 = tpu.memref_squeeze %dma_start3A_1620 : memref<1x128xf32, #tpu.memory_space<vmem>> -> memref<128xf32, #tpu.memory_space<vmem>>
      %dma_start3A_1622 = arith.constant 0 : i32
      %dma_start3A_1623 = tpu.memref_slice %arg5[%run_scoped3A_1582, %add3A_1580, %dma_start3A_1622] : memref<2x128x128xf32, #tpu.memory_space<hbm>> -> memref<1x1x128xf32, #tpu.memory_space<hbm>>
      %dma_start3A_1624 = tpu.memref_squeeze %dma_start3A_1623 : memref<1x1x128xf32, #tpu.memory_space<hbm>> -> memref<128xf32, #tpu.memory_space<hbm>>
      %dma_start3A_1625 = arith.constant 0 : i32
      %dma_start3A_1626 = tpu.memref_slice %arg5[%run_scoped3A_1582, %add3A_1580, %dma_start3A_1625] : memref<2x128x128xf32, #tpu.memory_space<hbm>> -> memref<1x1x128xf32, #tpu.memory_space<hbm>>
      %dma_start3A_1627 = tpu.memref_squeeze %dma_start3A_1626 : memref<1x1x128xf32, #tpu.memory_space<hbm>> -> memref<128xf32, #tpu.memory_space<hbm>>
      %dma_start3A_1628 = arith.constant 0 : i32
      %dma_start3A_1629 = tpu.memref_slice %arg9[%run_scoped3A_1581, %dma_start3A_1628] : memref<8x128xf32, #tpu.memory_space<vmem>> -> memref<1x128xf32, #tpu.memory_space<vmem>>
      %dma_start3A_1630 = tpu.memref_squeeze %dma_start3A_1629 : memref<1x128xf32, #tpu.memory_space<vmem>> -> memref<128xf32, #tpu.memory_space<vmem>>
      tpu.enqueue_dma source(%dma_start3A_1630 : memref<128xf32, #tpu.memory_space<vmem>>) target(%dma_start3A_1627 : memref<128xf32, #tpu.memory_space<hbm>>) target_semaphore(%run_scoped3A_1618 : memref<!tpu.dma_semaphore, #tpu.memory_space<semaphore_mem>>)
      %dma_wait3A_1631 = arith.constant 0 : i32
      %dma_wait3A_1632 = tpu.memref_slice %arg9[%run_scoped3A_1581, %dma_wait3A_1631] : memref<8x128xf32, #tpu.memory_space<vmem>> -> memref<1x128xf32, #tpu.memory_space<vmem>>
      %dma_wait3A_1633 = tpu.memref_squeeze %dma_wait3A_1632 : memref<1x128xf32, #tpu.memory_space<vmem>> -> memref<128xf32, #tpu.memory_space<vmem>>
      %dma_wait3A_1634 = arith.constant 0 : i32
      %dma_wait3A_1635 = tpu.memref_slice %arg5[%run_scoped3A_1582, %add3A_1580, %dma_wait3A_1634] : memref<2x128x128xf32, #tpu.memory_space<hbm>> -> memref<1x1x128xf32, #tpu.memory_space<hbm>>
      %dma_wait3A_1636 = tpu.memref_squeeze %dma_wait3A_1635 : memref<1x1x128xf32, #tpu.memory_space<hbm>> -> memref<128xf32, #tpu.memory_space<hbm>>
      %dma_wait3A_1637 = arith.constant 0 : i32
      %dma_wait3A_1638 = tpu.memref_slice %arg5[%run_scoped3A_1582, %add3A_1580, %dma_wait3A_1637] : memref<2x128x128xf32, #tpu.memory_space<hbm>> -> memref<1x1x128xf32, #tpu.memory_space<hbm>>
      %dma_wait3A_1639 = tpu.memref_squeeze %dma_wait3A_1638 : memref<1x1x128xf32, #tpu.memory_space<hbm>> -> memref<128xf32, #tpu.memory_space<hbm>>
      %dma_wait3A_1640 = arith.constant 0 : i32
      %dma_wait3A_1641 = tpu.memref_slice %arg9[%run_scoped3A_1581, %dma_wait3A_1640] : memref<8x128xf32, #tpu.memory_space<vmem>> -> memref<1x128xf32, #tpu.memory_space<vmem>>
      %dma_wait3A_1642 = tpu.memref_squeeze %dma_wait3A_1641 : memref<1x128xf32, #tpu.memory_space<vmem>> -> memref<128xf32, #tpu.memory_space<vmem>>
      tpu.wait_dma2 semaphore(%run_scoped3A_1618 : memref<!tpu.dma_semaphore, #tpu.memory_space<semaphore_mem>>) src(%dma_wait3A_1642 : memref<128xf32, #tpu.memory_space<vmem>>) dst(%dma_wait3A_1639 : memref<128xf32, #tpu.memory_space<hbm>>)
      tpu.yield
    }) : () -> ()
    %mul3A_1583 = arith.constant 8 : i32
    %mul3A_1584 = arith.muli %arg1, %mul3A_1583 : i32
    %add3A_1585 = arith.constant 3 : i32
    %add3A_1586 = arith.addi %mul3A_1584, %add3A_1585 : i32
    %run_scoped3A_1587 = arith.constant 3 : i32
    %run_scoped3A_1588 = arith.constant 1 : i32
    "tpu.region"() ({
      %run_scoped3A_1618 = tpu.sem_alloc : memref<!tpu.dma_semaphore, #tpu.memory_space<semaphore_mem>>
      %dma_start3A_1619 = arith.constant 0 : i32
      %dma_start3A_1620 = tpu.memref_slice %arg9[%run_scoped3A_1587, %dma_start3A_1619] : memref<8x128xf32, #tpu.memory_space<vmem>> -> memref<1x128xf32, #tpu.memory_space<vmem>>
      %dma_start3A_1621 = tpu.memref_squeeze %dma_start3A_1620 : memref<1x128xf32, #tpu.memory_space<vmem>> -> memref<128xf32, #tpu.memory_space<vmem>>
      %dma_start3A_1622 = arith.constant 0 : i32
      %dma_start3A_1623 = tpu.memref_slice %arg5[%run_scoped3A_1588, %add3A_1586, %dma_start3A_1622] : memref<2x128x128xf32, #tpu.memory_space<hbm>> -> memref<1x1x128xf32, #tpu.memory_space<hbm>>
      %dma_start3A_1624 = tpu.memref_squeeze %dma_start3A_1623 : memref<1x1x128xf32, #tpu.memory_space<hbm>> -> memref<128xf32, #tpu.memory_space<hbm>>
      %dma_start3A_1625 = arith.constant 0 : i32
      %dma_start3A_1626 = tpu.memref_slice %arg5[%run_scoped3A_1588, %add3A_1586, %dma_start3A_1625] : memref<2x128x128xf32, #tpu.memory_space<hbm>> -> memref<1x1x128xf32, #tpu.memory_space<hbm>>
      %dma_start3A_1627 = tpu.memref_squeeze %dma_start3A_1626 : memref<1x1x128xf32, #tpu.memory_space<hbm>> -> memref<128xf32, #tpu.memory_space<hbm>>
      %dma_start3A_1628 = arith.constant 0 : i32
      %dma_start3A_1629 = tpu.memref_slice %arg9[%run_scoped3A_1587, %dma_start3A_1628] : memref<8x128xf32, #tpu.memory_space<vmem>> -> memref<1x128xf32, #tpu.memory_space<vmem>>
      %dma_start3A_1630 = tpu.memref_squeeze %dma_start3A_1629 : memref<1x128xf32, #tpu.memory_space<vmem>> -> memref<128xf32, #tpu.memory_space<vmem>>
      tpu.enqueue_dma source(%dma_start3A_1630 : memref<128xf32, #tpu.memory_space<vmem>>) target(%dma_start3A_1627 : memref<128xf32, #tpu.memory_space<hbm>>) target_semaphore(%run_scoped3A_1618 : memref<!tpu.dma_semaphore, #tpu.memory_space<semaphore_mem>>)
      %dma_wait3A_1631 = arith.constant 0 : i32
      %dma_wait3A_1632 = tpu.memref_slice %arg9[%run_scoped3A_1587, %dma_wait3A_1631] : memref<8x128xf32, #tpu.memory_space<vmem>> -> memref<1x128xf32, #tpu.memory_space<vmem>>
      %dma_wait3A_1633 = tpu.memref_squeeze %dma_wait3A_1632 : memref<1x128xf32, #tpu.memory_space<vmem>> -> memref<128xf32, #tpu.memory_space<vmem>>
      %dma_wait3A_1634 = arith.constant 0 : i32
      %dma_wait3A_1635 = tpu.memref_slice %arg5[%run_scoped3A_1588, %add3A_1586, %dma_wait3A_1634] : memref<2x128x128xf32, #tpu.memory_space<hbm>> -> memref<1x1x128xf32, #tpu.memory_space<hbm>>
      %dma_wait3A_1636 = tpu.memref_squeeze %dma_wait3A_1635 : memref<1x1x128xf32, #tpu.memory_space<hbm>> -> memref<128xf32, #tpu.memory_space<hbm>>
      %dma_wait3A_1637 = arith.constant 0 : i32
      %dma_wait3A_1638 = tpu.memref_slice %arg5[%run_scoped3A_1588, %add3A_1586, %dma_wait3A_1637] : memref<2x128x128xf32, #tpu.memory_space<hbm>> -> memref<1x1x128xf32, #tpu.memory_space<hbm>>
      %dma_wait3A_1639 = tpu.memref_squeeze %dma_wait3A_1638 : memref<1x1x128xf32, #tpu.memory_space<hbm>> -> memref<128xf32, #tpu.memory_space<hbm>>
      %dma_wait3A_1640 = arith.constant 0 : i32
      %dma_wait3A_1641 = tpu.memref_slice %arg9[%run_scoped3A_1587, %dma_wait3A_1640] : memref<8x128xf32, #tpu.memory_space<vmem>> -> memref<1x128xf32, #tpu.memory_space<vmem>>
      %dma_wait3A_1642 = tpu.memref_squeeze %dma_wait3A_1641 : memref<1x128xf32, #tpu.memory_space<vmem>> -> memref<128xf32, #tpu.memory_space<vmem>>
      tpu.wait_dma2 semaphore(%run_scoped3A_1618 : memref<!tpu.dma_semaphore, #tpu.memory_space<semaphore_mem>>) src(%dma_wait3A_1642 : memref<128xf32, #tpu.memory_space<vmem>>) dst(%dma_wait3A_1639 : memref<128xf32, #tpu.memory_space<hbm>>)
      tpu.yield
    }) : () -> ()
    %mul3A_1589 = arith.constant 8 : i32
    %mul3A_1590 = arith.muli %arg1, %mul3A_1589 : i32
    %add3A_1591 = arith.constant 4 : i32
    %add3A_1592 = arith.addi %mul3A_1590, %add3A_1591 : i32
    %run_scoped3A_1593 = arith.constant 4 : i32
    %run_scoped3A_1594 = arith.constant 1 : i32
    "tpu.region"() ({
      %run_scoped3A_1618 = tpu.sem_alloc : memref<!tpu.dma_semaphore, #tpu.memory_space<semaphore_mem>>
      %dma_start3A_1619 = arith.constant 0 : i32
      %dma_start3A_1620 = tpu.memref_slice %arg9[%run_scoped3A_1593, %dma_start3A_1619] : memref<8x128xf32, #tpu.memory_space<vmem>> -> memref<1x128xf32, #tpu.memory_space<vmem>>
      %dma_start3A_1621 = tpu.memref_squeeze %dma_start3A_1620 : memref<1x128xf32, #tpu.memory_space<vmem>> -> memref<128xf32, #tpu.memory_space<vmem>>
      %dma_start3A_1622 = arith.constant 0 : i32
      %dma_start3A_1623 = tpu.memref_slice %arg5[%run_scoped3A_1594, %add3A_1592, %dma_start3A_1622] : memref<2x128x128xf32, #tpu.memory_space<hbm>> -> memref<1x1x128xf32, #tpu.memory_space<hbm>>
      %dma_start3A_1624 = tpu.memref_squeeze %dma_start3A_1623 : memref<1x1x128xf32, #tpu.memory_space<hbm>> -> memref<128xf32, #tpu.memory_space<hbm>>
      %dma_start3A_1625 = arith.constant 0 : i32
      %dma_start3A_1626 = tpu.memref_slice %arg5[%run_scoped3A_1594, %add3A_1592, %dma_start3A_1625] : memref<2x128x128xf32, #tpu.memory_space<hbm>> -> memref<1x1x128xf32, #tpu.memory_space<hbm>>
      %dma_start3A_1627 = tpu.memref_squeeze %dma_start3A_1626 : memref<1x1x128xf32, #tpu.memory_space<hbm>> -> memref<128xf32, #tpu.memory_space<hbm>>
      %dma_start3A_1628 = arith.constant 0 : i32
      %dma_start3A_1629 = tpu.memref_slice %arg9[%run_scoped3A_1593, %dma_start3A_1628] : memref<8x128xf32, #tpu.memory_space<vmem>> -> memref<1x128xf32, #tpu.memory_space<vmem>>
      %dma_start3A_1630 = tpu.memref_squeeze %dma_start3A_1629 : memref<1x128xf32, #tpu.memory_space<vmem>> -> memref<128xf32, #tpu.memory_space<vmem>>
      tpu.enqueue_dma source(%dma_start3A_1630 : memref<128xf32, #tpu.memory_space<vmem>>) target(%dma_start3A_1627 : memref<128xf32, #tpu.memory_space<hbm>>) target_semaphore(%run_scoped3A_1618 : memref<!tpu.dma_semaphore, #tpu.memory_space<semaphore_mem>>)
      %dma_wait3A_1631 = arith.constant 0 : i32
      %dma_wait3A_1632 = tpu.memref_slice %arg9[%run_scoped3A_1593, %dma_wait3A_1631] : memref<8x128xf32, #tpu.memory_space<vmem>> -> memref<1x128xf32, #tpu.memory_space<vmem>>
      %dma_wait3A_1633 = tpu.memref_squeeze %dma_wait3A_1632 : memref<1x128xf32, #tpu.memory_space<vmem>> -> memref<128xf32, #tpu.memory_space<vmem>>
      %dma_wait3A_1634 = arith.constant 0 : i32
      %dma_wait3A_1635 = tpu.memref_slice %arg5[%run_scoped3A_1594, %add3A_1592, %dma_wait3A_1634] : memref<2x128x128xf32, #tpu.memory_space<hbm>> -> memref<1x1x128xf32, #tpu.memory_space<hbm>>
      %dma_wait3A_1636 = tpu.memref_squeeze %dma_wait3A_1635 : memref<1x1x128xf32, #tpu.memory_space<hbm>> -> memref<128xf32, #tpu.memory_space<hbm>>
      %dma_wait3A_1637 = arith.constant 0 : i32
      %dma_wait3A_1638 = tpu.memref_slice %arg5[%run_scoped3A_1594, %add3A_1592, %dma_wait3A_1637] : memref<2x128x128xf32, #tpu.memory_space<hbm>> -> memref<1x1x128xf32, #tpu.memory_space<hbm>>
      %dma_wait3A_1639 = tpu.memref_squeeze %dma_wait3A_1638 : memref<1x1x128xf32, #tpu.memory_space<hbm>> -> memref<128xf32, #tpu.memory_space<hbm>>
      %dma_wait3A_1640 = arith.constant 0 : i32
      %dma_wait3A_1641 = tpu.memref_slice %arg9[%run_scoped3A_1593, %dma_wait3A_1640] : memref<8x128xf32, #tpu.memory_space<vmem>> -> memref<1x128xf32, #tpu.memory_space<vmem>>
      %dma_wait3A_1642 = tpu.memref_squeeze %dma_wait3A_1641 : memref<1x128xf32, #tpu.memory_space<vmem>> -> memref<128xf32, #tpu.memory_space<vmem>>
      tpu.wait_dma2 semaphore(%run_scoped3A_1618 : memref<!tpu.dma_semaphore, #tpu.memory_space<semaphore_mem>>) src(%dma_wait3A_1642 : memref<128xf32, #tpu.memory_space<vmem>>) dst(%dma_wait3A_1639 : memref<128xf32, #tpu.memory_space<hbm>>)
      tpu.yield
    }) : () -> ()
    %mul3A_1595 = arith.constant 8 : i32
    %mul3A_1596 = arith.muli %arg1, %mul3A_1595 : i32
    %add3A_1597 = arith.constant 5 : i32
    %add3A_1598 = arith.addi %mul3A_1596, %add3A_1597 : i32
    %run_scoped3A_1599 = arith.constant 5 : i32
    %run_scoped3A_1600 = arith.constant 1 : i32
    "tpu.region"() ({
      %run_scoped3A_1618 = tpu.sem_alloc : memref<!tpu.dma_semaphore, #tpu.memory_space<semaphore_mem>>
      %dma_start3A_1619 = arith.constant 0 : i32
      %dma_start3A_1620 = tpu.memref_slice %arg9[%run_scoped3A_1599, %dma_start3A_1619] : memref<8x128xf32, #tpu.memory_space<vmem>> -> memref<1x128xf32, #tpu.memory_space<vmem>>
      %dma_start3A_1621 = tpu.memref_squeeze %dma_start3A_1620 : memref<1x128xf32, #tpu.memory_space<vmem>> -> memref<128xf32, #tpu.memory_space<vmem>>
      %dma_start3A_1622 = arith.constant 0 : i32
      %dma_start3A_1623 = tpu.memref_slice %arg5[%run_scoped3A_1600, %add3A_1598, %dma_start3A_1622] : memref<2x128x128xf32, #tpu.memory_space<hbm>> -> memref<1x1x128xf32, #tpu.memory_space<hbm>>
      %dma_start3A_1624 = tpu.memref_squeeze %dma_start3A_1623 : memref<1x1x128xf32, #tpu.memory_space<hbm>> -> memref<128xf32, #tpu.memory_space<hbm>>
      %dma_start3A_1625 = arith.constant 0 : i32
      %dma_start3A_1626 = tpu.memref_slice %arg5[%run_scoped3A_1600, %add3A_1598, %dma_start3A_1625] : memref<2x128x128xf32, #tpu.memory_space<hbm>> -> memref<1x1x128xf32, #tpu.memory_space<hbm>>
      %dma_start3A_1627 = tpu.memref_squeeze %dma_start3A_1626 : memref<1x1x128xf32, #tpu.memory_space<hbm>> -> memref<128xf32, #tpu.memory_space<hbm>>
      %dma_start3A_1628 = arith.constant 0 : i32
      %dma_start3A_1629 = tpu.memref_slice %arg9[%run_scoped3A_1599, %dma_start3A_1628] : memref<8x128xf32, #tpu.memory_space<vmem>> -> memref<1x128xf32, #tpu.memory_space<vmem>>
      %dma_start3A_1630 = tpu.memref_squeeze %dma_start3A_1629 : memref<1x128xf32, #tpu.memory_space<vmem>> -> memref<128xf32, #tpu.memory_space<vmem>>
      tpu.enqueue_dma source(%dma_start3A_1630 : memref<128xf32, #tpu.memory_space<vmem>>) target(%dma_start3A_1627 : memref<128xf32, #tpu.memory_space<hbm>>) target_semaphore(%run_scoped3A_1618 : memref<!tpu.dma_semaphore, #tpu.memory_space<semaphore_mem>>)
      %dma_wait3A_1631 = arith.constant 0 : i32
      %dma_wait3A_1632 = tpu.memref_slice %arg9[%run_scoped3A_1599, %dma_wait3A_1631] : memref<8x128xf32, #tpu.memory_space<vmem>> -> memref<1x128xf32, #tpu.memory_space<vmem>>
      %dma_wait3A_1633 = tpu.memref_squeeze %dma_wait3A_1632 : memref<1x128xf32, #tpu.memory_space<vmem>> -> memref<128xf32, #tpu.memory_space<vmem>>
      %dma_wait3A_1634 = arith.constant 0 : i32
      %dma_wait3A_1635 = tpu.memref_slice %arg5[%run_scoped3A_1600, %add3A_1598, %dma_wait3A_1634] : memref<2x128x128xf32, #tpu.memory_space<hbm>> -> memref<1x1x128xf32, #tpu.memory_space<hbm>>
      %dma_wait3A_1636 = tpu.memref_squeeze %dma_wait3A_1635 : memref<1x1x128xf32, #tpu.memory_space<hbm>> -> memref<128xf32, #tpu.memory_space<hbm>>
      %dma_wait3A_1637 = arith.constant 0 : i32
      %dma_wait3A_1638 = tpu.memref_slice %arg5[%run_scoped3A_1600, %add3A_1598, %dma_wait3A_1637] : memref<2x128x128xf32, #tpu.memory_space<hbm>> -> memref<1x1x128xf32, #tpu.memory_space<hbm>>
      %dma_wait3A_1639 = tpu.memref_squeeze %dma_wait3A_1638 : memref<1x1x128xf32, #tpu.memory_space<hbm>> -> memref<128xf32, #tpu.memory_space<hbm>>
      %dma_wait3A_1640 = arith.constant 0 : i32
      %dma_wait3A_1641 = tpu.memref_slice %arg9[%run_scoped3A_1599, %dma_wait3A_1640] : memref<8x128xf32, #tpu.memory_space<vmem>> -> memref<1x128xf32, #tpu.memory_space<vmem>>
      %dma_wait3A_1642 = tpu.memref_squeeze %dma_wait3A_1641 : memref<1x128xf32, #tpu.memory_space<vmem>> -> memref<128xf32, #tpu.memory_space<vmem>>
      tpu.wait_dma2 semaphore(%run_scoped3A_1618 : memref<!tpu.dma_semaphore, #tpu.memory_space<semaphore_mem>>) src(%dma_wait3A_1642 : memref<128xf32, #tpu.memory_space<vmem>>) dst(%dma_wait3A_1639 : memref<128xf32, #tpu.memory_space<hbm>>)
      tpu.yield
    }) : () -> ()
    %mul3A_1601 = arith.constant 8 : i32
    %mul3A_1602 = arith.muli %arg1, %mul3A_1601 : i32
    %add3A_1603 = arith.constant 6 : i32
    %add3A_1604 = arith.addi %mul3A_1602, %add3A_1603 : i32
    %run_scoped3A_1605 = arith.constant 6 : i32
    %run_scoped3A_1606 = arith.constant 1 : i32
    "tpu.region"() ({
      %run_scoped3A_1618 = tpu.sem_alloc : memref<!tpu.dma_semaphore, #tpu.memory_space<semaphore_mem>>
      %dma_start3A_1619 = arith.constant 0 : i32
      %dma_start3A_1620 = tpu.memref_slice %arg9[%run_scoped3A_1605, %dma_start3A_1619] : memref<8x128xf32, #tpu.memory_space<vmem>> -> memref<1x128xf32, #tpu.memory_space<vmem>>
      %dma_start3A_1621 = tpu.memref_squeeze %dma_start3A_1620 : memref<1x128xf32, #tpu.memory_space<vmem>> -> memref<128xf32, #tpu.memory_space<vmem>>
      %dma_start3A_1622 = arith.constant 0 : i32
      %dma_start3A_1623 = tpu.memref_slice %arg5[%run_scoped3A_1606, %add3A_1604, %dma_start3A_1622] : memref<2x128x128xf32, #tpu.memory_space<hbm>> -> memref<1x1x128xf32, #tpu.memory_space<hbm>>
      %dma_start3A_1624 = tpu.memref_squeeze %dma_start3A_1623 : memref<1x1x128xf32, #tpu.memory_space<hbm>> -> memref<128xf32, #tpu.memory_space<hbm>>
      %dma_start3A_1625 = arith.constant 0 : i32
      %dma_start3A_1626 = tpu.memref_slice %arg5[%run_scoped3A_1606, %add3A_1604, %dma_start3A_1625] : memref<2x128x128xf32, #tpu.memory_space<hbm>> -> memref<1x1x128xf32, #tpu.memory_space<hbm>>
      %dma_start3A_1627 = tpu.memref_squeeze %dma_start3A_1626 : memref<1x1x128xf32, #tpu.memory_space<hbm>> -> memref<128xf32, #tpu.memory_space<hbm>>
      %dma_start3A_1628 = arith.constant 0 : i32
      %dma_start3A_1629 = tpu.memref_slice %arg9[%run_scoped3A_1605, %dma_start3A_1628] : memref<8x128xf32, #tpu.memory_space<vmem>> -> memref<1x128xf32, #tpu.memory_space<vmem>>
      %dma_start3A_1630 = tpu.memref_squeeze %dma_start3A_1629 : memref<1x128xf32, #tpu.memory_space<vmem>> -> memref<128xf32, #tpu.memory_space<vmem>>
      tpu.enqueue_dma source(%dma_start3A_1630 : memref<128xf32, #tpu.memory_space<vmem>>) target(%dma_start3A_1627 : memref<128xf32, #tpu.memory_space<hbm>>) target_semaphore(%run_scoped3A_1618 : memref<!tpu.dma_semaphore, #tpu.memory_space<semaphore_mem>>)
      %dma_wait3A_1631 = arith.constant 0 : i32
      %dma_wait3A_1632 = tpu.memref_slice %arg9[%run_scoped3A_1605, %dma_wait3A_1631] : memref<8x128xf32, #tpu.memory_space<vmem>> -> memref<1x128xf32, #tpu.memory_space<vmem>>
      %dma_wait3A_1633 = tpu.memref_squeeze %dma_wait3A_1632 : memref<1x128xf32, #tpu.memory_space<vmem>> -> memref<128xf32, #tpu.memory_space<vmem>>
      %dma_wait3A_1634 = arith.constant 0 : i32
      %dma_wait3A_1635 = tpu.memref_slice %arg5[%run_scoped3A_1606, %add3A_1604, %dma_wait3A_1634] : memref<2x128x128xf32, #tpu.memory_space<hbm>> -> memref<1x1x128xf32, #tpu.memory_space<hbm>>
      %dma_wait3A_1636 = tpu.memref_squeeze %dma_wait3A_1635 : memref<1x1x128xf32, #tpu.memory_space<hbm>> -> memref<128xf32, #tpu.memory_space<hbm>>
      %dma_wait3A_1637 = arith.constant 0 : i32
      %dma_wait3A_1638 = tpu.memref_slice %arg5[%run_scoped3A_1606, %add3A_1604, %dma_wait3A_1637] : memref<2x128x128xf32, #tpu.memory_space<hbm>> -> memref<1x1x128xf32, #tpu.memory_space<hbm>>
      %dma_wait3A_1639 = tpu.memref_squeeze %dma_wait3A_1638 : memref<1x1x128xf32, #tpu.memory_space<hbm>> -> memref<128xf32, #tpu.memory_space<hbm>>
      %dma_wait3A_1640 = arith.constant 0 : i32
      %dma_wait3A_1641 = tpu.memref_slice %arg9[%run_scoped3A_1605, %dma_wait3A_1640] : memref<8x128xf32, #tpu.memory_space<vmem>> -> memref<1x128xf32, #tpu.memory_space<vmem>>
      %dma_wait3A_1642 = tpu.memref_squeeze %dma_wait3A_1641 : memref<1x128xf32, #tpu.memory_space<vmem>> -> memref<128xf32, #tpu.memory_space<vmem>>
      tpu.wait_dma2 semaphore(%run_scoped3A_1618 : memref<!tpu.dma_semaphore, #tpu.memory_space<semaphore_mem>>) src(%dma_wait3A_1642 : memref<128xf32, #tpu.memory_space<vmem>>) dst(%dma_wait3A_1639 : memref<128xf32, #tpu.memory_space<hbm>>)
      tpu.yield
    }) : () -> ()
    %mul3A_1607 = arith.constant 8 : i32
    %mul3A_1608 = arith.muli %arg1, %mul3A_1607 : i32
    %add3A_1609 = arith.constant 7 : i32
    %add3A_1610 = arith.addi %mul3A_1608, %add3A_1609 : i32
    %run_scoped3A_1611 = arith.constant 7 : i32
    %run_scoped3A_1612 = arith.constant 1 : i32
    "tpu.region"() ({
      %run_scoped3A_1618 = tpu.sem_alloc : memref<!tpu.dma_semaphore, #tpu.memory_space<semaphore_mem>>
      %dma_start3A_1619 = arith.constant 0 : i32
      %dma_start3A_1620 = tpu.memref_slice %arg9[%run_scoped3A_1611, %dma_start3A_1619] : memref<8x128xf32, #tpu.memory_space<vmem>> -> memref<1x128xf32, #tpu.memory_space<vmem>>
      %dma_start3A_1621 = tpu.memref_squeeze %dma_start3A_1620 : memref<1x128xf32, #tpu.memory_space<vmem>> -> memref<128xf32, #tpu.memory_space<vmem>>
      %dma_start3A_1622 = arith.constant 0 : i32
      %dma_start3A_1623 = tpu.memref_slice %arg5[%run_scoped3A_1612, %add3A_1610, %dma_start3A_1622] : memref<2x128x128xf32, #tpu.memory_space<hbm>> -> memref<1x1x128xf32, #tpu.memory_space<hbm>>
      %dma_start3A_1624 = tpu.memref_squeeze %dma_start3A_1623 : memref<1x1x128xf32, #tpu.memory_space<hbm>> -> memref<128xf32, #tpu.memory_space<hbm>>
      %dma_start3A_1625 = arith.constant 0 : i32
      %dma_start3A_1626 = tpu.memref_slice %arg5[%run_scoped3A_1612, %add3A_1610, %dma_start3A_1625] : memref<2x128x128xf32, #tpu.memory_space<hbm>> -> memref<1x1x128xf32, #tpu.memory_space<hbm>>
      %dma_start3A_1627 = tpu.memref_squeeze %dma_start3A_1626 : memref<1x1x128xf32, #tpu.memory_space<hbm>> -> memref<128xf32, #tpu.memory_space<hbm>>
      %dma_start3A_1628 = arith.constant 0 : i32
      %dma_start3A_1629 = tpu.memref_slice %arg9[%run_scoped3A_1611, %dma_start3A_1628] : memref<8x128xf32, #tpu.memory_space<vmem>> -> memref<1x128xf32, #tpu.memory_space<vmem>>
      %dma_start3A_1630 = tpu.memref_squeeze %dma_start3A_1629 : memref<1x128xf32, #tpu.memory_space<vmem>> -> memref<128xf32, #tpu.memory_space<vmem>>
      tpu.enqueue_dma source(%dma_start3A_1630 : memref<128xf32, #tpu.memory_space<vmem>>) target(%dma_start3A_1627 : memref<128xf32, #tpu.memory_space<hbm>>) target_semaphore(%run_scoped3A_1618 : memref<!tpu.dma_semaphore, #tpu.memory_space<semaphore_mem>>)
      %dma_wait3A_1631 = arith.constant 0 : i32
      %dma_wait3A_1632 = tpu.memref_slice %arg9[%run_scoped3A_1611, %dma_wait3A_1631] : memref<8x128xf32, #tpu.memory_space<vmem>> -> memref<1x128xf32, #tpu.memory_space<vmem>>
      %dma_wait3A_1633 = tpu.memref_squeeze %dma_wait3A_1632 : memref<1x128xf32, #tpu.memory_space<vmem>> -> memref<128xf32, #tpu.memory_space<vmem>>
      %dma_wait3A_1634 = arith.constant 0 : i32
      %dma_wait3A_1635 = tpu.memref_slice %arg5[%run_scoped3A_1612, %add3A_1610, %dma_wait3A_1634] : memref<2x128x128xf32, #tpu.memory_space<hbm>> -> memref<1x1x128xf32, #tpu.memory_space<hbm>>
      %dma_wait3A_1636 = tpu.memref_squeeze %dma_wait3A_1635 : memref<1x1x128xf32, #tpu.memory_space<hbm>> -> memref<128xf32, #tpu.memory_space<hbm>>
      %dma_wait3A_1637 = arith.constant 0 : i32
      %dma_wait3A_1638 = tpu.memref_slice %arg5[%run_scoped3A_1612, %add3A_1610, %dma_wait3A_1637] : memref<2x128x128xf32, #tpu.memory_space<hbm>> -> memref<1x1x128xf32, #tpu.memory_space<hbm>>
      %dma_wait3A_1639 = tpu.memref_squeeze %dma_wait3A_1638 : memref<1x1x128xf32, #tpu.memory_space<hbm>> -> memref<128xf32, #tpu.memory_space<hbm>>
      %dma_wait3A_1640 = arith.constant 0 : i32
      %dma_wait3A_1641 = tpu.memref_slice %arg9[%run_scoped3A_1611, %dma_wait3A_1640] : memref<8x128xf32, #tpu.memory_space<vmem>> -> memref<1x128xf32, #tpu.memory_space<vmem>>
      %dma_wait3A_1642 = tpu.memref_squeeze %dma_wait3A_1641 : memref<1x128xf32, #tpu.memory_space<vmem>> -> memref<128xf32, #tpu.memory_space<vmem>>
      tpu.wait_dma2 semaphore(%run_scoped3A_1618 : memref<!tpu.dma_semaphore, #tpu.memory_space<semaphore_mem>>) src(%dma_wait3A_1642 : memref<128xf32, #tpu.memory_space<vmem>>) dst(%dma_wait3A_1639 : memref<128xf32, #tpu.memory_space<hbm>>)
      tpu.yield
    }) : () -> ()
    %eq3A_1613 = arith.constant 0 : i32
    %eq3A_1614 = arith.cmpi eq, %arg1, %eq3A_1613 : i32
    %convert_element_type3A_1615 = arith.extui %eq3A_1614 : i1 to i32
    %cond3A_1616 = arith.constant 0 : i32
    %cond3A_1617 = arith.cmpi ne, %convert_element_type3A_1615, %cond3A_1616 : i32
    scf.if %cond3A_1617 {
      %add3A_1618 = arith.constant 589824 : i32
      %add3A_1619 = vector.broadcast %add3A_1618 : i32 to vector<16xi32>
      %add3A_1620 = arith.addi %get3A_807, %add3A_1619 : vector<16xi32>
      %swap3A_1621 = arith.constant 0 : i32
      %swap3A_1622 = arith.index_cast %swap3A_1621 : i32 to index
      %swap3A_1623 = arith.constant 0 : index
      %swap3A_1624 = tpu.vector_load %arg10[%swap3A_1622, %swap3A_1623] {strides = array<i32>} : memref<2x128xi32, #tpu.memory_space<vmem>>, vector<1x16xi32>,
      %swap3A_1625 = vector.shape_cast %swap3A_1624 : vector<1x16xi32> to vector<16xi32>
      %swap3A_1626 = vector.shape_cast %add3A_1620 : vector<16xi32> to vector<1x16xi32>
      tpu.vector_store %arg10[%swap3A_1622, %swap3A_1623], %swap3A_1626 {strides = array<i32>} : memref<2x128xi32, #tpu.memory_space<vmem>>, vector<1x16xi32>,
      %add3A_1627 = arith.constant 589824 : i32
      %add3A_1628 = vector.broadcast %add3A_1627 : i32 to vector<16xi32>
      %add3A_1629 = arith.addi %get3A_810, %add3A_1628 : vector<16xi32>
      %swap3A_1630 = arith.constant 0 : i32
      %swap3A_1631 = arith.index_cast %swap3A_1630 : i32 to index
      %swap3A_1632 = arith.constant 16 : index
      %swap3A_1633 = tpu.vector_load %arg10[%swap3A_1631, %swap3A_1632] {strides = array<i32>} : memref<2x128xi32, #tpu.memory_space<vmem>>, vector<1x16xi32>,
      %swap3A_1634 = vector.shape_cast %swap3A_1633 : vector<1x16xi32> to vector<16xi32>
      %swap3A_1635 = vector.shape_cast %add3A_1629 : vector<16xi32> to vector<1x16xi32>
      tpu.vector_store %arg10[%swap3A_1631, %swap3A_1632], %swap3A_1635 {strides = array<i32>} : memref<2x128xi32, #tpu.memory_space<vmem>>, vector<1x16xi32>,
      %add3A_1636 = arith.constant 589824 : i32
      %add3A_1637 = vector.broadcast %add3A_1636 : i32 to vector<16xi32>
      %add3A_1638 = arith.addi %get3A_813, %add3A_1637 : vector<16xi32>
      %swap3A_1639 = arith.constant 0 : i32
      %swap3A_1640 = arith.index_cast %swap3A_1639 : i32 to index
      %swap3A_1641 = arith.constant 32 : index
      %swap3A_1642 = tpu.vector_load %arg10[%swap3A_1640, %swap3A_1641] {strides = array<i32>} : memref<2x128xi32, #tpu.memory_space<vmem>>, vector<1x16xi32>,
      %swap3A_1643 = vector.shape_cast %swap3A_1642 : vector<1x16xi32> to vector<16xi32>
      %swap3A_1644 = vector.shape_cast %add3A_1638 : vector<16xi32> to vector<1x16xi32>
      tpu.vector_store %arg10[%swap3A_1640, %swap3A_1641], %swap3A_1644 {strides = array<i32>} : memref<2x128xi32, #tpu.memory_space<vmem>>, vector<1x16xi32>,
      %add3A_1645 = arith.constant 589824 : i32
      %add3A_1646 = vector.broadcast %add3A_1645 : i32 to vector<16xi32>
      %add3A_1647 = arith.addi %get3A_816, %add3A_1646 : vector<16xi32>
      %swap3A_1648 = arith.constant 0 : i32
      %swap3A_1649 = arith.index_cast %swap3A_1648 : i32 to index
      %swap3A_1650 = arith.constant 48 : index
      %swap3A_1651 = tpu.vector_load %arg10[%swap3A_1649, %swap3A_1650] {strides = array<i32>} : memref<2x128xi32, #tpu.memory_space<vmem>>, vector<1x16xi32>,
      %swap3A_1652 = vector.shape_cast %swap3A_1651 : vector<1x16xi32> to vector<16xi32>
      %swap3A_1653 = vector.shape_cast %add3A_1647 : vector<16xi32> to vector<1x16xi32>
      tpu.vector_store %arg10[%swap3A_1649, %swap3A_1650], %swap3A_1653 {strides = array<i32>} : memref<2x128xi32, #tpu.memory_space<vmem>>, vector<1x16xi32>,
      %add3A_1654 = arith.constant 589824 : i32
      %add3A_1655 = vector.broadcast %add3A_1654 : i32 to vector<16xi32>
      %add3A_1656 = arith.addi %get3A_819, %add3A_1655 : vector<16xi32>
      %swap3A_1657 = arith.constant 0 : i32
      %swap3A_1658 = arith.index_cast %swap3A_1657 : i32 to index
      %swap3A_1659 = arith.constant 64 : index
      %swap3A_1660 = tpu.vector_load %arg10[%swap3A_1658, %swap3A_1659] {strides = array<i32>} : memref<2x128xi32, #tpu.memory_space<vmem>>, vector<1x16xi32>,
      %swap3A_1661 = vector.shape_cast %swap3A_1660 : vector<1x16xi32> to vector<16xi32>
      %swap3A_1662 = vector.shape_cast %add3A_1656 : vector<16xi32> to vector<1x16xi32>
      tpu.vector_store %arg10[%swap3A_1658, %swap3A_1659], %swap3A_1662 {strides = array<i32>} : memref<2x128xi32, #tpu.memory_space<vmem>>, vector<1x16xi32>,
      %add3A_1663 = arith.constant 589824 : i32
      %add3A_1664 = vector.broadcast %add3A_1663 : i32 to vector<16xi32>
      %add3A_1665 = arith.addi %get3A_822, %add3A_1664 : vector<16xi32>
      %swap3A_1666 = arith.constant 0 : i32
      %swap3A_1667 = arith.index_cast %swap3A_1666 : i32 to index
      %swap3A_1668 = arith.constant 80 : index
      %swap3A_1669 = tpu.vector_load %arg10[%swap3A_1667, %swap3A_1668] {strides = array<i32>} : memref<2x128xi32, #tpu.memory_space<vmem>>, vector<1x16xi32>,
      %swap3A_1670 = vector.shape_cast %swap3A_1669 : vector<1x16xi32> to vector<16xi32>
      %swap3A_1671 = vector.shape_cast %add3A_1665 : vector<16xi32> to vector<1x16xi32>
      tpu.vector_store %arg10[%swap3A_1667, %swap3A_1668], %swap3A_1671 {strides = array<i32>} : memref<2x128xi32, #tpu.memory_space<vmem>>, vector<1x16xi32>,
      %add3A_1672 = arith.constant 589824 : i32
      %add3A_1673 = vector.broadcast %add3A_1672 : i32 to vector<16xi32>
      %add3A_1674 = arith.addi %get3A_825, %add3A_1673 : vector<16xi32>
      %swap3A_1675 = arith.constant 0 : i32
      %swap3A_1676 = arith.index_cast %swap3A_1675 : i32 to index
      %swap3A_1677 = arith.constant 96 : index
      %swap3A_1678 = tpu.vector_load %arg10[%swap3A_1676, %swap3A_1677] {strides = array<i32>} : memref<2x128xi32, #tpu.memory_space<vmem>>, vector<1x16xi32>,
      %swap3A_1679 = vector.shape_cast %swap3A_1678 : vector<1x16xi32> to vector<16xi32>
      %swap3A_1680 = vector.shape_cast %add3A_1674 : vector<16xi32> to vector<1x16xi32>
      tpu.vector_store %arg10[%swap3A_1676, %swap3A_1677], %swap3A_1680 {strides = array<i32>} : memref<2x128xi32, #tpu.memory_space<vmem>>, vector<1x16xi32>,
      %add3A_1681 = arith.constant 589824 : i32
      %add3A_1682 = vector.broadcast %add3A_1681 : i32 to vector<16xi32>
      %add3A_1683 = arith.addi %get3A_828, %add3A_1682 : vector<16xi32>
      %swap3A_1684 = arith.constant 0 : i32
      %swap3A_1685 = arith.index_cast %swap3A_1684 : i32 to index
      %swap3A_1686 = arith.constant 112 : index
      %swap3A_1687 = tpu.vector_load %arg10[%swap3A_1685, %swap3A_1686] {strides = array<i32>} : memref<2x128xi32, #tpu.memory_space<vmem>>, vector<1x16xi32>,
      %swap3A_1688 = vector.shape_cast %swap3A_1687 : vector<1x16xi32> to vector<16xi32>
      %swap3A_1689 = vector.shape_cast %add3A_1683 : vector<16xi32> to vector<1x16xi32>
      tpu.vector_store %arg10[%swap3A_1685, %swap3A_1686], %swap3A_1689 {strides = array<i32>} : memref<2x128xi32, #tpu.memory_space<vmem>>, vector<1x16xi32>,
      %add3A_1690 = arith.constant 737280 : i32
      %add3A_1691 = vector.broadcast %add3A_1690 : i32 to vector<16xi32>
      %add3A_1692 = arith.addi %get3A_807, %add3A_1691 : vector<16xi32>
      %swap3A_1693 = arith.constant 1 : i32
      %swap3A_1694 = arith.index_cast %swap3A_1693 : i32 to index
      %swap3A_1695 = arith.constant 0 : index
      %swap3A_1696 = tpu.vector_load %arg10[%swap3A_1694, %swap3A_1695] {strides = array<i32>} : memref<2x128xi32, #tpu.memory_space<vmem>>, vector<1x16xi32>,
      %swap3A_1697 = vector.shape_cast %swap3A_1696 : vector<1x16xi32> to vector<16xi32>
      %swap3A_1698 = vector.shape_cast %add3A_1692 : vector<16xi32> to vector<1x16xi32>
      tpu.vector_store %arg10[%swap3A_1694, %swap3A_1695], %swap3A_1698 {strides = array<i32>} : memref<2x128xi32, #tpu.memory_space<vmem>>, vector<1x16xi32>,
      %add3A_1699 = arith.constant 737280 : i32
      %add3A_1700 = vector.broadcast %add3A_1699 : i32 to vector<16xi32>
      %add3A_1701 = arith.addi %get3A_810, %add3A_1700 : vector<16xi32>
      %swap3A_1702 = arith.constant 1 : i32
      %swap3A_1703 = arith.index_cast %swap3A_1702 : i32 to index
      %swap3A_1704 = arith.constant 16 : index
      %swap3A_1705 = tpu.vector_load %arg10[%swap3A_1703, %swap3A_1704] {strides = array<i32>} : memref<2x128xi32, #tpu.memory_space<vmem>>, vector<1x16xi32>,
      %swap3A_1706 = vector.shape_cast %swap3A_1705 : vector<1x16xi32> to vector<16xi32>
      %swap3A_1707 = vector.shape_cast %add3A_1701 : vector<16xi32> to vector<1x16xi32>
      tpu.vector_store %arg10[%swap3A_1703, %swap3A_1704], %swap3A_1707 {strides = array<i32>} : memref<2x128xi32, #tpu.memory_space<vmem>>, vector<1x16xi32>,
      %add3A_1708 = arith.constant 737280 : i32
      %add3A_1709 = vector.broadcast %add3A_1708 : i32 to vector<16xi32>
      %add3A_1710 = arith.addi %get3A_813, %add3A_1709 : vector<16xi32>
      %swap3A_1711 = arith.constant 1 : i32
      %swap3A_1712 = arith.index_cast %swap3A_1711 : i32 to index
      %swap3A_1713 = arith.constant 32 : index
      %swap3A_1714 = tpu.vector_load %arg10[%swap3A_1712, %swap3A_1713] {strides = array<i32>} : memref<2x128xi32, #tpu.memory_space<vmem>>, vector<1x16xi32>,
      %swap3A_1715 = vector.shape_cast %swap3A_1714 : vector<1x16xi32> to vector<16xi32>
      %swap3A_1716 = vector.shape_cast %add3A_1710 : vector<16xi32> to vector<1x16xi32>
      tpu.vector_store %arg10[%swap3A_1712, %swap3A_1713], %swap3A_1716 {strides = array<i32>} : memref<2x128xi32, #tpu.memory_space<vmem>>, vector<1x16xi32>,
      %add3A_1717 = arith.constant 737280 : i32
      %add3A_1718 = vector.broadcast %add3A_1717 : i32 to vector<16xi32>
      %add3A_1719 = arith.addi %get3A_816, %add3A_1718 : vector<16xi32>
      %swap3A_1720 = arith.constant 1 : i32
      %swap3A_1721 = arith.index_cast %swap3A_1720 : i32 to index
      %swap3A_1722 = arith.constant 48 : index
      %swap3A_1723 = tpu.vector_load %arg10[%swap3A_1721, %swap3A_1722] {strides = array<i32>} : memref<2x128xi32, #tpu.memory_space<vmem>>, vector<1x16xi32>,
      %swap3A_1724 = vector.shape_cast %swap3A_1723 : vector<1x16xi32> to vector<16xi32>
      %swap3A_1725 = vector.shape_cast %add3A_1719 : vector<16xi32> to vector<1x16xi32>
      tpu.vector_store %arg10[%swap3A_1721, %swap3A_1722], %swap3A_1725 {strides = array<i32>} : memref<2x128xi32, #tpu.memory_space<vmem>>, vector<1x16xi32>,
      %add3A_1726 = arith.constant 737280 : i32
      %add3A_1727 = vector.broadcast %add3A_1726 : i32 to vector<16xi32>
      %add3A_1728 = arith.addi %get3A_819, %add3A_1727 : vector<16xi32>
      %swap3A_1729 = arith.constant 1 : i32
      %swap3A_1730 = arith.index_cast %swap3A_1729 : i32 to index
      %swap3A_1731 = arith.constant 64 : index
      %swap3A_1732 = tpu.vector_load %arg10[%swap3A_1730, %swap3A_1731] {strides = array<i32>} : memref<2x128xi32, #tpu.memory_space<vmem>>, vector<1x16xi32>,
      %swap3A_1733 = vector.shape_cast %swap3A_1732 : vector<1x16xi32> to vector<16xi32>
      %swap3A_1734 = vector.shape_cast %add3A_1728 : vector<16xi32> to vector<1x16xi32>
      tpu.vector_store %arg10[%swap3A_1730, %swap3A_1731], %swap3A_1734 {strides = array<i32>} : memref<2x128xi32, #tpu.memory_space<vmem>>, vector<1x16xi32>,
      %add3A_1735 = arith.constant 737280 : i32
      %add3A_1736 = vector.broadcast %add3A_1735 : i32 to vector<16xi32>
      %add3A_1737 = arith.addi %get3A_822, %add3A_1736 : vector<16xi32>
      %swap3A_1738 = arith.constant 1 : i32
      %swap3A_1739 = arith.index_cast %swap3A_1738 : i32 to index
      %swap3A_1740 = arith.constant 80 : index
      %swap3A_1741 = tpu.vector_load %arg10[%swap3A_1739, %swap3A_1740] {strides = array<i32>} : memref<2x128xi32, #tpu.memory_space<vmem>>, vector<1x16xi32>,
      %swap3A_1742 = vector.shape_cast %swap3A_1741 : vector<1x16xi32> to vector<16xi32>
      %swap3A_1743 = vector.shape_cast %add3A_1737 : vector<16xi32> to vector<1x16xi32>
      tpu.vector_store %arg10[%swap3A_1739, %swap3A_1740], %swap3A_1743 {strides = array<i32>} : memref<2x128xi32, #tpu.memory_space<vmem>>, vector<1x16xi32>,
      %add3A_1744 = arith.constant 737280 : i32
      %add3A_1745 = vector.broadcast %add3A_1744 : i32 to vector<16xi32>
      %add3A_1746 = arith.addi %get3A_825, %add3A_1745 : vector<16xi32>
      %swap3A_1747 = arith.constant 1 : i32
      %swap3A_1748 = arith.index_cast %swap3A_1747 : i32 to index
      %swap3A_1749 = arith.constant 96 : index
      %swap3A_1750 = tpu.vector_load %arg10[%swap3A_1748, %swap3A_1749] {strides = array<i32>} : memref<2x128xi32, #tpu.memory_space<vmem>>, vector<1x16xi32>,
      %swap3A_1751 = vector.shape_cast %swap3A_1750 : vector<1x16xi32> to vector<16xi32>
      %swap3A_1752 = vector.shape_cast %add3A_1746 : vector<16xi32> to vector<1x16xi32>
      tpu.vector_store %arg10[%swap3A_1748, %swap3A_1749], %swap3A_1752 {strides = array<i32>} : memref<2x128xi32, #tpu.memory_space<vmem>>, vector<1x16xi32>,
      %add3A_1753 = arith.constant 737280 : i32
      %add3A_1754 = vector.broadcast %add3A_1753 : i32 to vector<16xi32>
      %add3A_1755 = arith.addi %get3A_828, %add3A_1754 : vector<16xi32>
      %swap3A_1756 = arith.constant 1 : i32
      %swap3A_1757 = arith.index_cast %swap3A_1756 : i32 to index
      %swap3A_1758 = arith.constant 112 : index
      %swap3A_1759 = tpu.vector_load %arg10[%swap3A_1757, %swap3A_1758] {strides = array<i32>} : memref<2x128xi32, #tpu.memory_space<vmem>>, vector<1x16xi32>,
      %swap3A_1760 = vector.shape_cast %swap3A_1759 : vector<1x16xi32> to vector<16xi32>
      %swap3A_1761 = vector.shape_cast %add3A_1755 : vector<16xi32> to vector<1x16xi32>
      tpu.vector_store %arg10[%swap3A_1757, %swap3A_1758], %swap3A_1761 {strides = array<i32>} : memref<2x128xi32, #tpu.memory_space<vmem>>, vector<1x16xi32>,
      %dma_start3A_1762 = arith.constant 0 : i32
      %dma_start3A_1763 = arith.constant 0 : i32
      %dma_start3A_1764 = arith.constant 0 : i32
      %dma_start3A_1765 = tpu.memref_slice %arg11[%dma_start3A_1763, %dma_start3A_1764] : memref<2x128xf32, #tpu.memory_space<vmem>> -> memref<1x128xf32, #tpu.memory_space<vmem>>
      %dma_start3A_1766 = tpu.memref_squeeze %dma_start3A_1765 : memref<1x128xf32, #tpu.memory_space<vmem>> -> memref<128xf32, #tpu.memory_space<vmem>>
      %dma_start3A_1767 = arith.constant 0 : i32
      %dma_start3A_1768 = tpu.memref_slice %arg10[%dma_start3A_1762, %dma_start3A_1767] : memref<2x128xi32, #tpu.memory_space<vmem>> -> memref<1x128xi32, #tpu.memory_space<vmem>>
      %dma_start3A_1769 = tpu.memref_squeeze %dma_start3A_1768 : memref<1x128xi32, #tpu.memory_space<vmem>> -> memref<128xi32, #tpu.memory_space<vmem>>
      %dma_start3A_1770 = arith.constant 0 : i32
      %dma_start3A_1771 = tpu.memref_slice %arg4[%dma_start3A_1770] : memref<1179648xf32, #tpu.memory_space<hbm>> -> memref<1179648xf32, #tpu.memory_space<hbm>>
      tpu.enqueue_indirect_dma source(%dma_start3A_1771 : memref<1179648xf32, #tpu.memory_space<hbm>>) target(%dma_start3A_1766 : memref<128xf32, #tpu.memory_space<vmem>>) offsets(%dma_start3A_1769 : memref<128xi32, #tpu.memory_space<vmem>>) semaphore(%arg12 : memref<!tpu.dma_semaphore, #tpu.memory_space<semaphore_mem>>)
      %dma_start3A_1772 = arith.constant 1 : i32
      %dma_start3A_1773 = arith.constant 1 : i32
      %dma_start3A_1774 = arith.constant 0 : i32
      %dma_start3A_1775 = tpu.memref_slice %arg11[%dma_start3A_1773, %dma_start3A_1774] : memref<2x128xf32, #tpu.memory_space<vmem>> -> memref<1x128xf32, #tpu.memory_space<vmem>>
      %dma_start3A_1776 = tpu.memref_squeeze %dma_start3A_1775 : memref<1x128xf32, #tpu.memory_space<vmem>> -> memref<128xf32, #tpu.memory_space<vmem>>
      %dma_start3A_1777 = arith.constant 0 : i32
      %dma_start3A_1778 = tpu.memref_slice %arg10[%dma_start3A_1772, %dma_start3A_1777] : memref<2x128xi32, #tpu.memory_space<vmem>> -> memref<1x128xi32, #tpu.memory_space<vmem>>
      %dma_start3A_1779 = tpu.memref_squeeze %dma_start3A_1778 : memref<1x128xi32, #tpu.memory_space<vmem>> -> memref<128xi32, #tpu.memory_space<vmem>>
      %dma_start3A_1780 = arith.constant 0 : i32
      %dma_start3A_1781 = tpu.memref_slice %arg4[%dma_start3A_1780] : memref<1179648xf32, #tpu.memory_space<hbm>> -> memref<1179648xf32, #tpu.memory_space<hbm>>
      tpu.enqueue_indirect_dma source(%dma_start3A_1781 : memref<1179648xf32, #tpu.memory_space<hbm>>) target(%dma_start3A_1776 : memref<128xf32, #tpu.memory_space<vmem>>) offsets(%dma_start3A_1779 : memref<128xi32, #tpu.memory_space<vmem>>) semaphore(%arg12 : memref<!tpu.dma_semaphore, #tpu.memory_space<semaphore_mem>>)
      %dma_wait3A_1782 = arith.constant 0 : i32
      %dma_wait3A_1783 = arith.constant 0 : i32
      %dma_wait3A_1784 = arith.constant 0 : i32
      %dma_wait3A_1785 = tpu.memref_slice %arg11[%dma_wait3A_1783, %dma_wait3A_1784] : memref<2x128xf32, #tpu.memory_space<vmem>> -> memref<1x128xf32, #tpu.memory_space<vmem>>
      %dma_wait3A_1786 = tpu.memref_squeeze %dma_wait3A_1785 : memref<1x128xf32, #tpu.memory_space<vmem>> -> memref<128xf32, #tpu.memory_space<vmem>>
      %dma_wait3A_1787 = arith.constant 0 : i32
      %dma_wait3A_1788 = tpu.memref_slice %arg10[%dma_wait3A_1782, %dma_wait3A_1787] : memref<2x128xi32, #tpu.memory_space<vmem>> -> memref<1x128xi32, #tpu.memory_space<vmem>>
      %dma_wait3A_1789 = tpu.memref_squeeze %dma_wait3A_1788 : memref<1x128xi32, #tpu.memory_space<vmem>> -> memref<128xi32, #tpu.memory_space<vmem>>
      %dma_wait3A_1790 = arith.constant 0 : i32
      %dma_wait3A_1791 = tpu.memref_slice %arg4[%dma_wait3A_1790] : memref<1179648xf32, #tpu.memory_space<hbm>> -> memref<1179648xf32, #tpu.memory_space<hbm>>
      tpu.wait_indirect_dma semaphore(%arg12 : memref<!tpu.dma_semaphore, #tpu.memory_space<semaphore_mem>>) src(%dma_wait3A_1791 : memref<1179648xf32, #tpu.memory_space<hbm>>) dst(%dma_wait3A_1786 : memref<128xf32, #tpu.memory_space<vmem>>)
      %dma_wait3A_1792 = arith.constant 1 : i32
      %dma_wait3A_1793 = arith.constant 1 : i32
      %dma_wait3A_1794 = arith.constant 0 : i32
      %dma_wait3A_1795 = tpu.memref_slice %arg11[%dma_wait3A_1793, %dma_wait3A_1794] : memref<2x128xf32, #tpu.memory_space<vmem>> -> memref<1x128xf32, #tpu.memory_space<vmem>>
      %dma_wait3A_1796 = tpu.memref_squeeze %dma_wait3A_1795 : memref<1x128xf32, #tpu.memory_space<vmem>> -> memref<128xf32, #tpu.memory_space<vmem>>
      %dma_wait3A_1797 = arith.constant 0 : i32
      %dma_wait3A_1798 = tpu.memref_slice %arg10[%dma_wait3A_1792, %dma_wait3A_1797] : memref<2x128xi32, #tpu.memory_space<vmem>> -> memref<1x128xi32, #tpu.memory_space<vmem>>
      %dma_wait3A_1799 = tpu.memref_squeeze %dma_wait3A_1798 : memref<1x128xi32, #tpu.memory_space<vmem>> -> memref<128xi32, #tpu.memory_space<vmem>>
      %dma_wait3A_1800 = arith.constant 0 : i32
      %dma_wait3A_1801 = tpu.memref_slice %arg4[%dma_wait3A_1800] : memref<1179648xf32, #tpu.memory_space<hbm>> -> memref<1179648xf32, #tpu.memory_space<hbm>>
      tpu.wait_indirect_dma semaphore(%arg12 : memref<!tpu.dma_semaphore, #tpu.memory_space<semaphore_mem>>) src(%dma_wait3A_1801 : memref<1179648xf32, #tpu.memory_space<hbm>>) dst(%dma_wait3A_1796 : memref<128xf32, #tpu.memory_space<vmem>>)
      %run_scoped3A_1802 = arith.constant 1 : i32
      "tpu.region"() ({
        %run_scoped3A_1803 = tpu.sem_alloc : memref<!tpu.dma_semaphore, #tpu.memory_space<semaphore_mem>>
        %dma_start3A_1804 = arith.constant 0 : i32
        %dma_start3A_1805 = arith.constant 0 : i32
        %dma_start3A_1806 = tpu.memref_slice %arg6[%run_scoped3A_1802, %dma_start3A_1804, %dma_start3A_1805] : memref<2x2x128xf32, #tpu.memory_space<hbm>> -> memref<1x2x128xf32, #tpu.memory_space<hbm>>
        %dma_start3A_1807 = tpu.memref_squeeze %dma_start3A_1806 : memref<1x2x128xf32, #tpu.memory_space<hbm>> -> memref<2x128xf32, #tpu.memory_space<hbm>>
        %dma_start3A_1808 = arith.constant 0 : i32
        %dma_start3A_1809 = arith.constant 0 : i32
        %dma_start3A_1810 = tpu.memref_slice %arg6[%run_scoped3A_1802, %dma_start3A_1808, %dma_start3A_1809] : memref<2x2x128xf32, #tpu.memory_space<hbm>> -> memref<1x2x128xf32, #tpu.memory_space<hbm>>
        %dma_start3A_1811 = tpu.memref_squeeze %dma_start3A_1810 : memref<1x2x128xf32, #tpu.memory_space<hbm>> -> memref<2x128xf32, #tpu.memory_space<hbm>>
        tpu.enqueue_dma source(%arg11 : memref<2x128xf32, #tpu.memory_space<vmem>>) target(%dma_start3A_1811 : memref<2x128xf32, #tpu.memory_space<hbm>>) target_semaphore(%run_scoped3A_1803 : memref<!tpu.dma_semaphore, #tpu.memory_space<semaphore_mem>>)
        %dma_wait3A_1812 = arith.constant 0 : i32
        %dma_wait3A_1813 = arith.constant 0 : i32
        %dma_wait3A_1814 = tpu.memref_slice %arg6[%run_scoped3A_1802, %dma_wait3A_1812, %dma_wait3A_1813] : memref<2x2x128xf32, #tpu.memory_space<hbm>> -> memref<1x2x128xf32, #tpu.memory_space<hbm>>
        %dma_wait3A_1815 = tpu.memref_squeeze %dma_wait3A_1814 : memref<1x2x128xf32, #tpu.memory_space<hbm>> -> memref<2x128xf32, #tpu.memory_space<hbm>>
        %dma_wait3A_1816 = arith.constant 0 : i32
        %dma_wait3A_1817 = arith.constant 0 : i32
        %dma_wait3A_1818 = tpu.memref_slice %arg6[%run_scoped3A_1802, %dma_wait3A_1816, %dma_wait3A_1817] : memref<2x2x128xf32, #tpu.memory_space<hbm>> -> memref<1x2x128xf32, #tpu.memory_space<hbm>>
        %dma_wait3A_1819 = tpu.memref_squeeze %dma_wait3A_1818 : memref<1x2x128xf32, #tpu.memory_space<hbm>> -> memref<2x128xf32, #tpu.memory_space<hbm>>
        tpu.wait_dma2 semaphore(%run_scoped3A_1803 : memref<!tpu.dma_semaphore, #tpu.memory_space<semaphore_mem>>) src(%arg11 : memref<2x128xf32, #tpu.memory_space<vmem>>) dst(%dma_wait3A_1819 : memref<2x128xf32, #tpu.memory_space<hbm>>)
        tpu.yield
      }) : () -> ()
    } else {
    }
    return
  }
}

</mosaic_0001>

<sc_bundles>
// kernel: kernel.3.cloned.1.call-start
scs
__scs_entry_jumppad:
0x0: {  	(pc) =	sbr.rel $0x88, $3  }
0x1: {  	(tag) =	ssettag $0x0;
	lr =	simm.s32 $0x1  }
0x2: {  	[smem:$0x3F9E] =	sst lr;
	_ =	strace $0xD0000000  }
0x3: {  	_ = 	snop  }
0x4: {  	_ = 	snop  }
0x5: {  	_ = 	snop  }
0x6: {  	_ = 	snop  }
0x7: {  	_ = 	snop  }
__scs_overlays_trampoline_lowered:
0x8: {  	[smem:$0x3FAD] =	sst s0  }
0x9: {  	[smem:$0x3FAE] =	sst s1  }
0xa: {  	[smem:$0x3FAF] =	sst s2  }
0xb: {  	[smem:$0x3FB0] =	sst s3  }
0xc: {  	[smem:$0x3FB1] =	sst s4  }
0xd: {  	[smem:$0x3FB2] =	sst s5  }
0xe: {  	[smem:$0x3FB3] =	sst s6  }
0xf: {  	[smem:$0x3FB4] =	sst s7  }
0x10: {  	[smem:$0x3FB5] =	sst s8  }
0x11: {  	[smem:$0x3FB6] =	sst s9;
	s0 =	simm.s32 @!p0 $0x0  }
0x12: {  	s1 =	sld [smem:$0x3F9C];
	s0 =	simm.s32 @p0 $0x1  }
0x13: {  	[smem:$0x3FB7] =	sst s0;
	s0 =	simm.s32 @!p1 $0x0  }
0x14: {  	s2 =	sld [smem:$0x3F9B];
	s0 =	simm.s32 @p1 $0x1  }
0x15: {  	[smem:$0x3FB8] =	sst s0;
	s0 =	simm.s32 @!p2 $0x0  }
0x16: {  	s3 =	sld [smem:$0x3FDB];
	s0 =	simm.s32 @p2 $0x1  }
0x17: {  	s4 =	simm.s32 $0x1BF5;
	[smem:$0x3FBA] =	sst s0  }
0x18: {  	s0 =	sld [smem:$0x3F9D];
	_ =	swait.ge [sflag:s4], $0x0  }
0x19: {  	s7 =	sld [smem:$0x3F9E]  }
0x1a: {  	s8 =	sadd.s32 $0xFFFFE003, lr  }
0x1b: {  	s9 =	sadd.s32 $0xFFFFFEF7, lr;
	s5 =	simm.s32 $0xFFFFFFFF;
	p2 =	slt.u32 s8, $0xFFFFF086  }
0x1c: {  	p1 =	slt.u32 s9, $0xF7A;
	s5 =	simm.s32 @!p2 $0x0  }
0x1d: {  	s5 =	simm.s32 @p1 $0x1;
	p0 =	seq.s32 s7, s2  }
0x1e: {  	s7 =	smul.u32 @!p0 $0xF7A, s2;
	p2 =	seq.s32 @!p0 s5, $0x0  }
0x1f: {  	s9 =	smul.u32 $0xF7A, s1;
	s8 =	simm.s32 @!p0 $0x1BF5;
	p2 =	por !p2, p0  }
0x20: {  	[sflag:s8] =	ssyncset.s32 @!p0 $0xFFFFF086;
	s6 =	sadd.s32 @!p0 s3, s7;
	s7 =	simm.s32 @!p0 $0x108  }
0x21: {  	s3 =	sadd.s32 s3, s9;
	s6 =	sadd.s32 @!p0 $0x88, s6;
	s7 =	simm.s32 @p2 $0x1082  }
0x22: {  	[simem:s7], [sflag:s8] =	dma.local @!p0 [hbm:s6], $0xF7A  }
0x23: {  	s9 =	sor.u32 $0xD0000000, s2;
	s6 =	simm.s32 $0x108;
	_ =	swait.ge @!p0 [sflag:s8], $0x0  }
0x24: {  	s3 =	sadd.s32 $0x88, s3;
	s6 =	simm.s32 @!p1 $0x1082;
	[sflag:s4] =	ssyncset.s32 $0xFFFFF086  }
0x25: {  	[simem:s6], [sflag:s4] =	dma.local [hbm:s3], $0xF7A  }
0x26: {  	[smem:$0x3F9E] =	sst s1;
	(tag) =	ssettag s2;
	_ =	strace s9  }
0x27: {  	s1 =	sld [smem:$0x3FAE]  }
0x28: {  	s2 =	sld [smem:$0x3FAF]  }
0x29: {  	s4 =	sld [smem:$0x3FB1]  }
0x2a: {  	p0 =	seq.s32 s5, $0x0;
	s5 =	sld [smem:$0x3FB2]  }
0x2b: {  	s6 =	sld [smem:$0x3FB3]  }
0x2c: {  	s7 =	sld [smem:$0x3FB4]  }
0x2d: {  	s3 =	simm.s32 $0x108;
	s8 =	sld [smem:$0x3FB5]  }
0x2e: {  	s3 =	simm.s32 @!p0 $0x1082;
	s9 =	sld [smem:$0x3FB6]  }
0x2f: {  	lr =	sadd.s32 s0, s3;
	s0 =	sld [smem:$0x3FAD]  }
0x30: {  	s3 =	sld [smem:$0x3FB0]  }
0x31: {  	[smem:$0x3FB9] =	sst s10  }
0x32: {  	s10 =	sld [smem:$0x3FB7];
	_ =	sdelay $0x3  }
0x33: {  	p0 =	seq.s32 s10, $0x1;
	s10 =	sld [smem:$0x3FB9];
	_ =	sdelay $0x3  }
0x34: {  	[smem:$0x3FB9] =	sst s10  }
0x35: {  	s10 =	sld [smem:$0x3FB8];
	_ =	sdelay $0x3  }
0x36: {  	p1 =	seq.s32 s10, $0x1;
	s10 =	sld [smem:$0x3FB9];
	_ =	sdelay $0x3  }
0x37: {  	[smem:$0x3FB9] =	sst s10  }
0x38: {  	s10 =	sld [smem:$0x3FBA]  }
0x39: {  	_ = 	snop;
	(pc) =	sbr.ind lr, $3  }
0x3a: {  	_ = 	snop  }
0x3b: {  	_ = 	snop  }
0x3c: {  	p2 =	seq.s32 s10, $0x1;
	s10 =	sld [smem:$0x3FB9]  }
0x3d: {  	_ =	shalt  }
0x3e: {  	_ =	shalt  }
0x3f: {  	_ =	shalt  }
0x40: {  	_ =	shalt  }
0x41: {  	_ =	shalt  }
0x42: {  	_ =	shalt  }
0x43: {  	_ =	shalt  }
0x44: {  	_ =	shalt  }
0x45: {  	_ =	shalt  }
0x46: {  	_ =	shalt  }
0x47: {  	_ =	shalt  }
0x48: {  	_ =	shalt  }
0x49: {  	_ =	shalt  }
0x4a: {  	_ =	shalt  }
0x4b: {  	_ =	shalt  }
0x4c: {  	_ =	shalt  }
0x4d: {  	_ =	shalt  }
0x4e: {  	_ =	shalt  }
0x4f: {  	_ =	shalt  }
0x50: {  	_ =	shalt  }
0x51: {  	_ =	shalt  }
0x52: {  	_ =	shalt  }
0x53: {  	_ =	shalt  }
0x54: {  	_ =	shalt  }
0x55: {  	_ =	shalt  }
0x56: {  	_ =	shalt  }
0x57: {  	_ =	shalt  }
0x58: {  	_ =	shalt  }
0x59: {  	_ =	shalt  }
0x5a: {  	_ =	shalt  }
0x5b: {  	_ =	shalt  }
0x5c: {  	_ =	shalt  }
0x5d: {  	_ =	shalt  }
0x5e: {  	_ =	shalt  }
0x5f: {  	_ =	shalt  }
0x60: {  	_ =	shalt  }
0x61: {  	_ =	shalt  }
0x62: {  	_ =	shalt  }
0x63: {  	_ =	shalt  }
0x64: {  	_ =	shalt  }
0x65: {  	_ =	shalt  }
0x66: {  	_ =	shalt  }
0x67: {  	_ =	shalt  }
0x68: {  	_ =	shalt  }
0x69: {  	_ =	shalt  }
0x6a: {  	_ =	shalt  }
0x6b: {  	_ =	shalt  }
0x6c: {  	_ =	shalt  }
0x6d: {  	_ =	shalt  }
0x6e: {  	_ =	shalt  }
0x6f: {  	_ =	shalt  }
0x70: {  	_ =	shalt  }
0x71: {  	_ =	shalt  }
0x72: {  	_ =	shalt  }
0x73: {  	_ =	shalt  }
0x74: {  	_ =	shalt  }
0x75: {  	_ =	shalt  }
0x76: {  	_ =	shalt  }
0x77: {  	_ =	shalt  }
0x78: {  	_ =	shalt  }
0x79: {  	_ =	shalt  }
0x7a: {  	_ =	shalt  }
0x7b: {  	_ =	shalt  }
0x7c: {  	_ =	shalt  }
0x7d: {  	_ =	shalt  }
0x7e: {  	_ =	shalt  }
0x7f: {  	_ =	shalt  }
0x80: {  	_ =	shalt  }
0x81: {  	_ =	shalt  }
0x82: {  	_ =	shalt  }
0x83: {  	_ =	shalt  }
0x84: {  	_ =	shalt  }
0x85: {  	_ =	shalt  }
0x86: {  	_ =	shalt  }
0x87: {  	_ =	shalt  }
.Lfunc_end0:
.L_simem_size_0:
called_computation_lowered:
.L_overlay_start_0:
0x88: {  	s0 =	sld [smem:$0x3FD9]  }
0x89: {  	s1 =	sld [smem:$0x3FFE];
	_ =	sdelay $0x3  }
0x8a: {  	s0 =	sadd.s32 s1, s0  }
0x8b: {  	[smem:$0x3FC5] =	sst s0  }
0x8c: {  	_ = 	snop  }
0x8d: {  	s0 =	sld [smem:$0x3FD0];
	_ =	sdelay $0x2  }
0x8e: {  	s13 =	simm.s32 $0xA;
	s2 =	simm.s32 $0x10  }
0x8f: {  	[smem:s2], [sflag:s13] =	dma.local [hbm:s0], $0x1  }
0x90: {  	_ =	swait.eq [sflag:s13], $0x1  }
0x91: {  	s14 =	sld [smem:$0x10];
	[sflag:s13] =	ssyncset.done $0x0  }
0x92: {  	s15 =	sld [smem:$0x12];
	[sflag:s13] =	ssyncadd.s32 $0xFFFFFFFF  }
0x93: {  	s16 =	sld [smem:$0x13];
	(tm) =	ssettm $0x1  }
0x94: {  	s3 =	sld [smem:$0x3FFB];
	_ =	sdelay $0x3  }
0x95: {  	_ =	strace s3  }
0x96: {  	s3 =	sld [smem:$0x3FFC];
	_ =	sdelay $0x3  }
0x97: {  	_ =	strace s3  }
0x98: {  	s3 =	sld [smem:$0x3FFD];
	_ =	sdelay $0x3  }
0x99: {  	_ =	strace s3  }
0x9a: {  	_ =	strace $0x8FFFFFFF  }
0x9b: {  	s17 =	sld [smem:$0x3FDB];
	_ =	sdelay $0x1  }
0x9c: {  	s4 =	simm.s32 $_scs_section_size  }
0x9d: {  	s5 =	simm.s32 $_size__tile_overlayer_lowered;
	s6 =	simm.s32 $_tile_overlayer_lowered  }
0x9e: {  	s20 =	simm.s32 $0x1BFF;
	s19 =	sshll.u32 s6, $0x1;
	s3 =	sadd.s32 s4, s17  }
0x9f: {  	s7 =	simm.s32 $0x0;
	s18 =	sshll.u32 s5, $0x1;
	s5 =	sadd.s32 s19, s3  }
0xa0: {  	[timem:s7], [sflag:s20] =	dma.local [hbm:s5], s18  }
0xa1: {  	_ =	swait.ge [sflag:s20], s18  }
0xa2: {  	s4 =	ssub.s32 $0x0, s18;
	[sflag:s20] =	ssyncset.done $0x0  }
0xa3: {  	[sflag:s20] =	ssyncadd.s32 s4;
	_ =	sdelay $0x1  }
0xa4: {  	s21 =	simm.s32 $0x1B8B  }
0xa5: {  	_ =	swait.ge [sflag:s21], $0x1  }
0xa6: {  	[sflag:s21] =	ssyncset.done $0x0  }
0xa7: {  	s23 =	simm.s32 $0x1B8E;
	s22 =	sld [smem:$0x3FFE];
	[sflag:s21] =	ssyncadd.s32 $0xFFFFFFFF  }
0xa8: {  	s24 =	simm.s32 $execute0_lowered;
	[smem:$0x3FD2] =	sst s23  }
0xa9: {  	s5 =	sshll.u32 s24, $0x1;
	_ =	strace $0x80000046;
	[dreg:$0x1] =	wrdreg $0xFFFFFFFF  }
0xaa: {  	s25 =	simm.s32 $_size_execute0_lowered;
	s3 =	sadd.s32 s3, s5;
	[dreg:$0x0] =	wrdreg $0x0  }
0xab: {  	s5 =	sshll.u32 s25, $0x1;
	[dreg:$0x2] =	wrdreg s3  }
0xac: {  	[dreg:$0x3] =	wrdreg s5  }
0xad: {  	[dreg:$0x4] =	wrdreg $0xC0  }
0xae: {  	_ =	task [dreg:s7], $0x5FFFF  }
0xaf: {  	[dreg:$0x1] =	wrdreg $0xFFFFFFFF  }
0xb0: {  	[dreg:$0x0] =	wrdreg $0x60  }
0xb1: {  	[dreg:$0x2] =	wrdreg s14  }
0xb2: {  	[dreg:$0x3] =	wrdreg s22  }
0xb3: {  	[dreg:$0x4] =	wrdreg s16  }
0xb4: {  	[dreg:$0x5] =	wrdreg s15  }
0xb5: {  	[dreg:$0x6] =	wrdreg $0x9  }
0xb6: {  	_ =	task.clear_ibuf [dreg:s7], $0x7FFFF;
	_ =	strace $0x90000046  }
0xb7: {  	s26 =	simm.s32 $0x9;
	_ =	strace $0x80000048  }
0xb8: {  	_ =	swait.ge [sflag:s26], $0x1  }
0xb9: {  	[sflag:s26] =	ssyncadd.s32 $0xFFFFFFFF  }
0xba: {  	_ =	strace $0x90000048  }
0xbb: {  	_ =	sfence  }
0xbc: {  	s28 =	sld [smem:$0x0];
	_ =	sdelay $0x1  }
0xbd: {  	s29 =	srdreg.scid  }
0xbe: {  	s30 =	sshll.u32 s29, $0xD;
	s31 =	sshrl.u32 s29, $0x2  }
0xbf: {  	s1 =	sand.u32 $0x1, s29;
	s2 =	sand.u32 $0x4000, s30;
	s0 =	sadd.s32 s31, s28  }
0xc0: {  	s1 =	sor.u32 s2, s1;
	s0 =	sshll.u32 s0, $0x11  }
0xc1: {  	s0 =	sor.u32 s0, s1  }
0xc2: {  	s0 =	sadd.s32 $0x8F2B, s0  }
0xc3: {  	[sflag:s0] =	ssyncadd.remote.s32 $0x1  }
0xc4: {  	_ =	sfence.sel $0xFFFF  }
0xc5: {  	[dreg:$0x0] =	wrdreg $0xFFFFFFFF;
	(pc) =	sbr.abs _section_cstart, $3  }
0xc6: {  	[dreg:$0x1] =	wrdreg $0xFFFFFFFF  }
0xc7: {  	_ =	task.clear_ibuf [dreg:s7], $0x2FFFF;
	_ =	strace $0x9FFFFFFF  }
0xc8: {  	(tm) =	ssettm $0x7FFFFFFF  }
0xc9: {  	_ =	shalt  }
tec
execute0_lowered:
.L_overlay_start_1:
0x0: {  	(tag) =	ssettag $0x1  }
0x1: {  	s1 =	rddreg [dreg:$0x0]  }
0x2: {  	s0 =	rddreg [dreg:$0x1]  }
0x3: {  	s13 =	rddreg [dreg:$0x2];
	s2 =	simm.s32 $0x0  }
0x4: {  	[smem:$0x7FF] =	sst s2  }
0x5: {  	s21 =	rddreg [dreg:$0x3];
	s3 =	simm.s32 $0x2;
	_ =	strace $0x80000047  }
0x6: {  	[tilespmem:s2], [sflag:$0x2] =	stream.linear.gather [hbm4b:s1+s2], $0x80, $0x38;
	[tilespmem:$0xA80] =	vst v63  }
0x7: {  	_ =	swait.ge [sflag:s3], $0x80  }
0x8: {  	[sflag:s3] =	ssyncset.done $0x0  }
0x9: {  	[sflag:s3] =	ssyncadd.s32 $0xFFFFFF80  }
0xa: {  	v7 =	vld [tilespmem:$0x0]  }
0xb: {  	v4 =	vld [tilespmem:$0x10]  }
0xc: {  	s17 =	stileid.u32;
	v5 =	vld [tilespmem:$0x20]  }
0xd: {  	s4 =	smul.u32 $0x120000, s17;
	v6 =	vld [tilespmem:$0x30]  }
0xe: {  	v3 =	vld [tilespmem:$0x40]  }
0xf: {  	v0 =	vld [tilespmem:$0x50];
	v2 =	vadd.s32 s4, v7  }
0x10: {  	v1 =	vld [tilespmem:$0x60];
	v8 =	vadd.s32 s4, v4;
	[tilespmem:$0x80] =	vst v2  }
0x11: {  	v37 =	vadd.s32 s4, v5;
	[tilespmem:$0x90] =	vst v8  }
0x12: {  	v38 =	vadd.s32 s4, v6;
	[tilespmem:$0xA0] =	vst v37  }
0x13: {  	v39 =	vadd.s32 s4, v3;
	[tilespmem:$0xB0] =	vst v38  }
0x14: {  	v40 =	vadd.s32 s4, v0;
	[tilespmem:$0xC0] =	vst v39  }
0x15: {  	s12 =	sadd.s32 $0x24000, s4;
	v41 =	vadd.s32 s4, v1;
	[tilespmem:$0xD0] =	vst v40  }
0x16: {  	v43 =	vadd.s32 s12, v7;
	[tilespmem:$0xE0] =	vst v41  }
0x17: {  	v44 =	vadd.s32 s12, v4;
	[tilespmem:$0x100] =	vst v43  }
0x18: {  	v45 =	vadd.s32 s12, v5;
	[tilespmem:$0x110] =	vst v44  }
0x19: {  	v46 =	vadd.s32 s12, v6;
	[tilespmem:$0x120] =	vst v45  }
0x1a: {  	v47 =	vadd.s32 s12, v3;
	[tilespmem:$0x130] =	vst v46  }
0x1b: {  	v48 =	vadd.s32 s12, v0;
	[tilespmem:$0x140] =	vst v47  }
0x1c: {  	s5 =	sadd.s32 $0x48000, s4;
	v49 =	vadd.s32 s12, v1;
	[tilespmem:$0x150] =	vst v48  }
0x1d: {  	v51 =	vadd.s32 s5, v7;
	[tilespmem:$0x160] =	vst v49  }
0x1e: {  	v52 =	vadd.s32 s5, v4;
	[tilespmem:$0x180] =	vst v51  }
0x1f: {  	v53 =	vadd.s32 s5, v5;
	[tilespmem:$0x190] =	vst v52  }
0x20: {  	v54 =	vadd.s32 s5, v6;
	[tilespmem:$0x1A0] =	vst v53  }
0x21: {  	v55 =	vadd.s32 s5, v3;
	[tilespmem:$0x1B0] =	vst v54  }
0x22: {  	v56 =	vadd.s32 s5, v0;
	[tilespmem:$0x1C0] =	vst v55  }
0x23: {  	s14 =	sadd.s32 $0x6C000, s4;
	v57 =	vadd.s32 s5, v1;
	[tilespmem:$0x1D0] =	vst v56  }
0x24: {  	v59 =	vadd.s32 s14, v7;
	[tilespmem:$0x1E0] =	vst v57  }
0x25: {  	v60 =	vadd.s32 s14, v4;
	[tilespmem:$0x200] =	vst v59  }
0x26: {  	v61 =	vadd.s32 s14, v5;
	[tilespmem:$0x210] =	vst v60  }
0x27: {  	v62 =	vadd.s32 s14, v6;
	[tilespmem:$0x220] =	vst v61  }
0x28: {  	v63 =	vadd.s32 s14, v3;
	[tilespmem:$0x230] =	vst v62  }
0x29: {  	v12 =	vadd.s32 s14, v0;
	[tilespmem:$0x240] =	vst v63  }
0x2a: {  	s15 =	sadd.s32 $0x90000, s4;
	v13 =	vadd.s32 s14, v1;
	[tilespmem:$0x250] =	vst v12  }
0x2b: {  	v15 =	vadd.s32 s15, v7;
	[tilespmem:$0x260] =	vst v13  }
0x2c: {  	v16 =	vadd.s32 s15, v4;
	[tilespmem:$0x280] =	vst v15  }
0x2d: {  	v17 =	vadd.s32 s15, v5;
	[tilespmem:$0x290] =	vst v16  }
0x2e: {  	v18 =	vadd.s32 s15, v6;
	[tilespmem:$0x2A0] =	vst v17  }
0x2f: {  	v19 =	vadd.s32 s15, v3;
	[tilespmem:$0x2B0] =	vst v18  }
0x30: {  	v20 =	vadd.s32 s15, v0;
	[tilespmem:$0x2C0] =	vst v19  }
0x31: {  	s16 =	sadd.s32 $0xB4000, s4;
	v21 =	vadd.s32 s15, v1;
	[tilespmem:$0x2D0] =	vst v20  }
0x32: {  	v23 =	vadd.s32 s16, v7;
	[tilespmem:$0x2E0] =	vst v21  }
0x33: {  	v24 =	vadd.s32 s16, v4;
	[tilespmem:$0x300] =	vst v23  }
0x34: {  	v25 =	vadd.s32 s16, v5;
	[tilespmem:$0x310] =	vst v24  }
0x35: {  	v26 =	vadd.s32 s16, v6;
	[tilespmem:$0x320] =	vst v25  }
0x36: {  	v27 =	vadd.s32 s16, v3;
	[tilespmem:$0x330] =	vst v26  }
0x37: {  	v28 =	vadd.s32 s16, v0;
	[tilespmem:$0x340] =	vst v27  }
0x38: {  	s18 =	sadd.s32 $0xD8000, s4;
	v29 =	vadd.s32 s16, v1;
	[tilespmem:$0x350] =	vst v28  }
0x39: {  	v31 =	vadd.s32 s18, v7;
	[tilespmem:$0x360] =	vst v29  }
0x3a: {  	v32 =	vadd.s32 s18, v4;
	[tilespmem:$0x380] =	vst v31  }
0x3b: {  	v33 =	vadd.s32 s18, v5;
	[tilespmem:$0x390] =	vst v32  }
0x3c: {  	v34 =	vadd.s32 s18, v6;
	[tilespmem:$0x3A0] =	vst v33  }
0x3d: {  	v35 =	vadd.s32 s18, v3;
	[tilespmem:$0x3B0] =	vst v34  }
0x3e: {  	v36 =	vadd.s32 s18, v0;
	[tilespmem:$0x3C0] =	vst v35  }
0x3f: {  	s19 =	sadd.s32 $0xFC000, s4;
	[tilespmem:$0x3D0] =	vst v36;
	v37 =	vadd.s32 s18, v1  }
0x40: {  	v39 =	vadd.s32 s19, v7;
	[tilespmem:$0x3E0] =	vst v37  }
0x41: {  	v2 =	vld [tilespmem:$0x70];
	v40 =	vadd.s32 s19, v4;
	[tilespmem:$0x400] =	vst v39  }
0x42: {  	v41 =	vadd.s32 s19, v5;
	[tilespmem:$0x410] =	vst v40  }
0x43: {  	v43 =	vadd.s32 s19, v3;
	[tilespmem:$0x420] =	vst v41  }
0x44: {  	v44 =	vadd.s32 s19, v0;
	[tilespmem:$0x440] =	vst v43  }
0x45: {  	v45 =	vadd.s32 s19, v1;
	[tilespmem:$0x450] =	vst v44  }
0x46: {  	[tilespmem:$0x460] =	vst v45;
	v42 =	vadd.s32 s4, v2  }
0x47: {  	v50 =	vadd.s32 s12, v2;
	[tilespmem:$0xF0] =	vst v42  }
0x48: {  	v58 =	vadd.s32 s5, v2;
	[tilespmem:$0x170] =	vst v50  }
0x49: {  	v14 =	vadd.s32 s14, v2;
	[tilespmem:$0x1F0] =	vst v58  }
0x4a: {  	v22 =	vadd.s32 s15, v2;
	[tilespmem:$0x270] =	vst v14  }
0x4b: {  	v30 =	vadd.s32 s16, v2;
	[tilespmem:$0x2F0] =	vst v22  }
0x4c: {  	v38 =	vadd.s32 s18, v2;
	[tilespmem:$0x370] =	vst v30  }
0x4d: {  	v46 =	vadd.s32 s19, v2;
	[tilespmem:$0x3F0] =	vst v38  }
0x4e: {  	v42 =	vadd.s32 s19, v6;
	[tilespmem:$0x470] =	vst v46  }
0x4f: {  	s14 =	sadd.s32 $0xC00, s0;
	s15 =	simm.s32 $0x80;
	s12 =	simm.s32 $0x480;
	[tilespmem:$0x430] =	vst v42  }
0x50: {  	[tilespmem:s12], [sflag:$0x1] =	stream.indirect.gather [hbm4b:s14+s15], $0x1, s15, s15, $0xb8;
	[tilespmem:$0xA80] =	vst v63  }
0x51: {  	s20 =	simm.s32 $0x100;
	s11 =	simm.s32 $0x500  }
0x52: {  	[tilespmem:s11], [sflag:$0x1] =	stream.indirect.gather [hbm4b:s14+s15], $0x1, s20, s15, $0xb8;
	[tilespmem:$0xA80] =	vst v63  }
0x53: {  	s22 =	simm.s32 $0x180;
	s10 =	simm.s32 $0x580  }
0x54: {  	[tilespmem:s10], [sflag:$0x1] =	stream.indirect.gather [hbm4b:s14+s15], $0x1, s22, s15, $0xb8;
	[tilespmem:$0xA80] =	vst v63  }
0x55: {  	s9 =	simm.s32 $0x600;
	s22 =	simm.s32 $0x200  }
0x56: {  	[tilespmem:s9], [sflag:$0x1] =	stream.indirect.gather [hbm4b:s14+s15], $0x1, s22, s15, $0xb8;
	[tilespmem:$0xA80] =	vst v63  }
0x57: {  	s24 =	simm.s32 $0x280;
	s8 =	simm.s32 $0x680  }
0x58: {  	[tilespmem:s8], [sflag:$0x1] =	stream.indirect.gather [hbm4b:s14+s15], $0x1, s24, s15, $0xb8;
	[tilespmem:$0xA80] =	vst v63  }
0x59: {  	s28 =	simm.s32 $0x300;
	s7 =	simm.s32 $0x700  }
0x5a: {  	[tilespmem:s7], [sflag:$0x1] =	stream.indirect.gather [hbm4b:s14+s15], $0x1, s28, s15, $0xb8;
	[tilespmem:$0xA80] =	vst v63  }
0x5b: {  	s30 =	simm.s32 $0x380;
	s6 =	simm.s32 $0x780  }
0x5c: {  	[tilespmem:s6], [sflag:$0x1] =	stream.indirect.gather [hbm4b:s14+s15], $0x1, s30, s15, $0xb8;
	[tilespmem:$0xA80] =	vst v63  }
0x5d: {  	s5 =	simm.s32 $0x800;
	s16 =	simm.s32 $0x1;
	s19 =	simm.s32 $0x400  }
0x5e: {  	[tilespmem:s5], [sflag:$0x1] =	stream.indirect.gather [hbm4b:s14+s15], $0x1, s19, s15, $0xb8;
	[tilespmem:$0xA80] =	vst v63  }
0x5f: {  	_ =	swait.ge [sflag:s16], $0x80  }
0x60: {  	[sflag:s16] =	ssyncset.done $0x0  }
0x61: {  	[sflag:s16] =	ssyncadd.s32 $0xFFFFFF80  }
0x62: {  	_ =	swait.ge [sflag:s16], $0x80  }
0x63: {  	[sflag:s16] =	ssyncset.done $0x0  }
0x64: {  	[sflag:s16] =	ssyncadd.s32 $0xFFFFFF80  }
0x65: {  	_ =	swait.ge [sflag:s16], $0x80  }
0x66: {  	[sflag:s16] =	ssyncset.done $0x0  }
0x67: {  	[sflag:s16] =	ssyncadd.s32 $0xFFFFFF80  }
0x68: {  	_ =	swait.ge [sflag:s16], $0x80  }
0x69: {  	[sflag:s16] =	ssyncset.done $0x0  }
0x6a: {  	[sflag:s16] =	ssyncadd.s32 $0xFFFFFF80  }
0x6b: {  	_ =	swait.ge [sflag:s16], $0x80  }
0x6c: {  	[sflag:s16] =	ssyncset.done $0x0  }
0x6d: {  	[sflag:s16] =	ssyncadd.s32 $0xFFFFFF80  }
0x6e: {  	_ =	swait.ge [sflag:s16], $0x80  }
0x6f: {  	[sflag:s16] =	ssyncset.done $0x0  }
0x70: {  	[sflag:s16] =	ssyncadd.s32 $0xFFFFFF80  }
0x71: {  	_ =	swait.ge [sflag:s16], $0x80  }
0x72: {  	[sflag:s16] =	ssyncset.done $0x0  }
0x73: {  	[sflag:s16] =	ssyncadd.s32 $0xFFFFFF80  }
0x74: {  	_ =	swait.ge [sflag:s16], $0x80  }
0x75: {  	s18 =	sshll.u32 s17, $0x7;
	[sflag:s16] =	ssyncset.done $0x0  }
0x76: {  	s13 =	sadd.s32 s13, s18;
	[sflag:s16] =	ssyncadd.s32 $0xFFFFFF80  }
0x77: {  	[hbm4b:s13+s2] =	stream.linear.scatter [tilespmem:s12], [sflag:$0x2], $0x80, $0x38;
	[tilespmem:$0xA80] =	vst v63  }
0x78: {  	_ =	swait.ge [sflag:s3], $0x80  }
0x79: {  	[sflag:s3] =	ssyncset.done $0x0  }
0x7a: {  	s18 =	sadd.s32 $0x10, s13;
	[sflag:s3] =	ssyncadd.s32 $0xFFFFFF80  }
0x7b: {  	[hbm4b:s18+s2] =	stream.linear.scatter [tilespmem:s11], [sflag:$0x2], $0x80, $0x38;
	[tilespmem:$0xA80] =	vst v63  }
0x7c: {  	_ =	swait.ge [sflag:s3], $0x80  }
0x7d: {  	[sflag:s3] =	ssyncset.done $0x0  }
0x7e: {  	s23 =	sadd.s32 $0x20, s13;
	[sflag:s3] =	ssyncadd.s32 $0xFFFFFF80  }
0x7f: {  	[hbm4b:s23+s2] =	stream.linear.scatter [tilespmem:s10], [sflag:$0x2], $0x80, $0x38;
	[tilespmem:$0xA80] =	vst v63  }
0x80: {  	_ =	swait.ge [sflag:s3], $0x80  }
0x81: {  	[sflag:s3] =	ssyncset.done $0x0  }
0x82: {  	s25 =	sadd.s32 $0x30, s13;
	[sflag:s3] =	ssyncadd.s32 $0xFFFFFF80  }
0x83: {  	[hbm4b:s25+s2] =	stream.linear.scatter [tilespmem:s9], [sflag:$0x2], $0x80, $0x38;
	[tilespmem:$0xA80] =	vst v63  }
0x84: {  	_ =	swait.ge [sflag:s3], $0x80  }
0x85: {  	[sflag:s3] =	ssyncset.done $0x0  }
0x86: {  	s26 =	sadd.s32 $0x40, s13;
	[sflag:s3] =	ssyncadd.s32 $0xFFFFFF80  }
0x87: {  	[hbm4b:s26+s2] =	stream.linear.scatter [tilespmem:s8], [sflag:$0x2], $0x80, $0x38;
	[tilespmem:$0xA80] =	vst v63  }
0x88: {  	_ =	swait.ge [sflag:s3], $0x80  }
0x89: {  	[sflag:s3] =	ssyncset.done $0x0  }
0x8a: {  	s29 =	sadd.s32 $0x50, s13;
	[sflag:s3] =	ssyncadd.s32 $0xFFFFFF80  }
0x8b: {  	[hbm4b:s29+s2] =	stream.linear.scatter [tilespmem:s7], [sflag:$0x2], $0x80, $0x38;
	[tilespmem:$0xA80] =	vst v63  }
0x8c: {  	_ =	swait.ge [sflag:s3], $0x80  }
0x8d: {  	[sflag:s3] =	ssyncset.done $0x0  }
0x8e: {  	s31 =	sadd.s32 $0x60, s13;
	[sflag:s3] =	ssyncadd.s32 $0xFFFFFF80  }
0x8f: {  	[hbm4b:s31+s2] =	stream.linear.scatter [tilespmem:s6], [sflag:$0x2], $0x80, $0x38;
	[tilespmem:$0xA80] =	vst v63  }
0x90: {  	_ =	swait.ge [sflag:s3], $0x80  }
0x91: {  	[sflag:s3] =	ssyncset.done $0x0  }
0x92: {  	s1 =	sadd.s32 $0x70, s13;
	[sflag:s3] =	ssyncadd.s32 $0xFFFFFF80  }
0x93: {  	[hbm4b:s1+s2] =	stream.linear.scatter [tilespmem:s5], [sflag:$0x2], $0x80, $0x38;
	[tilespmem:$0xA80] =	vst v63  }
0x94: {  	_ =	swait.ge [sflag:s3], $0x80  }
0x95: {  	[sflag:s3] =	ssyncset.done $0x0  }
0x96: {  	p0 =	sne.s32 s17, $0x0;
	[sflag:s3] =	ssyncadd.s32 $0xFFFFFF80  }
0x97: {  	[tilespmem:$0x880] =	vst @!p0 v7  }
0x98: {  	[tilespmem:$0x890] =	vst @!p0 v4  }
0x99: {  	[tilespmem:$0x8A0] =	vst @!p0 v5  }
0x9a: {  	[tilespmem:$0x8B0] =	vst @!p0 v6  }
0x9b: {  	[tilespmem:$0x8C0] =	vst @!p0 v3  }
0x9c: {  	[tilespmem:$0x8D0] =	vst @!p0 v0  }
0x9d: {  	[tilespmem:$0x8E0] =	vst @!p0 v1  }
0x9e: {  	[tilespmem:$0x8F0] =	vst @!p0 v2;
	v7 =	vadd.s32 @!p0 $0x24000, v7  }
0x9f: {  	v4 =	vadd.s32 @!p0 $0x24000, v4;
	[tilespmem:$0x900] =	vst @!p0 v7  }
0xa0: {  	v3 =	vadd.s32 @!p0 $0x24000, v3;
	[tilespmem:$0x910] =	vst @!p0 v4  }
0xa1: {  	v0 =	vadd.s32 @!p0 $0x24000, v0;
	[tilespmem:$0x940] =	vst @!p0 v3  }
0xa2: {  	v4 =	vadd.s32 @!p0 $0x24000, v5;
	[tilespmem:$0x950] =	vst @!p0 v0  }
0xa3: {  	v0 =	vadd.s32 @!p0 $0x24000, v1;
	[tilespmem:$0x920] =	vst @!p0 v4  }
0xa4: {  	v4 =	vadd.s32 @!p0 $0x24000, v6;
	[tilespmem:$0x960] =	vst @!p0 v0  }
0xa5: {  	s20 =	sadd.s32 $0x480C00, s0;
	v0 =	vadd.s32 @!p0 $0x24000, v2;
	[tilespmem:$0x930] =	vst @!p0 v4  }
0xa6: {  	s18 =	simm.s32 @!p0 $0x980;
	s23 =	simm.s32 @!p0 $0x80;
	s26 =	simm.s32 @!p0 $0x880;
	[tilespmem:$0x970] =	vst @!p0 v0  }
0xa7: {  	[tilespmem:s18], [sflag:$0x1] =	stream.indirect.gather @!p0 [hbm4b:s20+s23], $0x1, s26, s23, $0xb8;
	[tilespmem:$0xA80] =	vst v63  }
0xa8: {  	s25 =	simm.s32 @!p0 $0x1;
	s29 =	simm.s32 @!p0 $0x900;
	s31 =	simm.s32 @!p0 $0xA00  }
0xa9: {  	[tilespmem:s31], [sflag:$0x1] =	stream.indirect.gather @!p0 [hbm4b:s20+s23], $0x1, s29, s23, $0xb8;
	[tilespmem:$0xA80] =	vst v63  }
0xaa: {  	_ =	swait.ge @!p0 [sflag:s25], $0x80  }
0xab: {  	[sflag:s25] =	ssyncset.done @!p0 $0x0  }
0xac: {  	[sflag:s25] =	ssyncadd.s32 @!p0 $0xFFFFFF80  }
0xad: {  	_ =	swait.ge @!p0 [sflag:s25], $0x80  }
0xae: {  	[sflag:s25] =	ssyncset.done @!p0 $0x0  }
0xaf: {  	s17 =	simm.s32 @!p0 $0x0;
	s1 =	simm.s32 @!p0 $0x2;
	[sflag:s25] =	ssyncadd.s32 @!p0 $0xFFFFFF80  }
0xb0: {  	[hbm4b:s21+s17] =	stream.linear.scatter @!p0 [tilespmem:s18], [sflag:$0x2], $0x100, $0x38;
	[tilespmem:$0xA80] =	vst v63  }
0xb1: {  	_ =	swait.ge @!p0 [sflag:s1], $0x100  }
0xb2: {  	[sflag:s1] =	ssyncset.done @!p0 $0x0  }
0xb3: {  	s0 =	rddreg [dreg:$0x0]  }
0xb4: {  	[sflag:s1] =	ssyncadd.s32 @!p0 $0xFFFFFF00;
	s0 =	sadd.s32 $0x10, s0  }
0xb5: {  	[tilespmem:s2], [sflag:$0x2] =	stream.linear.gather [hbm4b:s0+s2], $0x80, $0x38;
	[tilespmem:$0xA80] =	vst v63  }
0xb6: {  	_ =	swait.ge [sflag:s3], $0x80  }
0xb7: {  	[sflag:s3] =	ssyncset.done $0x0  }
0xb8: {  	[sflag:s3] =	ssyncadd.s32 $0xFFFFFF80  }
0xb9: {  	v7 =	vld [tilespmem:$0x0]  }
0xba: {  	v6 =	vld [tilespmem:$0x10]  }
0xbb: {  	v3 =	vld [tilespmem:$0x20]  }
0xbc: {  	s0 =	sadd.s32 $0x1200000, s4;
	v0 =	vld [tilespmem:$0x30]  }
0xbd: {  	v47 =	vmov s0;
	v4 =	vld [tilespmem:$0x40]  }
0xbe: {  	v1 =	vld [tilespmem:$0x50];
	v48 =	vadd.s32 v47, v7  }
0xbf: {  	v2 =	vld [tilespmem:$0x60];
	v9 =	vadd.s32 v47, v6;
	[tilespmem:$0x80] =	vst v48  }
0xc0: {  	v5 =	vld [tilespmem:$0x70];
	v49 =	vadd.s32 v47, v3;
	[tilespmem:$0x90] =	vst v9  }
0xc1: {  	v50 =	vadd.s32 v47, v0;
	[tilespmem:$0xA0] =	vst v49  }
0xc2: {  	v51 =	vadd.s32 v47, v4;
	[tilespmem:$0xB0] =	vst v50  }
0xc3: {  	v52 =	vadd.s32 v47, v1;
	[tilespmem:$0xC0] =	vst v51  }
0xc4: {  	s0 =	sadd.s32 $0x1224000, s4;
	v53 =	vadd.s32 v47, v2;
	[tilespmem:$0xD0] =	vst v52  }
0xc5: {  	v10 =	vmov s0;
	v8 =	vadd.s32 v47, v5;
	[tilespmem:$0xE0] =	vst v53  }
0xc6: {  	v54 =	vadd.s32 v10, v7;
	[tilespmem:$0xF0] =	vst v8  }
0xc7: {  	v55 =	vadd.s32 v10, v6;
	[tilespmem:$0x100] =	vst v54  }
0xc8: {  	v56 =	vadd.s32 v10, v3;
	[tilespmem:$0x110] =	vst v55  }
0xc9: {  	v57 =	vadd.s32 v10, v0;
	[tilespmem:$0x120] =	vst v56  }
0xca: {  	v58 =	vadd.s32 v10, v4;
	[tilespmem:$0x130] =	vst v57  }
0xcb: {  	v59 =	vadd.s32 v10, v1;
	[tilespmem:$0x140] =	vst v58  }
0xcc: {  	s0 =	sadd.s32 $0x1248000, s4;
	v60 =	vadd.s32 v10, v2;
	[tilespmem:$0x150] =	vst v59  }
0xcd: {  	v61 =	vmov s0;
	v62 =	vadd.s32 v10, v5;
	[tilespmem:$0x160] =	vst v60  }
0xce: {  	v63 =	vadd.s32 v61, v7;
	[tilespmem:$0x170] =	vst v62  }
0xcf: {  	v12 =	vadd.s32 v61, v6;
	[tilespmem:$0x180] =	vst v63  }
0xd0: {  	v13 =	vadd.s32 v61, v3;
	[tilespmem:$0x190] =	vst v12  }
0xd1: {  	v14 =	vadd.s32 v61, v0;
	[tilespmem:$0x1A0] =	vst v13  }
0xd2: {  	v15 =	vadd.s32 v61, v4;
	[tilespmem:$0x1B0] =	vst v14  }
0xd3: {  	v16 =	vadd.s32 v61, v1;
	[tilespmem:$0x1C0] =	vst v15  }
0xd4: {  	s0 =	sadd.s32 $0x126C000, s4;
	v17 =	vadd.s32 v61, v2;
	[tilespmem:$0x1D0] =	vst v16  }
0xd5: {  	v18 =	vmov s0;
	v19 =	vadd.s32 v61, v5;
	[tilespmem:$0x1E0] =	vst v17  }
0xd6: {  	v20 =	vadd.s32 v18, v7;
	[tilespmem:$0x1F0] =	vst v19  }
0xd7: {  	v21 =	vadd.s32 v18, v6;
	[tilespmem:$0x200] =	vst v20  }
0xd8: {  	v22 =	vadd.s32 v18, v3;
	[tilespmem:$0x210] =	vst v21  }
0xd9: {  	v23 =	vadd.s32 v18, v0;
	[tilespmem:$0x220] =	vst v22  }
0xda: {  	v24 =	vadd.s32 v18, v4;
	[tilespmem:$0x230] =	vst v23  }
0xdb: {  	v25 =	vadd.s32 v18, v1;
	[tilespmem:$0x240] =	vst v24  }
0xdc: {  	s0 =	sadd.s32 $0x1290000, s4;
	v26 =	vadd.s32 v18, v2;
	[tilespmem:$0x250] =	vst v25  }
0xdd: {  	v27 =	vmov s0;
	v28 =	vadd.s32 v18, v5;
	[tilespmem:$0x260] =	vst v26  }
0xde: {  	v29 =	vadd.s32 v27, v7;
	[tilespmem:$0x270] =	vst v28  }
0xdf: {  	v30 =	vadd.s32 v27, v6;
	[tilespmem:$0x280] =	vst v29  }
0xe0: {  	v31 =	vadd.s32 v27, v3;
	[tilespmem:$0x290] =	vst v30  }
0xe1: {  	v32 =	vadd.s32 v27, v0;
	[tilespmem:$0x2A0] =	vst v31  }
0xe2: {  	v33 =	vadd.s32 v27, v4;
	[tilespmem:$0x2B0] =	vst v32  }
0xe3: {  	v34 =	vadd.s32 v27, v1;
	[tilespmem:$0x2C0] =	vst v33  }
0xe4: {  	s0 =	sadd.s32 $0x12B4000, s4;
	v35 =	vadd.s32 v27, v2;
	[tilespmem:$0x2D0] =	vst v34  }
0xe5: {  	v36 =	vmov s0;
	v37 =	vadd.s32 v27, v5;
	[tilespmem:$0x2E0] =	vst v35  }
0xe6: {  	v38 =	vadd.s32 v36, v7;
	[tilespmem:$0x2F0] =	vst v37  }
0xe7: {  	v39 =	vadd.s32 v36, v6;
	[tilespmem:$0x300] =	vst v38  }
0xe8: {  	v40 =	vadd.s32 v36, v3;
	[tilespmem:$0x310] =	vst v39  }
0xe9: {  	v41 =	vadd.s32 v36, v0;
	[tilespmem:$0x320] =	vst v40  }
0xea: {  	v42 =	vadd.s32 v36, v4;
	[tilespmem:$0x330] =	vst v41  }
0xeb: {  	v43 =	vadd.s32 v36, v1;
	[tilespmem:$0x340] =	vst v42  }
0xec: {  	s0 =	sadd.s32 $0x12D8000, s4;
	v44 =	vadd.s32 v36, v2;
	[tilespmem:$0x350] =	vst v43  }
0xed: {  	v45 =	vmov s0;
	v46 =	vadd.s32 v36, v5;
	[tilespmem:$0x360] =	vst v44  }
0xee: {  	v47 =	vadd.s32 v45, v7;
	[tilespmem:$0x370] =	vst v46  }
0xef: {  	[tilespmem:$0x380] =	vst v47;
	v48 =	vadd.s32 v45, v6  }
0xf0: {  	v49 =	vadd.s32 v45, v3;
	[tilespmem:$0x390] =	vst v48  }
0xf1: {  	v50 =	vadd.s32 v45, v0;
	[tilespmem:$0x3A0] =	vst v49  }
0xf2: {  	v51 =	vadd.s32 v45, v4;
	[tilespmem:$0x3B0] =	vst v50  }
0xf3: {  	v52 =	vadd.s32 v45, v1;
	[tilespmem:$0x3C0] =	vst v51  }
0xf4: {  	s4 =	sadd.s32 $0x12FC000, s4;
	v53 =	vadd.s32 v45, v2;
	[tilespmem:$0x3D0] =	vst v52  }
0xf5: {  	v54 =	vmov s4;
	v55 =	vadd.s32 v45, v5;
	[tilespmem:$0x3E0] =	vst v53  }
0xf6: {  	[tilespmem:$0x3F0] =	vst v55;
	v56 =	vadd.s32 v54, v7  }
0xf7: {  	v57 =	vadd.s32 v54, v6;
	[tilespmem:$0x400] =	vst v56  }
0xf8: {  	v58 =	vadd.s32 v54, v3;
	[tilespmem:$0x410] =	vst v57  }
0xf9: {  	v59 =	vadd.s32 v54, v0;
	[tilespmem:$0x420] =	vst v58  }
0xfa: {  	v60 =	vadd.s32 v54, v4;
	[tilespmem:$0x430] =	vst v59  }
0xfb: {  	v61 =	vadd.s32 v54, v1;
	[tilespmem:$0x440] =	vst v60  }
0xfc: {  	v62 =	vadd.s32 v54, v2;
	[tilespmem:$0x450] =	vst v61  }
0xfd: {  	v63 =	vadd.s32 v54, v5;
	[tilespmem:$0x460] =	vst v62  }
0xfe: {  	[tilespmem:$0x470] =	vst v63  }
0xff: {  	[tilespmem:s12], [sflag:$0x1] =	stream.indirect.gather [hbm4b:s14+s15], $0x1, s15, s15, $0xb8;
	[tilespmem:$0xA80] =	vst v63  }
0x100: {  	s4 =	simm.s32 $0x100  }
0x101: {  	[tilespmem:s11], [sflag:$0x1] =	stream.indirect.gather [hbm4b:s14+s15], $0x1, s4, s15, $0xb8;
	[tilespmem:$0xA80] =	vst v63  }
0x102: {  	s4 =	simm.s32 $0x180  }
0x103: {  	[tilespmem:s10], [sflag:$0x1] =	stream.indirect.gather [hbm4b:s14+s15], $0x1, s4, s15, $0xb8;
	[tilespmem:$0xA80] =	vst v63  }
0x104: {  	_ = 	snop  }
0x105: {  	[tilespmem:s9], [sflag:$0x1] =	stream.indirect.gather [hbm4b:s14+s15], $0x1, s22, s15, $0xb8;
	[tilespmem:$0xA80] =	vst v63  }
0x106: {  	_ = 	snop  }
0x107: {  	[tilespmem:s8], [sflag:$0x1] =	stream.indirect.gather [hbm4b:s14+s15], $0x1, s24, s15, $0xb8;
	[tilespmem:$0xA80] =	vst v63  }
0x108: {  	_ = 	snop  }
0x109: {  	[tilespmem:s7], [sflag:$0x1] =	stream.indirect.gather [hbm4b:s14+s15], $0x1, s28, s15, $0xb8;
	[tilespmem:$0xA80] =	vst v63  }
0x10a: {  	_ = 	snop  }
0x10b: {  	[tilespmem:s6], [sflag:$0x1] =	stream.indirect.gather [hbm4b:s14+s15], $0x1, s30, s15, $0xb8;
	[tilespmem:$0xA80] =	vst v63  }
0x10c: {  	_ = 	snop  }
0x10d: {  	[tilespmem:s5], [sflag:$0x1] =	stream.indirect.gather [hbm4b:s14+s15], $0x1, s19, s15, $0xb8;
	[tilespmem:$0xA80] =	vst v63  }
0x10e: {  	_ =	swait.ge [sflag:s16], $0x80  }
0x10f: {  	[sflag:s16] =	ssyncset.done $0x0  }
0x110: {  	[sflag:s16] =	ssyncadd.s32 $0xFFFFFF80  }
0x111: {  	_ =	swait.ge [sflag:s16], $0x80  }
0x112: {  	[sflag:s16] =	ssyncset.done $0x0  }
0x113: {  	[sflag:s16] =	ssyncadd.s32 $0xFFFFFF80  }
0x114: {  	_ =	swait.ge [sflag:s16], $0x80  }
0x115: {  	[sflag:s16] =	ssyncset.done $0x0  }
0x116: {  	[sflag:s16] =	ssyncadd.s32 $0xFFFFFF80  }
0x117: {  	_ =	swait.ge [sflag:s16], $0x80  }
0x118: {  	[sflag:s16] =	ssyncset.done $0x0  }
0x119: {  	[sflag:s16] =	ssyncadd.s32 $0xFFFFFF80  }
0x11a: {  	_ =	swait.ge [sflag:s16], $0x80  }
0x11b: {  	[sflag:s16] =	ssyncset.done $0x0  }
0x11c: {  	[sflag:s16] =	ssyncadd.s32 $0xFFFFFF80  }
0x11d: {  	_ =	swait.ge [sflag:s16], $0x80  }
0x11e: {  	[sflag:s16] =	ssyncset.done $0x0  }
0x11f: {  	[sflag:s16] =	ssyncadd.s32 $0xFFFFFF80  }
0x120: {  	_ =	swait.ge [sflag:s16], $0x80  }
0x121: {  	[sflag:s16] =	ssyncset.done $0x0  }
0x122: {  	[sflag:s16] =	ssyncadd.s32 $0xFFFFFF80  }
0x123: {  	_ =	swait.ge [sflag:s16], $0x80  }
0x124: {  	[sflag:s16] =	ssyncset.done $0x0  }
0x125: {  	s14 =	sadd.s32 $0x800, s13;
	[sflag:s16] =	ssyncadd.s32 $0xFFFFFF80  }
0x126: {  	[hbm4b:s14+s2] =	stream.linear.scatter [tilespmem:s12], [sflag:$0x2], $0x80, $0x38;
	[tilespmem:$0xA80] =	vst v63  }
0x127: {  	_ =	swait.ge [sflag:s3], $0x80  }
0x128: {  	[sflag:s3] =	ssyncset.done $0x0  }
0x129: {  	s15 =	sadd.s32 $0x810, s13;
	[sflag:s3] =	ssyncadd.s32 $0xFFFFFF80  }
0x12a: {  	[hbm4b:s15+s2] =	stream.linear.scatter [tilespmem:s11], [sflag:$0x2], $0x80, $0x38;
	[tilespmem:$0xA80] =	vst v63  }
0x12b: {  	_ =	swait.ge [sflag:s3], $0x80  }
0x12c: {  	[sflag:s3] =	ssyncset.done $0x0  }
0x12d: {  	s16 =	sadd.s32 $0x820, s13;
	[sflag:s3] =	ssyncadd.s32 $0xFFFFFF80  }
0x12e: {  	[hbm4b:s16+s2] =	stream.linear.scatter [tilespmem:s10], [sflag:$0x2], $0x80, $0x38;
	[tilespmem:$0xA80] =	vst v63  }
0x12f: {  	_ =	swait.ge [sflag:s3], $0x80  }
0x130: {  	[sflag:s3] =	ssyncset.done $0x0  }
0x131: {  	s19 =	sadd.s32 $0x830, s13;
	[sflag:s3] =	ssyncadd.s32 $0xFFFFFF80  }
0x132: {  	[hbm4b:s19+s2] =	stream.linear.scatter [tilespmem:s9], [sflag:$0x2], $0x80, $0x38;
	[tilespmem:$0xA80] =	vst v63  }
0x133: {  	_ =	swait.ge [sflag:s3], $0x80  }
0x134: {  	[sflag:s3] =	ssyncset.done $0x0  }
0x135: {  	s22 =	sadd.s32 $0x840, s13;
	[sflag:s3] =	ssyncadd.s32 $0xFFFFFF80  }
0x136: {  	[hbm4b:s22+s2] =	stream.linear.scatter [tilespmem:s8], [sflag:$0x2], $0x80, $0x38;
	[tilespmem:$0xA80] =	vst v63  }
0x137: {  	_ =	swait.ge [sflag:s3], $0x80  }
0x138: {  	[sflag:s3] =	ssyncset.done $0x0  }
0x139: {  	s24 =	sadd.s32 $0x850, s13;
	[sflag:s3] =	ssyncadd.s32 $0xFFFFFF80  }
0x13a: {  	[hbm4b:s24+s2] =	stream.linear.scatter [tilespmem:s7], [sflag:$0x2], $0x80, $0x38;
	[tilespmem:$0xA80] =	vst v63  }
0x13b: {  	_ =	swait.ge [sflag:s3], $0x80  }
0x13c: {  	[sflag:s3] =	ssyncset.done $0x0  }
0x13d: {  	s28 =	sadd.s32 $0x860, s13;
	[sflag:s3] =	ssyncadd.s32 $0xFFFFFF80  }
0x13e: {  	[hbm4b:s28+s2] =	stream.linear.scatter [tilespmem:s6], [sflag:$0x2], $0x80, $0x38;
	[tilespmem:$0xA80] =	vst v63  }
0x13f: {  	_ =	swait.ge [sflag:s3], $0x80  }
0x140: {  	[sflag:s3] =	ssyncset.done $0x0  }
0x141: {  	s30 =	sadd.s32 $0x870, s13;
	[sflag:s3] =	ssyncadd.s32 $0xFFFFFF80  }
0x142: {  	[hbm4b:s30+s2] =	stream.linear.scatter [tilespmem:s5], [sflag:$0x2], $0x80, $0x38;
	[tilespmem:$0xA80] =	vst v63  }
0x143: {  	_ =	swait.ge [sflag:s3], $0x80  }
0x144: {  	[sflag:s3] =	ssyncset.done $0x0  }
0x145: {  	[sflag:s3] =	ssyncadd.s32 $0xFFFFFF80  }
0x146: {  	_ =	sfence.sel @p0 $0x180000  }
0x147: {  	[bflag:$0x0] =	sbarrier.arrive @p0 $0xFFFF  }
0x148: {  	_ =	strace @p0 $0x90000047  }
0x149: {  	v8 =	vadd.s32 @!p0 $0x90000, v7;
	[bflag:$0x2] =	sbarrier.arrive @p0 $0xFFFF  }
0x14a: {  	v7 =	vadd.s32 @!p0 $0xB4000, v7;
	[tilespmem:$0x880] =	vst @!p0 v8  }
0x14b: {  	v8 =	vadd.s32 @!p0 $0x90000, v6;
	[tilespmem:$0x900] =	vst @!p0 v7  }
0x14c: {  	v6 =	vadd.s32 @!p0 $0xB4000, v6;
	[tilespmem:$0x890] =	vst @!p0 v8  }
0x14d: {  	v8 =	vadd.s32 @!p0 $0x90000, v3;
	[tilespmem:$0x910] =	vst @!p0 v6  }
0x14e: {  	v3 =	vadd.s32 @!p0 $0xB4000, v3;
	[tilespmem:$0x8A0] =	vst @!p0 v8  }
0x14f: {  	v8 =	vadd.s32 @!p0 $0x90000, v0;
	[tilespmem:$0x920] =	vst @!p0 v3  }
0x150: {  	v0 =	vadd.s32 @!p0 $0xB4000, v0;
	[tilespmem:$0x8B0] =	vst @!p0 v8  }
0x151: {  	v8 =	vadd.s32 @!p0 $0x90000, v4;
	[tilespmem:$0x930] =	vst @!p0 v0  }
0x152: {  	v0 =	vadd.s32 @!p0 $0xB4000, v4;
	[tilespmem:$0x8C0] =	vst @!p0 v8  }
0x153: {  	v8 =	vadd.s32 @!p0 $0x90000, v1;
	[tilespmem:$0x940] =	vst @!p0 v0  }
0x154: {  	v0 =	vadd.s32 @!p0 $0xB4000, v1;
	[tilespmem:$0x8D0] =	vst @!p0 v8  }
0x155: {  	v8 =	vadd.s32 @!p0 $0x90000, v2;
	[tilespmem:$0x950] =	vst @!p0 v0  }
0x156: {  	v0 =	vadd.s32 @!p0 $0xB4000, v2;
	[tilespmem:$0x8E0] =	vst @!p0 v8  }
0x157: {  	v8 =	vadd.s32 @!p0 $0x90000, v5;
	[tilespmem:$0x960] =	vst @!p0 v0  }
0x158: {  	v0 =	vadd.s32 @!p0 $0xB4000, v5;
	[tilespmem:$0x8F0] =	vst @!p0 v8  }
0x159: {  	[tilespmem:$0x970] =	vst @!p0 v0  }
0x15a: {  	[tilespmem:s18], [sflag:$0x1] =	stream.indirect.gather @!p0 [hbm4b:s20+s23], $0x1, s26, s23, $0xb8;
	[tilespmem:$0xA80] =	vst v63  }
0x15b: {  	_ = 	snop  }
0x15c: {  	[tilespmem:s31], [sflag:$0x1] =	stream.indirect.gather @!p0 [hbm4b:s20+s23], $0x1, s29, s23, $0xb8;
	[tilespmem:$0xA80] =	vst v63  }
0x15d: {  	_ =	swait.ge @!p0 [sflag:s25], $0x80  }
0x15e: {  	[sflag:s25] =	ssyncset.done @!p0 $0x0  }
0x15f: {  	[sflag:s25] =	ssyncadd.s32 @!p0 $0xFFFFFF80  }
0x160: {  	_ =	swait.ge @!p0 [sflag:s25], $0x80  }
0x161: {  	[sflag:s25] =	ssyncset.done @!p0 $0x0  }
0x162: {  	s0 =	sadd.s32 $0x20, s21;
	[sflag:s25] =	ssyncadd.s32 @!p0 $0xFFFFFF80  }
0x163: {  	[hbm4b:s0+s17] =	stream.linear.scatter @!p0 [tilespmem:s18], [sflag:$0x2], $0x100, $0x38;
	[tilespmem:$0xA80] =	vst v63  }
0x164: {  	_ =	swait.ge @!p0 [sflag:s1], $0x100  }
0x165: {  	[sflag:s1] =	ssyncset.done @!p0 $0x0  }
0x166: {  	[sflag:s1] =	ssyncadd.s32 @!p0 $0xFFFFFF00  }
0x167: {  	_ =	sfence.sel @!p0 $0x180000  }
0x168: {  	[bflag:$0x0] =	sbarrier.arrive @!p0 $0xFFFF  }
0x169: {  	_ =	strace @!p0 $0x90000047  }
0x16a: {  	[bflag:$0x2] =	sbarrier.arrive @!p0 $0xFFFF  }
0x16b: {  	s0 =	rddreg [dreg:$0x4]  }
0x16c: {  	s0 =	sadd.s32 @!p0 $0x100000, s0  }
0x16d: {  	[sflag:s0] =	ssyncadd.tile.s32 @!p0 $0x1;
	_ =	shalt  }
.Lfunc_end2:
_tile_overlayer_lowered:
.L_overlay_start_2:
0x16e: {  	(tag) =	ssettag $0x2  }
0x16f: {  	s0 =	rddreg [dreg:$0x0];
	s2 =	stileid.u32  }
0x170: {  	s1 =	rddreg [dreg:$0x1];
	p0 =	sne.s32 s2, $0x0  }
0x171: {  	s3 =	rddreg [dreg:$0x2];
	[bflag:$0x3] =	sbarrier.arrive $0xFFFF;
	s2 =	simm.s32 @!p0 $0x1C02  }
0x172: {  	[timem:s3], [sflag:s2] =	dma.local @!p0 [hbm:s0], s1  }
0x173: {  	s0 =	simm.s32 @!p0 $0x2  }
0x174: {  	_ =	swait.ge @!p0 [sflag:s0], s1  }
0x175: {  	s1 =	ssub.s32 @!p0 $0x0, s1;
	[sflag:s0] =	ssyncset.done @!p0 $0x0  }
0x176: {  	[sflag:s0] =	ssyncadd.s32 @!p0 s1  }
0x177: {  	[bflag:$0x3] =	sbarrier.arrive $0xFFFF  }
0x178: {  	_ =	shalt  }

</sc_bundles>
